<compile_context>
chip_gen: v7x
topology: tpu7x:2x2x1
jax: 0.10.2.dev20260603
libtpu: 0.0.44.dev20260713+nightly
codegen_flags: <defaults>
</compile_context>

<pallas_src>
import jax
import jax.numpy as jnp
from jax import lax
from jax.experimental import pallas as pl
from jax.experimental.pallas import tpu as pltpu
from jax.experimental.pallas import tpu_sc as plsc

_N = 10000
_E = 640000
_D_IN = 128
_DH = 64
_NCLS = 2

_NC = 2
_NS = 16
_CH = 128
_NCHUNK = _E // _CH
_CPT = 156
_NP = 10240
_RPT = _NP // _NS
_NBUF = 4

_mesh = plsc.VectorSubcoreMesh(core_axis_name="c", subcore_axis_name="s")


def _make_agg(with_deg):
    out_type = [jax.ShapeDtypeStruct((_NC, _NP, _DH), jnp.float32)]
    scratch = [
        pltpu.VMEM((_CPT + 1, _CH), jnp.int32),
        pltpu.VMEM((_CPT + 1, _CH), jnp.int32),
    ] + [pltpu.VMEM((_CH, _DH), jnp.float32)] * _NBUF + [
        pltpu.VMEM_SHARED((_NP, _DH), jnp.float32),
    ] + [pltpu.SemaphoreType.DMA] * (2 * _NBUF)
    if with_deg:
        out_type.append(jax.ShapeDtypeStruct((_NC, _NP, 16), jnp.float32))
        scratch += [
            pltpu.VMEM((_CH, 16), jnp.float32),
            pltpu.VMEM_SHARED((_NP, 16), jnp.float32),
        ]

    def body(z_hbm, src_hbm, dst_hbm, zeros_hbm, *rest):
        if with_deg:
            (ones_hbm, zeros16_hbm, out_hbm, deg_out_hbm,
             idx_s, idx_d, *bufs) = rest
            rows = bufs[:_NBUF]
            agg_sh = bufs[_NBUF]
            sem_g = bufs[_NBUF + 1:_NBUF + 1 + _NBUF]
            sem_s = bufs[_NBUF + 1 + _NBUF:_NBUF + 1 + 2 * _NBUF]
            ones_v, deg_sh = bufs[-2:]
        else:
            out_hbm, idx_s, idx_d, *bufs = rest
            rows = bufs[:_NBUF]
            agg_sh = bufs[_NBUF]
            sem_g = bufs[_NBUF + 1:_NBUF + 1 + _NBUF]
            sem_s = bufs[_NBUF + 1 + _NBUF:]
        cid = lax.axis_index("c")
        sid = lax.axis_index("s")
        r0 = sid * _RPT
        pltpu.sync_copy(zeros_hbm.at[pl.ds(r0, _RPT)],
                        agg_sh.at[pl.ds(r0, _RPT)])
        tid = cid * _NS + sid
        base = _CPT * tid + jnp.maximum(tid - 24, 0)
        pltpu.sync_copy(src_hbm.at[pl.ds(base, _CPT + 1)], idx_s)
        pltpu.sync_copy(dst_hbm.at[pl.ds(base, _CPT + 1)], idx_d)
        if with_deg:
            pltpu.sync_copy(zeros16_hbm.at[pl.ds(r0, _RPT)],
                            deg_sh.at[pl.ds(r0, _RPT)])
            pltpu.sync_copy(ones_hbm, ones_v)
        plsc.subcore_barrier()

        def gather(i, b):
            pltpu.async_copy(z_hbm.at[idx_s.at[i]], rows[b], sem_g[b])

        def wait_gather(i, b):
            pltpu.make_async_copy(z_hbm.at[idx_s.at[i]], rows[b],
                                  sem_g[b]).wait()

        def scatter(i, b):
            pltpu.async_copy(rows[b], agg_sh.at[idx_d.at[i]], sem_s[b],
                             add=True)

        def wait_scatter(i, b):
            pltpu.make_async_copy(rows[b], agg_sh.at[idx_d.at[i]],
                                  sem_s[b]).wait()

        gather(0, 0)
        gather(1, 1)

        def loop_body(j, carry):
            i0 = _NBUF * j
            for b in range(_NBUF):
                i = i0 + b

                @pl.when(i >= 2)
                def _():
                    wait_scatter(i - 2, (b - 2) % _NBUF)

                @pl.when(i + 2 < _CPT)
                def _():
                    gather(i + 2, (b + 2) % _NBUF)

                wait_gather(i, b)
                if with_deg:
                    pltpu.sync_copy(ones_v, deg_sh.at[idx_d.at[i]],
                                    add=True)
                scatter(i, b)
            return carry

        lax.fori_loop(0, _CPT // _NBUF, loop_body, 0)
        wait_scatter(_CPT - 2, (_CPT - 2) % _NBUF)
        wait_scatter(_CPT - 1, (_CPT - 1) % _NBUF)

        @pl.when(tid >= 24)
        def _():
            gather(_CPT, 0)
            wait_gather(_CPT, 0)
            if with_deg:
                pltpu.sync_copy(ones_v, deg_sh.at[idx_d.at[_CPT]],
                                add=True)
            scatter(_CPT, 0)
            wait_scatter(_CPT, 0)

        plsc.subcore_barrier()
        pltpu.sync_copy(agg_sh.at[pl.ds(r0, _RPT)],
                        out_hbm.at[cid, pl.ds(r0, _RPT)])
        if with_deg:
            pltpu.sync_copy(deg_sh.at[pl.ds(r0, _RPT)],
                            deg_out_hbm.at[cid, pl.ds(r0, _RPT)])

    return pl.kernel(
        body,
        out_type=tuple(out_type),
        mesh=_mesh,
        compiler_params=pltpu.CompilerParams(use_tc_tiling_on_sc=False),
        scratch_types=scratch,
    )


_agg_deg_kernel = _make_agg(True)
_agg_kernel = _make_agg(False)


def _proj_body(x_ref, wn_ref, ws_ref, zs_ref):
    x = x_ref[...]
    zs_ref[:, 0:_DH] = jnp.dot(x, wn_ref[...],
                               preferred_element_type=jnp.float32)
    zs_ref[:, _DH:2 * _DH] = jnp.dot(x, ws_ref[...],
                                     preferred_element_type=jnp.float32)


_proj = pl.pallas_call(
    _proj_body,
    out_shape=jax.ShapeDtypeStruct((_N, 2 * _DH), jnp.float32),
)


def _fuse_body(zs_ref, p_ref, deg_ref, b_ref, wn_ref, ws_ref, zs2_ref):
    deg = deg_ref[0, 0:_N, 0:1] + deg_ref[1, 0:_N, 0:1]
    inv = 1.0 / jnp.maximum(deg, 1.0)
    s = zs_ref[:, _DH:2 * _DH]
    h = s + (p_ref[0, 0:_N] + p_ref[1, 0:_N]) * inv + b_ref[...]
    h = jnp.maximum(h, 0.0)
    zs2_ref[:, 0:_DH] = jnp.dot(h, wn_ref[...],
                                preferred_element_type=jnp.float32)
    zs2_ref[:, _DH:2 * _DH] = jnp.dot(h, ws_ref[...],
                                      preferred_element_type=jnp.float32)


_fuse = pl.pallas_call(
    _fuse_body,
    out_shape=jax.ShapeDtypeStruct((_N, 2 * _DH), jnp.float32),
)


def _final_body(zs_ref, p_ref, deg_ref, b_ref, wc_ref, bc_ref,
                out_ref, feat_ref, h_ref):
    deg = deg_ref[0, 0:_N, 0:1] + deg_ref[1, 0:_N, 0:1]
    inv = 1.0 / jnp.maximum(deg, 1.0)
    s = zs_ref[:, _DH:2 * _DH]
    h = s + (p_ref[0, 0:_N] + p_ref[1, 0:_N]) * inv + b_ref[...]
    h_ref[...] = h
    feat = jnp.sum(h, axis=0, keepdims=True) * (1.0 / _N)
    feat_ref[...] = feat
    out_ref[...] = jnp.dot(feat, wc_ref[...],
                           preferred_element_type=jnp.float32) + bc_ref[...]


_final = pl.pallas_call(
    _final_body,
    out_shape=(
        jax.ShapeDtypeStruct((1, _NCLS), jnp.float32),
        jax.ShapeDtypeStruct((1, _DH), jnp.float32),
        jax.ShapeDtypeStruct((_N, _DH), jnp.float32),
    ),
)

def kernel(x, edge_index, W_self1, W_neigh1, b1, W_self2, W_neigh2, b2,
           W_self3, W_neigh3, b3, W_cls, b_cls):
    ei = edge_index.astype(jnp.int32)
    src2d = (ei[0] * 2).reshape(_NCHUNK, _CH)
    dst2d = ei[1].reshape(_NCHUNK, _CH)
    zeros64 = jnp.zeros((_NP, _DH), jnp.float32)
    zeros16 = jnp.zeros((_NP, 16), jnp.float32)
    ones16 = jnp.ones((_CH, 16), jnp.float32)

    zs1 = _proj(x, W_neigh1, W_self1)
    p1, deg16 = _agg_deg_kernel(zs1.reshape(2 * _N, _DH), src2d, dst2d,
                                zeros64, ones16, zeros16)
    zs2 = _fuse(zs1, p1, deg16, b1.reshape(1, _DH), W_neigh2, W_self2)
    p2, = _agg_kernel(zs2.reshape(2 * _N, _DH), src2d, dst2d, zeros64)
    zs3 = _fuse(zs2, p2, deg16, b2.reshape(1, _DH), W_neigh3, W_self3)
    p3, = _agg_kernel(zs3.reshape(2 * _N, _DH), src2d, dst2d, zeros64)
    out, feat, h = _final(zs3, p3, deg16, b3.reshape(1, _DH),
                          W_cls, b_cls.reshape(1, _NCLS))
    return (out, feat, h)

# --- scband reference (transcript-rebuilt; emitter-appended) ---
"""Pipeline reference for scband-sage-43782896615725 (READ-ONLY COPY).

The authoritative reference and input builder live on the scoring server;
editing this copy changes nothing except your own understanding.
"""

import jax, jax.numpy as jnp
import numpy as np

N = 10000
E = 640000
D_IN = 128
D_H = 64
N_CLS = 2


def setup_inputs(seed: int = 0) -> dict:
    key = jax.random.key(seed)
    ks = jax.random.split(key, 16)
    x = jax.random.normal(ks[0], (N, D_IN), dtype=jnp.float32)
    edge_index = jax.random.randint(ks[1], (2, E), 0, N)
    def lin(k, fi, fo):
        return jax.random.normal(k, (fi, fo), dtype=jnp.float32) * (1.0 / np.sqrt(fi))
    W_self1 = lin(ks[2], D_IN, D_H); W_neigh1 = lin(ks[3], D_IN, D_H); b1 = jnp.zeros((D_H,), jnp.float32)
    W_self2 = lin(ks[4], D_H, D_H); W_neigh2 = lin(ks[5], D_H, D_H); b2 = jnp.zeros((D_H,), jnp.float32)
    W_self3 = lin(ks[6], D_H, D_H); W_neigh3 = lin(ks[7], D_H, D_H); b3 = jnp.zeros((D_H,), jnp.float32)
    W_cls = lin(ks[8], D_H, N_CLS); b_cls = jnp.zeros((N_CLS,), jnp.float32)
    return {"x": x, "edge_index": edge_index,
            "W_self1": W_self1, "W_neigh1": W_neigh1, "b1": b1,
            "W_self2": W_self2, "W_neigh2": W_neigh2, "b2": b2,
            "W_self3": W_self3, "W_neigh3": W_neigh3, "b3": b3,
            "W_cls": W_cls, "b_cls": b_cls}


def _sage_conv(h, edge_index, W_self, W_neigh, b):
    # DGL SAGEConv with 'mean' aggregator: fc_self(h) + fc_neigh(mean_{src->dst} h_src) + bias
    src = edge_index[0]
    dst = edge_index[1]
    msg = jnp.take(h, src, axis=0)
    agg = jax.ops.segment_sum(msg, dst, num_segments=N)
    deg = jax.ops.segment_sum(jnp.ones((msg.shape[0],), dtype=h.dtype), dst, num_segments=N)
    h_neigh = agg / jnp.clip(deg, 1.0)[:, None]
    return h @ W_self + h_neigh @ W_neigh + b


def reference(x, edge_index, W_self1, W_neigh1, b1, W_self2, W_neigh2, b2,
              W_self3, W_neigh3, b3, W_cls, b_cls):
    h = _sage_conv(x, edge_index, W_self1, W_neigh1, b1)
    h = jax.nn.relu(h)  # dropout is identity at inference
    h = _sage_conv(h, edge_index, W_self2, W_neigh2, b2)
    h = jax.nn.relu(h)
    h = _sage_conv(h, edge_index, W_self3, W_neigh3, b3)
    # dgl.mean_nodes over a single graph -> [1, D_H]
    out_feat = jnp.mean(h, axis=0, keepdims=True)
    out = out_feat @ W_cls + b_cls
    return (out, out_feat, h)

if __name__ == "__main__":
    import jax
    _d = setup_inputs()
    print(jax.jit(kernel)(*tuple(_d.values())))

</pallas_src>

<mosaic_0001>
#map = affine_map<(d0, d1) -> (0, 0)>
#map1 = affine_map<(d0, d1) -> (0, 0, 0)>
module attributes {stable_mosaic.version = 14 : i64} {
  func.func @body(%arg0: i32, %arg1: i32, %arg2: memref<20000x64xf32, #tpu.memory_space<hbm>>, %arg3: memref<5000x128xi32, #tpu.memory_space<hbm>>, %arg4: memref<5000x128xi32, #tpu.memory_space<hbm>>, %arg5: memref<10240x64xf32, #tpu.memory_space<hbm>>, %arg6: memref<2x10240x64xf32, #tpu.memory_space<hbm>>, %arg7: memref<157x128xi32, #tpu.memory_space<vmem>>, %arg8: memref<157x128xi32, #tpu.memory_space<vmem>>, %arg9: memref<128x64xf32, #tpu.memory_space<vmem>>, %arg10: memref<128x64xf32, #tpu.memory_space<vmem>>, %arg11: memref<128x64xf32, #tpu.memory_space<vmem>>, %arg12: memref<128x64xf32, #tpu.memory_space<vmem>>, %arg13: memref<10240x64xf32, #tpu.memory_space<vmem_shared>>, %arg14: memref<!tpu.dma_semaphore, #tpu.memory_space<semaphore_mem>>, %arg15: memref<!tpu.dma_semaphore, #tpu.memory_space<semaphore_mem>>, %arg16: memref<!tpu.dma_semaphore, #tpu.memory_space<semaphore_mem>>, %arg17: memref<!tpu.dma_semaphore, #tpu.memory_space<semaphore_mem>>, %arg18: memref<!tpu.dma_semaphore, #tpu.memory_space<semaphore_mem>>, %arg19: memref<!tpu.dma_semaphore, #tpu.memory_space<semaphore_mem>>, %arg20: memref<!tpu.dma_semaphore, #tpu.memory_space<semaphore_mem>>, %arg21: memref<!tpu.dma_semaphore, #tpu.memory_space<semaphore_mem>>) attributes {dimension_semantics = [#tpu.dimension_semantics<core_parallel>, #tpu.dimension_semantics<subcore_parallel>], iteration_bounds = array<i64: 2, 16>, scalar_prefetch = 0 : i64, scratch_operands = 15 : i64, tpu.core_type = #tpu.core_type<sc_vector_subcore>, window_params = [{transform_indices = #map}, {transform_indices = #map}, {transform_indices = #map}, {transform_indices = #map}, {transform_indices = #map1}]} {
    %mul3A = arith.constant 640 : i32
    %mul3A_0 = arith.muli %arg1, %mul3A : i32
    "tpu.region"() ({
      %run_scoped3A = tpu.sem_alloc : memref<!tpu.dma_semaphore, #tpu.memory_space<semaphore_mem>>
      %dma_start3A_42 = arith.constant 0 : i32
      %dma_start3A_43 = tpu.memref_slice %arg13[%mul3A_0, %dma_start3A_42] : memref<10240x64xf32, #tpu.memory_space<vmem_shared>> -> memref<640x64xf32, #tpu.memory_space<vmem_shared>>
      %dma_start3A_44 = arith.constant 0 : i32
      %dma_start3A_45 = tpu.memref_slice %arg5[%mul3A_0, %dma_start3A_44] : memref<10240x64xf32, #tpu.memory_space<hbm>> -> memref<640x64xf32, #tpu.memory_space<hbm>>
      tpu.enqueue_dma source(%dma_start3A_45 : memref<640x64xf32, #tpu.memory_space<hbm>>) target(%dma_start3A_43 : memref<640x64xf32, #tpu.memory_space<vmem_shared>>) target_semaphore(%run_scoped3A : memref<!tpu.dma_semaphore, #tpu.memory_space<semaphore_mem>>)
      %dma_wait3A_46 = arith.constant 0 : i32
      %dma_wait3A_47 = tpu.memref_slice %arg13[%mul3A_0, %dma_wait3A_46] : memref<10240x64xf32, #tpu.memory_space<vmem_shared>> -> memref<640x64xf32, #tpu.memory_space<vmem_shared>>
      %dma_wait3A_48 = arith.constant 0 : i32
      %dma_wait3A_49 = tpu.memref_slice %arg5[%mul3A_0, %dma_wait3A_48] : memref<10240x64xf32, #tpu.memory_space<hbm>> -> memref<640x64xf32, #tpu.memory_space<hbm>>
      tpu.wait_dma2 semaphore(%run_scoped3A : memref<!tpu.dma_semaphore, #tpu.memory_space<semaphore_mem>>) src(%dma_wait3A_49 : memref<640x64xf32, #tpu.memory_space<hbm>>) dst(%dma_wait3A_47 : memref<640x64xf32, #tpu.memory_space<vmem_shared>>)
      tpu.yield
    }) : () -> ()
    %mul3A_1 = arith.constant 16 : i32
    %mul3A_2 = arith.muli %arg0, %mul3A_1 : i32
    %add3A = arith.addi %mul3A_2, %arg1 : i32
    %mul3A_3 = arith.constant 156 : i32
    %mul3A_4 = arith.muli %mul3A_3, %add3A : i32
    %sub3A = arith.constant 24 : i32
    %sub3A_5 = arith.subi %add3A, %sub3A : i32
    %max3A = arith.constant 0 : i32
    %max3A_6 = arith.maxsi %sub3A_5, %max3A : i32
    %add3A_7 = arith.addi %mul3A_4, %max3A_6 : i32
    "tpu.region"() ({
      %run_scoped3A = tpu.sem_alloc : memref<!tpu.dma_semaphore, #tpu.memory_space<semaphore_mem>>
      %dma_start3A_42 = arith.constant 0 : i32
      %dma_start3A_43 = tpu.memref_slice %arg3[%add3A_7, %dma_start3A_42] : memref<5000x128xi32, #tpu.memory_space<hbm>> -> memref<157x128xi32, #tpu.memory_space<hbm>>
      %dma_start3A_44 = arith.constant 0 : i32
      %dma_start3A_45 = tpu.memref_slice %arg3[%add3A_7, %dma_start3A_44] : memref<5000x128xi32, #tpu.memory_space<hbm>> -> memref<157x128xi32, #tpu.memory_space<hbm>>
      tpu.enqueue_dma source(%dma_start3A_45 : memref<157x128xi32, #tpu.memory_space<hbm>>) target(%arg7 : memref<157x128xi32, #tpu.memory_space<vmem>>) target_semaphore(%run_scoped3A : memref<!tpu.dma_semaphore, #tpu.memory_space<semaphore_mem>>)
      %dma_wait3A_46 = arith.constant 0 : i32
      %dma_wait3A_47 = tpu.memref_slice %arg3[%add3A_7, %dma_wait3A_46] : memref<5000x128xi32, #tpu.memory_space<hbm>> -> memref<157x128xi32, #tpu.memory_space<hbm>>
      %dma_wait3A_48 = arith.constant 0 : i32
      %dma_wait3A_49 = tpu.memref_slice %arg3[%add3A_7, %dma_wait3A_48] : memref<5000x128xi32, #tpu.memory_space<hbm>> -> memref<157x128xi32, #tpu.memory_space<hbm>>
      tpu.wait_dma2 semaphore(%run_scoped3A : memref<!tpu.dma_semaphore, #tpu.memory_space<semaphore_mem>>) src(%dma_wait3A_49 : memref<157x128xi32, #tpu.memory_space<hbm>>) dst(%arg7 : memref<157x128xi32, #tpu.memory_space<vmem>>)
      tpu.yield
    }) : () -> ()
    "tpu.region"() ({
      %run_scoped3A = tpu.sem_alloc : memref<!tpu.dma_semaphore, #tpu.memory_space<semaphore_mem>>
      %dma_start3A_42 = arith.constant 0 : i32
      %dma_start3A_43 = tpu.memref_slice %arg4[%add3A_7, %dma_start3A_42] : memref<5000x128xi32, #tpu.memory_space<hbm>> -> memref<157x128xi32, #tpu.memory_space<hbm>>
      %dma_start3A_44 = arith.constant 0 : i32
      %dma_start3A_45 = tpu.memref_slice %arg4[%add3A_7, %dma_start3A_44] : memref<5000x128xi32, #tpu.memory_space<hbm>> -> memref<157x128xi32, #tpu.memory_space<hbm>>
      tpu.enqueue_dma source(%dma_start3A_45 : memref<157x128xi32, #tpu.memory_space<hbm>>) target(%arg8 : memref<157x128xi32, #tpu.memory_space<vmem>>) target_semaphore(%run_scoped3A : memref<!tpu.dma_semaphore, #tpu.memory_space<semaphore_mem>>)
      %dma_wait3A_46 = arith.constant 0 : i32
      %dma_wait3A_47 = tpu.memref_slice %arg4[%add3A_7, %dma_wait3A_46] : memref<5000x128xi32, #tpu.memory_space<hbm>> -> memref<157x128xi32, #tpu.memory_space<hbm>>
      %dma_wait3A_48 = arith.constant 0 : i32
      %dma_wait3A_49 = tpu.memref_slice %arg4[%add3A_7, %dma_wait3A_48] : memref<5000x128xi32, #tpu.memory_space<hbm>> -> memref<157x128xi32, #tpu.memory_space<hbm>>
      tpu.wait_dma2 semaphore(%run_scoped3A : memref<!tpu.dma_semaphore, #tpu.memory_space<semaphore_mem>>) src(%dma_wait3A_49 : memref<157x128xi32, #tpu.memory_space<hbm>>) dst(%arg8 : memref<157x128xi32, #tpu.memory_space<vmem>>)
      tpu.yield
    }) : () -> ()
    %barrier3A = arith.constant 0 : index
    tpu.barrier barrier_id(%barrier3A)
    %dma_start3A = arith.constant 0 : i32
    %dma_start3A_8 = arith.constant 0 : i32
    %dma_start3A_9 = tpu.memref_slice %arg7[%dma_start3A, %dma_start3A_8] : memref<157x128xi32, #tpu.memory_space<vmem>> -> memref<1x128xi32, #tpu.memory_space<vmem>>
    %dma_start3A_10 = tpu.memref_squeeze %dma_start3A_9 : memref<1x128xi32, #tpu.memory_space<vmem>> -> memref<128xi32, #tpu.memory_space<vmem>>
    %dma_start3A_11 = arith.constant 0 : i32
    %dma_start3A_12 = arith.constant 0 : i32
    %dma_start3A_13 = tpu.memref_slice %arg2[%dma_start3A_11, %dma_start3A_12] : memref<20000x64xf32, #tpu.memory_space<hbm>> -> memref<20000x64xf32, #tpu.memory_space<hbm>>
    tpu.enqueue_indirect_dma source(%dma_start3A_13 : memref<20000x64xf32, #tpu.memory_space<hbm>>) target(%arg9 : memref<128x64xf32, #tpu.memory_space<vmem>>) offsets(%dma_start3A_10 : memref<128xi32, #tpu.memory_space<vmem>>) semaphore(%arg14 : memref<!tpu.dma_semaphore, #tpu.memory_space<semaphore_mem>>)
    %dma_start3A_14 = arith.constant 1 : i32
    %dma_start3A_15 = arith.constant 0 : i32
    %dma_start3A_16 = tpu.memref_slice %arg7[%dma_start3A_14, %dma_start3A_15] : memref<157x128xi32, #tpu.memory_space<vmem>> -> memref<1x128xi32, #tpu.memory_space<vmem>>
    %dma_start3A_17 = tpu.memref_squeeze %dma_start3A_16 : memref<1x128xi32, #tpu.memory_space<vmem>> -> memref<128xi32, #tpu.memory_space<vmem>>
    %dma_start3A_18 = arith.constant 0 : i32
    %dma_start3A_19 = arith.constant 0 : i32
    %dma_start3A_20 = tpu.memref_slice %arg2[%dma_start3A_18, %dma_start3A_19] : memref<20000x64xf32, #tpu.memory_space<hbm>> -> memref<20000x64xf32, #tpu.memory_space<hbm>>
    tpu.enqueue_indirect_dma source(%dma_start3A_20 : memref<20000x64xf32, #tpu.memory_space<hbm>>) target(%arg10 : memref<128x64xf32, #tpu.memory_space<vmem>>) offsets(%dma_start3A_17 : memref<128xi32, #tpu.memory_space<vmem>>) semaphore(%arg15 : memref<!tpu.dma_semaphore, #tpu.memory_space<semaphore_mem>>)
    %scan3A = arith.constant 0 : i32
    %scan3A_21 = arith.constant 0 : i32
    %scan3A_22 = arith.constant 39 : i32
    %scan3A_23 = arith.addi %scan3A_21, %scan3A_22 : i32
    %scan3A_24 = arith.constant 1 : i32
    scf.for %scan3A_42 = %scan3A_21 to %scan3A_23 step %scan3A_24  : i32 {
      %mul3A_43 = arith.constant 4 : i32
      %mul3A_44 = arith.muli %mul3A_43, %scan3A_42 : i32
      %add3A_45 = arith.constant 0 : i32
      %add3A_46 = arith.addi %mul3A_44, %add3A_45 : i32
      %ge3A_47 = arith.constant 2 : i32
      %ge3A_48 = arith.cmpi sge, %add3A_46, %ge3A_47 : i32
      %convert_element_type3A_49 = arith.extui %ge3A_48 : i1 to i32
      %cond3A_50 = arith.constant 0 : i32
      %cond3A_51 = arith.cmpi ne, %convert_element_type3A_49, %cond3A_50 : i32
      scf.if %cond3A_51 {
        %sub3A_148 = arith.constant 2 : i32
        %sub3A_149 = arith.subi %add3A_46, %sub3A_148 : i32
        %dma_wait3A_150 = arith.constant 0 : i32
        %dma_wait3A_151 = tpu.memref_slice %arg8[%sub3A_149, %dma_wait3A_150] : memref<157x128xi32, #tpu.memory_space<vmem>> -> memref<1x128xi32, #tpu.memory_space<vmem>>
        %dma_wait3A_152 = tpu.memref_squeeze %dma_wait3A_151 : memref<1x128xi32, #tpu.memory_space<vmem>> -> memref<128xi32, #tpu.memory_space<vmem>>
        %dma_wait3A_153 = arith.constant 0 : i32
        %dma_wait3A_154 = arith.constant 0 : i32
        %dma_wait3A_155 = tpu.memref_slice %arg13[%dma_wait3A_153, %dma_wait3A_154] : memref<10240x64xf32, #tpu.memory_space<vmem_shared>> -> memref<10240x64xf32, #tpu.memory_space<vmem_shared>>
        tpu.wait_indirect_dma semaphore(%arg20 : memref<!tpu.dma_semaphore, #tpu.memory_space<semaphore_mem>>) src(%arg11 : memref<128x64xf32, #tpu.memory_space<vmem>>) dst(%dma_wait3A_155 : memref<10240x64xf32, #tpu.memory_space<vmem_shared>>)
      } else {
      }
      %add3A_52 = arith.constant 2 : i32
      %add3A_53 = arith.addi %add3A_46, %add3A_52 : i32
      %lt3A = arith.constant 156 : i32
      %lt3A_54 = arith.cmpi slt, %add3A_53, %lt3A : i32
      %convert_element_type3A_55 = arith.extui %lt3A_54 : i1 to i32
      %cond3A_56 = arith.constant 0 : i32
      %cond3A_57 = arith.cmpi ne, %convert_element_type3A_55, %cond3A_56 : i32
      scf.if %cond3A_57 {
        %add3A_148 = arith.constant 2 : i32
        %add3A_149 = arith.addi %add3A_46, %add3A_148 : i32
        %dma_start3A_150 = arith.constant 0 : i32
        %dma_start3A_151 = tpu.memref_slice %arg7[%add3A_149, %dma_start3A_150] : memref<157x128xi32, #tpu.memory_space<vmem>> -> memref<1x128xi32, #tpu.memory_space<vmem>>
        %dma_start3A_152 = tpu.memref_squeeze %dma_start3A_151 : memref<1x128xi32, #tpu.memory_space<vmem>> -> memref<128xi32, #tpu.memory_space<vmem>>
        %dma_start3A_153 = arith.constant 0 : i32
        %dma_start3A_154 = arith.constant 0 : i32
        %dma_start3A_155 = tpu.memref_slice %arg2[%dma_start3A_153, %dma_start3A_154] : memref<20000x64xf32, #tpu.memory_space<hbm>> -> memref<20000x64xf32, #tpu.memory_space<hbm>>
        tpu.enqueue_indirect_dma source(%dma_start3A_155 : memref<20000x64xf32, #tpu.memory_space<hbm>>) target(%arg11 : memref<128x64xf32, #tpu.memory_space<vmem>>) offsets(%dma_start3A_152 : memref<128xi32, #tpu.memory_space<vmem>>) semaphore(%arg16 : memref<!tpu.dma_semaphore, #tpu.memory_space<semaphore_mem>>)
      } else {
      }
      %dma_wait3A_58 = arith.constant 0 : i32
      %dma_wait3A_59 = tpu.memref_slice %arg7[%add3A_46, %dma_wait3A_58] : memref<157x128xi32, #tpu.memory_space<vmem>> -> memref<1x128xi32, #tpu.memory_space<vmem>>
      %dma_wait3A_60 = tpu.memref_squeeze %dma_wait3A_59 : memref<1x128xi32, #tpu.memory_space<vmem>> -> memref<128xi32, #tpu.memory_space<vmem>>
      %dma_wait3A_61 = arith.constant 0 : i32
      %dma_wait3A_62 = arith.constant 0 : i32
      %dma_wait3A_63 = tpu.memref_slice %arg2[%dma_wait3A_61, %dma_wait3A_62] : memref<20000x64xf32, #tpu.memory_space<hbm>> -> memref<20000x64xf32, #tpu.memory_space<hbm>>
      tpu.wait_indirect_dma semaphore(%arg14 : memref<!tpu.dma_semaphore, #tpu.memory_space<semaphore_mem>>) src(%dma_wait3A_63 : memref<20000x64xf32, #tpu.memory_space<hbm>>) dst(%arg9 : memref<128x64xf32, #tpu.memory_space<vmem>>)
      %dma_start3A_64 = arith.constant 0 : i32
      %dma_start3A_65 = tpu.memref_slice %arg8[%add3A_46, %dma_start3A_64] : memref<157x128xi32, #tpu.memory_space<vmem>> -> memref<1x128xi32, #tpu.memory_space<vmem>>
      %dma_start3A_66 = tpu.memref_squeeze %dma_start3A_65 : memref<1x128xi32, #tpu.memory_space<vmem>> -> memref<128xi32, #tpu.memory_space<vmem>>
      %dma_start3A_67 = arith.constant 0 : i32
      %dma_start3A_68 = arith.constant 0 : i32
      %dma_start3A_69 = tpu.memref_slice %arg13[%dma_start3A_67, %dma_start3A_68] : memref<10240x64xf32, #tpu.memory_space<vmem_shared>> -> memref<10240x64xf32, #tpu.memory_space<vmem_shared>>
      tpu.enqueue_indirect_dma source(%arg9 : memref<128x64xf32, #tpu.memory_space<vmem>>) target(%dma_start3A_69 : memref<10240x64xf32, #tpu.memory_space<vmem_shared>>) offsets(%dma_start3A_66 : memref<128xi32, #tpu.memory_space<vmem>>) semaphore(%arg18 : memref<!tpu.dma_semaphore, #tpu.memory_space<semaphore_mem>>) {add = true}
      %add3A_70 = arith.constant 1 : i32
      %add3A_71 = arith.addi %mul3A_44, %add3A_70 : i32
      %ge3A_72 = arith.constant 2 : i32
      %ge3A_73 = arith.cmpi sge, %add3A_71, %ge3A_72 : i32
      %convert_element_type3A_74 = arith.extui %ge3A_73 : i1 to i32
      %cond3A_75 = arith.constant 0 : i32
      %cond3A_76 = arith.cmpi ne, %convert_element_type3A_74, %cond3A_75 : i32
      scf.if %cond3A_76 {
        %sub3A_148 = arith.constant 2 : i32
        %sub3A_149 = arith.subi %add3A_71, %sub3A_148 : i32
        %dma_wait3A_150 = arith.constant 0 : i32
        %dma_wait3A_151 = tpu.memref_slice %arg8[%sub3A_149, %dma_wait3A_150] : memref<157x128xi32, #tpu.memory_space<vmem>> -> memref<1x128xi32, #tpu.memory_space<vmem>>
        %dma_wait3A_152 = tpu.memref_squeeze %dma_wait3A_151 : memref<1x128xi32, #tpu.memory_space<vmem>> -> memref<128xi32, #tpu.memory_space<vmem>>
        %dma_wait3A_153 = arith.constant 0 : i32
        %dma_wait3A_154 = arith.constant 0 : i32
        %dma_wait3A_155 = tpu.memref_slice %arg13[%dma_wait3A_153, %dma_wait3A_154] : memref<10240x64xf32, #tpu.memory_space<vmem_shared>> -> memref<10240x64xf32, #tpu.memory_space<vmem_shared>>
        tpu.wait_indirect_dma semaphore(%arg21 : memref<!tpu.dma_semaphore, #tpu.memory_space<semaphore_mem>>) src(%arg12 : memref<128x64xf32, #tpu.memory_space<vmem>>) dst(%dma_wait3A_155 : memref<10240x64xf32, #tpu.memory_space<vmem_shared>>)
      } else {
      }
      %add3A_77 = arith.constant 2 : i32
      %add3A_78 = arith.addi %add3A_71, %add3A_77 : i32
      %lt3A_79 = arith.constant 156 : i32
      %lt3A_80 = arith.cmpi slt, %add3A_78, %lt3A_79 : i32
      %convert_element_type3A_81 = arith.extui %lt3A_80 : i1 to i32
      %cond3A_82 = arith.constant 0 : i32
      %cond3A_83 = arith.cmpi ne, %convert_element_type3A_81, %cond3A_82 : i32
      scf.if %cond3A_83 {
        %add3A_148 = arith.constant 2 : i32
        %add3A_149 = arith.addi %add3A_71, %add3A_148 : i32
        %dma_start3A_150 = arith.constant 0 : i32
        %dma_start3A_151 = tpu.memref_slice %arg7[%add3A_149, %dma_start3A_150] : memref<157x128xi32, #tpu.memory_space<vmem>> -> memref<1x128xi32, #tpu.memory_space<vmem>>
        %dma_start3A_152 = tpu.memref_squeeze %dma_start3A_151 : memref<1x128xi32, #tpu.memory_space<vmem>> -> memref<128xi32, #tpu.memory_space<vmem>>
        %dma_start3A_153 = arith.constant 0 : i32
        %dma_start3A_154 = arith.constant 0 : i32
        %dma_start3A_155 = tpu.memref_slice %arg2[%dma_start3A_153, %dma_start3A_154] : memref<20000x64xf32, #tpu.memory_space<hbm>> -> memref<20000x64xf32, #tpu.memory_space<hbm>>
        tpu.enqueue_indirect_dma source(%dma_start3A_155 : memref<20000x64xf32, #tpu.memory_space<hbm>>) target(%arg12 : memref<128x64xf32, #tpu.memory_space<vmem>>) offsets(%dma_start3A_152 : memref<128xi32, #tpu.memory_space<vmem>>) semaphore(%arg17 : memref<!tpu.dma_semaphore, #tpu.memory_space<semaphore_mem>>)
      } else {
      }
      %dma_wait3A_84 = arith.constant 0 : i32
      %dma_wait3A_85 = tpu.memref_slice %arg7[%add3A_71, %dma_wait3A_84] : memref<157x128xi32, #tpu.memory_space<vmem>> -> memref<1x128xi32, #tpu.memory_space<vmem>>
      %dma_wait3A_86 = tpu.memref_squeeze %dma_wait3A_85 : memref<1x128xi32, #tpu.memory_space<vmem>> -> memref<128xi32, #tpu.memory_space<vmem>>
      %dma_wait3A_87 = arith.constant 0 : i32
      %dma_wait3A_88 = arith.constant 0 : i32
      %dma_wait3A_89 = tpu.memref_slice %arg2[%dma_wait3A_87, %dma_wait3A_88] : memref<20000x64xf32, #tpu.memory_space<hbm>> -> memref<20000x64xf32, #tpu.memory_space<hbm>>
      tpu.wait_indirect_dma semaphore(%arg15 : memref<!tpu.dma_semaphore, #tpu.memory_space<semaphore_mem>>) src(%dma_wait3A_89 : memref<20000x64xf32, #tpu.memory_space<hbm>>) dst(%arg10 : memref<128x64xf32, #tpu.memory_space<vmem>>)
      %dma_start3A_90 = arith.constant 0 : i32
      %dma_start3A_91 = tpu.memref_slice %arg8[%add3A_71, %dma_start3A_90] : memref<157x128xi32, #tpu.memory_space<vmem>> -> memref<1x128xi32, #tpu.memory_space<vmem>>
      %dma_start3A_92 = tpu.memref_squeeze %dma_start3A_91 : memref<1x128xi32, #tpu.memory_space<vmem>> -> memref<128xi32, #tpu.memory_space<vmem>>
      %dma_start3A_93 = arith.constant 0 : i32
      %dma_start3A_94 = arith.constant 0 : i32
      %dma_start3A_95 = tpu.memref_slice %arg13[%dma_start3A_93, %dma_start3A_94] : memref<10240x64xf32, #tpu.memory_space<vmem_shared>> -> memref<10240x64xf32, #tpu.memory_space<vmem_shared>>
      tpu.enqueue_indirect_dma source(%arg10 : memref<128x64xf32, #tpu.memory_space<vmem>>) target(%dma_start3A_95 : memref<10240x64xf32, #tpu.memory_space<vmem_shared>>) offsets(%dma_start3A_92 : memref<128xi32, #tpu.memory_space<vmem>>) semaphore(%arg19 : memref<!tpu.dma_semaphore, #tpu.memory_space<semaphore_mem>>) {add = true}
      %add3A_96 = arith.constant 2 : i32
      %add3A_97 = arith.addi %mul3A_44, %add3A_96 : i32
      %ge3A_98 = arith.constant 2 : i32
      %ge3A_99 = arith.cmpi sge, %add3A_97, %ge3A_98 : i32
      %convert_element_type3A_100 = arith.extui %ge3A_99 : i1 to i32
      %cond3A_101 = arith.constant 0 : i32
      %cond3A_102 = arith.cmpi ne, %convert_element_type3A_100, %cond3A_101 : i32
      scf.if %cond3A_102 {
        %sub3A_148 = arith.constant 2 : i32
        %sub3A_149 = arith.subi %add3A_97, %sub3A_148 : i32
        %dma_wait3A_150 = arith.constant 0 : i32
        %dma_wait3A_151 = tpu.memref_slice %arg8[%sub3A_149, %dma_wait3A_150] : memref<157x128xi32, #tpu.memory_space<vmem>> -> memref<1x128xi32, #tpu.memory_space<vmem>>
        %dma_wait3A_152 = tpu.memref_squeeze %dma_wait3A_151 : memref<1x128xi32, #tpu.memory_space<vmem>> -> memref<128xi32, #tpu.memory_space<vmem>>
        %dma_wait3A_153 = arith.constant 0 : i32
        %dma_wait3A_154 = arith.constant 0 : i32
        %dma_wait3A_155 = tpu.memref_slice %arg13[%dma_wait3A_153, %dma_wait3A_154] : memref<10240x64xf32, #tpu.memory_space<vmem_shared>> -> memref<10240x64xf32, #tpu.memory_space<vmem_shared>>
        tpu.wait_indirect_dma semaphore(%arg18 : memref<!tpu.dma_semaphore, #tpu.memory_space<semaphore_mem>>) src(%arg9 : memref<128x64xf32, #tpu.memory_space<vmem>>) dst(%dma_wait3A_155 : memref<10240x64xf32, #tpu.memory_space<vmem_shared>>)
      } else {
      }
      %add3A_103 = arith.constant 2 : i32
      %add3A_104 = arith.addi %add3A_97, %add3A_103 : i32
      %lt3A_105 = arith.constant 156 : i32
      %lt3A_106 = arith.cmpi slt, %add3A_104, %lt3A_105 : i32
      %convert_element_type3A_107 = arith.extui %lt3A_106 : i1 to i32
      %cond3A_108 = arith.constant 0 : i32
      %cond3A_109 = arith.cmpi ne, %convert_element_type3A_107, %cond3A_108 : i32
      scf.if %cond3A_109 {
        %add3A_148 = arith.constant 2 : i32
        %add3A_149 = arith.addi %add3A_97, %add3A_148 : i32
        %dma_start3A_150 = arith.constant 0 : i32
        %dma_start3A_151 = tpu.memref_slice %arg7[%add3A_149, %dma_start3A_150] : memref<157x128xi32, #tpu.memory_space<vmem>> -> memref<1x128xi32, #tpu.memory_space<vmem>>
        %dma_start3A_152 = tpu.memref_squeeze %dma_start3A_151 : memref<1x128xi32, #tpu.memory_space<vmem>> -> memref<128xi32, #tpu.memory_space<vmem>>
        %dma_start3A_153 = arith.constant 0 : i32
        %dma_start3A_154 = arith.constant 0 : i32
        %dma_start3A_155 = tpu.memref_slice %arg2[%dma_start3A_153, %dma_start3A_154] : memref<20000x64xf32, #tpu.memory_space<hbm>> -> memref<20000x64xf32, #tpu.memory_space<hbm>>
        tpu.enqueue_indirect_dma source(%dma_start3A_155 : memref<20000x64xf32, #tpu.memory_space<hbm>>) target(%arg9 : memref<128x64xf32, #tpu.memory_space<vmem>>) offsets(%dma_start3A_152 : memref<128xi32, #tpu.memory_space<vmem>>) semaphore(%arg14 : memref<!tpu.dma_semaphore, #tpu.memory_space<semaphore_mem>>)
      } else {
      }
      %dma_wait3A_110 = arith.constant 0 : i32
      %dma_wait3A_111 = tpu.memref_slice %arg7[%add3A_97, %dma_wait3A_110] : memref<157x128xi32, #tpu.memory_space<vmem>> -> memref<1x128xi32, #tpu.memory_space<vmem>>
      %dma_wait3A_112 = tpu.memref_squeeze %dma_wait3A_111 : memref<1x128xi32, #tpu.memory_space<vmem>> -> memref<128xi32, #tpu.memory_space<vmem>>
      %dma_wait3A_113 = arith.constant 0 : i32
      %dma_wait3A_114 = arith.constant 0 : i32
      %dma_wait3A_115 = tpu.memref_slice %arg2[%dma_wait3A_113, %dma_wait3A_114] : memref<20000x64xf32, #tpu.memory_space<hbm>> -> memref<20000x64xf32, #tpu.memory_space<hbm>>
      tpu.wait_indirect_dma semaphore(%arg16 : memref<!tpu.dma_semaphore, #tpu.memory_space<semaphore_mem>>) src(%dma_wait3A_115 : memref<20000x64xf32, #tpu.memory_space<hbm>>) dst(%arg11 : memref<128x64xf32, #tpu.memory_space<vmem>>)
      %dma_start3A_116 = arith.constant 0 : i32
      %dma_start3A_117 = tpu.memref_slice %arg8[%add3A_97, %dma_start3A_116] : memref<157x128xi32, #tpu.memory_space<vmem>> -> memref<1x128xi32, #tpu.memory_space<vmem>>
      %dma_start3A_118 = tpu.memref_squeeze %dma_start3A_117 : memref<1x128xi32, #tpu.memory_space<vmem>> -> memref<128xi32, #tpu.memory_space<vmem>>
      %dma_start3A_119 = arith.constant 0 : i32
      %dma_start3A_120 = arith.constant 0 : i32
      %dma_start3A_121 = tpu.memref_slice %arg13[%dma_start3A_119, %dma_start3A_120] : memref<10240x64xf32, #tpu.memory_space<vmem_shared>> -> memref<10240x64xf32, #tpu.memory_space<vmem_shared>>
      tpu.enqueue_indirect_dma source(%arg11 : memref<128x64xf32, #tpu.memory_space<vmem>>) target(%dma_start3A_121 : memref<10240x64xf32, #tpu.memory_space<vmem_shared>>) offsets(%dma_start3A_118 : memref<128xi32, #tpu.memory_space<vmem>>) semaphore(%arg20 : memref<!tpu.dma_semaphore, #tpu.memory_space<semaphore_mem>>) {add = true}
      %add3A_122 = arith.constant 3 : i32
      %add3A_123 = arith.addi %mul3A_44, %add3A_122 : i32
      %ge3A_124 = arith.constant 2 : i32
      %ge3A_125 = arith.cmpi sge, %add3A_123, %ge3A_124 : i32
      %convert_element_type3A_126 = arith.extui %ge3A_125 : i1 to i32
      %cond3A_127 = arith.constant 0 : i32
      %cond3A_128 = arith.cmpi ne, %convert_element_type3A_126, %cond3A_127 : i32
      scf.if %cond3A_128 {
        %sub3A_148 = arith.constant 2 : i32
        %sub3A_149 = arith.subi %add3A_123, %sub3A_148 : i32
        %dma_wait3A_150 = arith.constant 0 : i32
        %dma_wait3A_151 = tpu.memref_slice %arg8[%sub3A_149, %dma_wait3A_150] : memref<157x128xi32, #tpu.memory_space<vmem>> -> memref<1x128xi32, #tpu.memory_space<vmem>>
        %dma_wait3A_152 = tpu.memref_squeeze %dma_wait3A_151 : memref<1x128xi32, #tpu.memory_space<vmem>> -> memref<128xi32, #tpu.memory_space<vmem>>
        %dma_wait3A_153 = arith.constant 0 : i32
        %dma_wait3A_154 = arith.constant 0 : i32
        %dma_wait3A_155 = tpu.memref_slice %arg13[%dma_wait3A_153, %dma_wait3A_154] : memref<10240x64xf32, #tpu.memory_space<vmem_shared>> -> memref<10240x64xf32, #tpu.memory_space<vmem_shared>>
        tpu.wait_indirect_dma semaphore(%arg19 : memref<!tpu.dma_semaphore, #tpu.memory_space<semaphore_mem>>) src(%arg10 : memref<128x64xf32, #tpu.memory_space<vmem>>) dst(%dma_wait3A_155 : memref<10240x64xf32, #tpu.memory_space<vmem_shared>>)
      } else {
      }
      %add3A_129 = arith.constant 2 : i32
      %add3A_130 = arith.addi %add3A_123, %add3A_129 : i32
      %lt3A_131 = arith.constant 156 : i32
      %lt3A_132 = arith.cmpi slt, %add3A_130, %lt3A_131 : i32
      %convert_element_type3A_133 = arith.extui %lt3A_132 : i1 to i32
      %cond3A_134 = arith.constant 0 : i32
      %cond3A_135 = arith.cmpi ne, %convert_element_type3A_133, %cond3A_134 : i32
      scf.if %cond3A_135 {
        %add3A_148 = arith.constant 2 : i32
        %add3A_149 = arith.addi %add3A_123, %add3A_148 : i32
        %dma_start3A_150 = arith.constant 0 : i32
        %dma_start3A_151 = tpu.memref_slice %arg7[%add3A_149, %dma_start3A_150] : memref<157x128xi32, #tpu.memory_space<vmem>> -> memref<1x128xi32, #tpu.memory_space<vmem>>
        %dma_start3A_152 = tpu.memref_squeeze %dma_start3A_151 : memref<1x128xi32, #tpu.memory_space<vmem>> -> memref<128xi32, #tpu.memory_space<vmem>>
        %dma_start3A_153 = arith.constant 0 : i32
        %dma_start3A_154 = arith.constant 0 : i32
        %dma_start3A_155 = tpu.memref_slice %arg2[%dma_start3A_153, %dma_start3A_154] : memref<20000x64xf32, #tpu.memory_space<hbm>> -> memref<20000x64xf32, #tpu.memory_space<hbm>>
        tpu.enqueue_indirect_dma source(%dma_start3A_155 : memref<20000x64xf32, #tpu.memory_space<hbm>>) target(%arg10 : memref<128x64xf32, #tpu.memory_space<vmem>>) offsets(%dma_start3A_152 : memref<128xi32, #tpu.memory_space<vmem>>) semaphore(%arg15 : memref<!tpu.dma_semaphore, #tpu.memory_space<semaphore_mem>>)
      } else {
      }
      %dma_wait3A_136 = arith.constant 0 : i32
      %dma_wait3A_137 = tpu.memref_slice %arg7[%add3A_123, %dma_wait3A_136] : memref<157x128xi32, #tpu.memory_space<vmem>> -> memref<1x128xi32, #tpu.memory_space<vmem>>
      %dma_wait3A_138 = tpu.memref_squeeze %dma_wait3A_137 : memref<1x128xi32, #tpu.memory_space<vmem>> -> memref<128xi32, #tpu.memory_space<vmem>>
      %dma_wait3A_139 = arith.constant 0 : i32
      %dma_wait3A_140 = arith.constant 0 : i32
      %dma_wait3A_141 = tpu.memref_slice %arg2[%dma_wait3A_139, %dma_wait3A_140] : memref<20000x64xf32, #tpu.memory_space<hbm>> -> memref<20000x64xf32, #tpu.memory_space<hbm>>
      tpu.wait_indirect_dma semaphore(%arg17 : memref<!tpu.dma_semaphore, #tpu.memory_space<semaphore_mem>>) src(%dma_wait3A_141 : memref<20000x64xf32, #tpu.memory_space<hbm>>) dst(%arg12 : memref<128x64xf32, #tpu.memory_space<vmem>>)
      %dma_start3A_142 = arith.constant 0 : i32
      %dma_start3A_143 = tpu.memref_slice %arg8[%add3A_123, %dma_start3A_142] : memref<157x128xi32, #tpu.memory_space<vmem>> -> memref<1x128xi32, #tpu.memory_space<vmem>>
      %dma_start3A_144 = tpu.memref_squeeze %dma_start3A_143 : memref<1x128xi32, #tpu.memory_space<vmem>> -> memref<128xi32, #tpu.memory_space<vmem>>
      %dma_start3A_145 = arith.constant 0 : i32
      %dma_start3A_146 = arith.constant 0 : i32
      %dma_start3A_147 = tpu.memref_slice %arg13[%dma_start3A_145, %dma_start3A_146] : memref<10240x64xf32, #tpu.memory_space<vmem_shared>> -> memref<10240x64xf32, #tpu.memory_space<vmem_shared>>
      tpu.enqueue_indirect_dma source(%arg12 : memref<128x64xf32, #tpu.memory_space<vmem>>) target(%dma_start3A_147 : memref<10240x64xf32, #tpu.memory_space<vmem_shared>>) offsets(%dma_start3A_144 : memref<128xi32, #tpu.memory_space<vmem>>) semaphore(%arg21 : memref<!tpu.dma_semaphore, #tpu.memory_space<semaphore_mem>>) {add = true}
    }
    %scan3A_25 = arith.constant 39 : i32
    %dma_wait3A = arith.constant 154 : i32
    %dma_wait3A_26 = arith.constant 0 : i32
    %dma_wait3A_27 = tpu.memref_slice %arg8[%dma_wait3A, %dma_wait3A_26] : memref<157x128xi32, #tpu.memory_space<vmem>> -> memref<1x128xi32, #tpu.memory_space<vmem>>
    %dma_wait3A_28 = tpu.memref_squeeze %dma_wait3A_27 : memref<1x128xi32, #tpu.memory_space<vmem>> -> memref<128xi32, #tpu.memory_space<vmem>>
    %dma_wait3A_29 = arith.constant 0 : i32
    %dma_wait3A_30 = arith.constant 0 : i32
    %dma_wait3A_31 = tpu.memref_slice %arg13[%dma_wait3A_29, %dma_wait3A_30] : memref<10240x64xf32, #tpu.memory_space<vmem_shared>> -> memref<10240x64xf32, #tpu.memory_space<vmem_shared>>
    tpu.wait_indirect_dma semaphore(%arg20 : memref<!tpu.dma_semaphore, #tpu.memory_space<semaphore_mem>>) src(%arg11 : memref<128x64xf32, #tpu.memory_space<vmem>>) dst(%dma_wait3A_31 : memref<10240x64xf32, #tpu.memory_space<vmem_shared>>)
    %dma_wait3A_32 = arith.constant 155 : i32
    %dma_wait3A_33 = arith.constant 0 : i32
    %dma_wait3A_34 = tpu.memref_slice %arg8[%dma_wait3A_32, %dma_wait3A_33] : memref<157x128xi32, #tpu.memory_space<vmem>> -> memref<1x128xi32, #tpu.memory_space<vmem>>
    %dma_wait3A_35 = tpu.memref_squeeze %dma_wait3A_34 : memref<1x128xi32, #tpu.memory_space<vmem>> -> memref<128xi32, #tpu.memory_space<vmem>>
    %dma_wait3A_36 = arith.constant 0 : i32
    %dma_wait3A_37 = arith.constant 0 : i32
    %dma_wait3A_38 = tpu.memref_slice %arg13[%dma_wait3A_36, %dma_wait3A_37] : memref<10240x64xf32, #tpu.memory_space<vmem_shared>> -> memref<10240x64xf32, #tpu.memory_space<vmem_shared>>
    tpu.wait_indirect_dma semaphore(%arg21 : memref<!tpu.dma_semaphore, #tpu.memory_space<semaphore_mem>>) src(%arg12 : memref<128x64xf32, #tpu.memory_space<vmem>>) dst(%dma_wait3A_38 : memref<10240x64xf32, #tpu.memory_space<vmem_shared>>)
    %ge3A = arith.constant 24 : i32
    %ge3A_39 = arith.cmpi sge, %add3A, %ge3A : i32
    %convert_element_type3A = arith.extui %ge3A_39 : i1 to i32
    %cond3A = arith.constant 0 : i32
    %cond3A_40 = arith.cmpi ne, %convert_element_type3A, %cond3A : i32
    scf.if %cond3A_40 {
      %dma_start3A_42 = arith.constant 156 : i32
      %dma_start3A_43 = arith.constant 0 : i32
      %dma_start3A_44 = tpu.memref_slice %arg7[%dma_start3A_42, %dma_start3A_43] : memref<157x128xi32, #tpu.memory_space<vmem>> -> memref<1x128xi32, #tpu.memory_space<vmem>>
      %dma_start3A_45 = tpu.memref_squeeze %dma_start3A_44 : memref<1x128xi32, #tpu.memory_space<vmem>> -> memref<128xi32, #tpu.memory_space<vmem>>
      %dma_start3A_46 = arith.constant 0 : i32
      %dma_start3A_47 = arith.constant 0 : i32
      %dma_start3A_48 = tpu.memref_slice %arg2[%dma_start3A_46, %dma_start3A_47] : memref<20000x64xf32, #tpu.memory_space<hbm>> -> memref<20000x64xf32, #tpu.memory_space<hbm>>
      tpu.enqueue_indirect_dma source(%dma_start3A_48 : memref<20000x64xf32, #tpu.memory_space<hbm>>) target(%arg9 : memref<128x64xf32, #tpu.memory_space<vmem>>) offsets(%dma_start3A_45 : memref<128xi32, #tpu.memory_space<vmem>>) semaphore(%arg14 : memref<!tpu.dma_semaphore, #tpu.memory_space<semaphore_mem>>)
      %dma_wait3A_49 = arith.constant 156 : i32
      %dma_wait3A_50 = arith.constant 0 : i32
      %dma_wait3A_51 = tpu.memref_slice %arg7[%dma_wait3A_49, %dma_wait3A_50] : memref<157x128xi32, #tpu.memory_space<vmem>> -> memref<1x128xi32, #tpu.memory_space<vmem>>
      %dma_wait3A_52 = tpu.memref_squeeze %dma_wait3A_51 : memref<1x128xi32, #tpu.memory_space<vmem>> -> memref<128xi32, #tpu.memory_space<vmem>>
      %dma_wait3A_53 = arith.constant 0 : i32
      %dma_wait3A_54 = arith.constant 0 : i32
      %dma_wait3A_55 = tpu.memref_slice %arg2[%dma_wait3A_53, %dma_wait3A_54] : memref<20000x64xf32, #tpu.memory_space<hbm>> -> memref<20000x64xf32, #tpu.memory_space<hbm>>
      tpu.wait_indirect_dma semaphore(%arg14 : memref<!tpu.dma_semaphore, #tpu.memory_space<semaphore_mem>>) src(%dma_wait3A_55 : memref<20000x64xf32, #tpu.memory_space<hbm>>) dst(%arg9 : memref<128x64xf32, #tpu.memory_space<vmem>>)
      %dma_start3A_56 = arith.constant 156 : i32
      %dma_start3A_57 = arith.constant 0 : i32
      %dma_start3A_58 = tpu.memref_slice %arg8[%dma_start3A_56, %dma_start3A_57] : memref<157x128xi32, #tpu.memory_space<vmem>> -> memref<1x128xi32, #tpu.memory_space<vmem>>
      %dma_start3A_59 = tpu.memref_squeeze %dma_start3A_58 : memref<1x128xi32, #tpu.memory_space<vmem>> -> memref<128xi32, #tpu.memory_space<vmem>>
      %dma_start3A_60 = arith.constant 0 : i32
      %dma_start3A_61 = arith.constant 0 : i32
      %dma_start3A_62 = tpu.memref_slice %arg13[%dma_start3A_60, %dma_start3A_61] : memref<10240x64xf32, #tpu.memory_space<vmem_shared>> -> memref<10240x64xf32, #tpu.memory_space<vmem_shared>>
      tpu.enqueue_indirect_dma source(%arg9 : memref<128x64xf32, #tpu.memory_space<vmem>>) target(%dma_start3A_62 : memref<10240x64xf32, #tpu.memory_space<vmem_shared>>) offsets(%dma_start3A_59 : memref<128xi32, #tpu.memory_space<vmem>>) semaphore(%arg18 : memref<!tpu.dma_semaphore, #tpu.memory_space<semaphore_mem>>) {add = true}
      %dma_wait3A_63 = arith.constant 156 : i32
      %dma_wait3A_64 = arith.constant 0 : i32
      %dma_wait3A_65 = tpu.memref_slice %arg8[%dma_wait3A_63, %dma_wait3A_64] : memref<157x128xi32, #tpu.memory_space<vmem>> -> memref<1x128xi32, #tpu.memory_space<vmem>>
      %dma_wait3A_66 = tpu.memref_squeeze %dma_wait3A_65 : memref<1x128xi32, #tpu.memory_space<vmem>> -> memref<128xi32, #tpu.memory_space<vmem>>
      %dma_wait3A_67 = arith.constant 0 : i32
      %dma_wait3A_68 = arith.constant 0 : i32
      %dma_wait3A_69 = tpu.memref_slice %arg13[%dma_wait3A_67, %dma_wait3A_68] : memref<10240x64xf32, #tpu.memory_space<vmem_shared>> -> memref<10240x64xf32, #tpu.memory_space<vmem_shared>>
      tpu.wait_indirect_dma semaphore(%arg18 : memref<!tpu.dma_semaphore, #tpu.memory_space<semaphore_mem>>) src(%arg9 : memref<128x64xf32, #tpu.memory_space<vmem>>) dst(%dma_wait3A_69 : memref<10240x64xf32, #tpu.memory_space<vmem_shared>>)
    } else {
    }
    %barrier3A_41 = arith.constant 0 : index
    tpu.barrier barrier_id(%barrier3A_41)
    "tpu.region"() ({
      %run_scoped3A = tpu.sem_alloc : memref<!tpu.dma_semaphore, #tpu.memory_space<semaphore_mem>>
      %dma_start3A_42 = arith.constant 0 : i32
      %dma_start3A_43 = tpu.memref_slice %arg6[%arg0, %mul3A_0, %dma_start3A_42] : memref<2x10240x64xf32, #tpu.memory_space<hbm>> -> memref<1x640x64xf32, #tpu.memory_space<hbm>>
      %dma_start3A_44 = tpu.memref_squeeze %dma_start3A_43 : memref<1x640x64xf32, #tpu.memory_space<hbm>> -> memref<640x64xf32, #tpu.memory_space<hbm>>
      %dma_start3A_45 = arith.constant 0 : i32
      %dma_start3A_46 = tpu.memref_slice %arg13[%mul3A_0, %dma_start3A_45] : memref<10240x64xf32, #tpu.memory_space<vmem_shared>> -> memref<640x64xf32, #tpu.memory_space<vmem_shared>>
      tpu.enqueue_dma source(%dma_start3A_46 : memref<640x64xf32, #tpu.memory_space<vmem_shared>>) target(%dma_start3A_44 : memref<640x64xf32, #tpu.memory_space<hbm>>) target_semaphore(%run_scoped3A : memref<!tpu.dma_semaphore, #tpu.memory_space<semaphore_mem>>)
      %dma_wait3A_47 = arith.constant 0 : i32
      %dma_wait3A_48 = tpu.memref_slice %arg6[%arg0, %mul3A_0, %dma_wait3A_47] : memref<2x10240x64xf32, #tpu.memory_space<hbm>> -> memref<1x640x64xf32, #tpu.memory_space<hbm>>
      %dma_wait3A_49 = tpu.memref_squeeze %dma_wait3A_48 : memref<1x640x64xf32, #tpu.memory_space<hbm>> -> memref<640x64xf32, #tpu.memory_space<hbm>>
      %dma_wait3A_50 = arith.constant 0 : i32
      %dma_wait3A_51 = tpu.memref_slice %arg13[%mul3A_0, %dma_wait3A_50] : memref<10240x64xf32, #tpu.memory_space<vmem_shared>> -> memref<640x64xf32, #tpu.memory_space<vmem_shared>>
      tpu.wait_dma2 semaphore(%run_scoped3A : memref<!tpu.dma_semaphore, #tpu.memory_space<semaphore_mem>>) src(%dma_wait3A_51 : memref<640x64xf32, #tpu.memory_space<vmem_shared>>) dst(%dma_wait3A_49 : memref<640x64xf32, #tpu.memory_space<hbm>>)
      tpu.yield
    }) : () -> ()
    return
  }
}

#map = affine_map<(d0, d1) -> (0, 0)>
#map1 = affine_map<(d0, d1) -> (0, 0, 0)>
module attributes {stable_mosaic.version = 14 : i64} {
  func.func @body(%arg0: i32, %arg1: i32, %arg2: memref<20000x64xf32, #tpu.memory_space<hbm>>, %arg3: memref<5000x128xi32, #tpu.memory_space<hbm>>, %arg4: memref<5000x128xi32, #tpu.memory_space<hbm>>, %arg5: memref<10240x64xf32, #tpu.memory_space<hbm>>, %arg6: memref<128x16xf32, #tpu.memory_space<hbm>>, %arg7: memref<10240x16xf32, #tpu.memory_space<hbm>>, %arg8: memref<2x10240x64xf32, #tpu.memory_space<hbm>>, %arg9: memref<2x10240x16xf32, #tpu.memory_space<hbm>>, %arg10: memref<157x128xi32, #tpu.memory_space<vmem>>, %arg11: memref<157x128xi32, #tpu.memory_space<vmem>>, %arg12: memref<128x64xf32, #tpu.memory_space<vmem>>, %arg13: memref<128x64xf32, #tpu.memory_space<vmem>>, %arg14: memref<128x64xf32, #tpu.memory_space<vmem>>, %arg15: memref<128x64xf32, #tpu.memory_space<vmem>>, %arg16: memref<10240x64xf32, #tpu.memory_space<vmem_shared>>, %arg17: memref<!tpu.dma_semaphore, #tpu.memory_space<semaphore_mem>>, %arg18: memref<!tpu.dma_semaphore, #tpu.memory_space<semaphore_mem>>, %arg19: memref<!tpu.dma_semaphore, #tpu.memory_space<semaphore_mem>>, %arg20: memref<!tpu.dma_semaphore, #tpu.memory_space<semaphore_mem>>, %arg21: memref<!tpu.dma_semaphore, #tpu.memory_space<semaphore_mem>>, %arg22: memref<!tpu.dma_semaphore, #tpu.memory_space<semaphore_mem>>, %arg23: memref<!tpu.dma_semaphore, #tpu.memory_space<semaphore_mem>>, %arg24: memref<!tpu.dma_semaphore, #tpu.memory_space<semaphore_mem>>, %arg25: memref<128x16xf32, #tpu.memory_space<vmem>>, %arg26: memref<10240x16xf32, #tpu.memory_space<vmem_shared>>) attributes {dimension_semantics = [#tpu.dimension_semantics<core_parallel>, #tpu.dimension_semantics<subcore_parallel>], iteration_bounds = array<i64: 2, 16>, scalar_prefetch = 0 : i64, scratch_operands = 17 : i64, tpu.core_type = #tpu.core_type<sc_vector_subcore>, window_params = [{transform_indices = #map}, {transform_indices = #map}, {transform_indices = #map}, {transform_indices = #map}, {transform_indices = #map}, {transform_indices = #map}, {transform_indices = #map1}, {transform_indices = #map1}]} {
    %mul3A = arith.constant 640 : i32
    %mul3A_0 = arith.muli %arg1, %mul3A : i32
    "tpu.region"() ({
      %run_scoped3A = tpu.sem_alloc : memref<!tpu.dma_semaphore, #tpu.memory_space<semaphore_mem>>
      %dma_start3A_42 = arith.constant 0 : i32
      %dma_start3A_43 = tpu.memref_slice %arg16[%mul3A_0, %dma_start3A_42] : memref<10240x64xf32, #tpu.memory_space<vmem_shared>> -> memref<640x64xf32, #tpu.memory_space<vmem_shared>>
      %dma_start3A_44 = arith.constant 0 : i32
      %dma_start3A_45 = tpu.memref_slice %arg5[%mul3A_0, %dma_start3A_44] : memref<10240x64xf32, #tpu.memory_space<hbm>> -> memref<640x64xf32, #tpu.memory_space<hbm>>
      tpu.enqueue_dma source(%dma_start3A_45 : memref<640x64xf32, #tpu.memory_space<hbm>>) target(%dma_start3A_43 : memref<640x64xf32, #tpu.memory_space<vmem_shared>>) target_semaphore(%run_scoped3A : memref<!tpu.dma_semaphore, #tpu.memory_space<semaphore_mem>>)
      %dma_wait3A_46 = arith.constant 0 : i32
      %dma_wait3A_47 = tpu.memref_slice %arg16[%mul3A_0, %dma_wait3A_46] : memref<10240x64xf32, #tpu.memory_space<vmem_shared>> -> memref<640x64xf32, #tpu.memory_space<vmem_shared>>
      %dma_wait3A_48 = arith.constant 0 : i32
      %dma_wait3A_49 = tpu.memref_slice %arg5[%mul3A_0, %dma_wait3A_48] : memref<10240x64xf32, #tpu.memory_space<hbm>> -> memref<640x64xf32, #tpu.memory_space<hbm>>
      tpu.wait_dma2 semaphore(%run_scoped3A : memref<!tpu.dma_semaphore, #tpu.memory_space<semaphore_mem>>) src(%dma_wait3A_49 : memref<640x64xf32, #tpu.memory_space<hbm>>) dst(%dma_wait3A_47 : memref<640x64xf32, #tpu.memory_space<vmem_shared>>)
      tpu.yield
    }) : () -> ()
    %mul3A_1 = arith.constant 16 : i32
    %mul3A_2 = arith.muli %arg0, %mul3A_1 : i32
    %add3A = arith.addi %mul3A_2, %arg1 : i32
    %mul3A_3 = arith.constant 156 : i32
    %mul3A_4 = arith.muli %mul3A_3, %add3A : i32
    %sub3A = arith.constant 24 : i32
    %sub3A_5 = arith.subi %add3A, %sub3A : i32
    %max3A = arith.constant 0 : i32
    %max3A_6 = arith.maxsi %sub3A_5, %max3A : i32
    %add3A_7 = arith.addi %mul3A_4, %max3A_6 : i32
    "tpu.region"() ({
      %run_scoped3A = tpu.sem_alloc : memref<!tpu.dma_semaphore, #tpu.memory_space<semaphore_mem>>
      %dma_start3A_42 = arith.constant 0 : i32
      %dma_start3A_43 = tpu.memref_slice %arg3[%add3A_7, %dma_start3A_42] : memref<5000x128xi32, #tpu.memory_space<hbm>> -> memref<157x128xi32, #tpu.memory_space<hbm>>
      %dma_start3A_44 = arith.constant 0 : i32
      %dma_start3A_45 = tpu.memref_slice %arg3[%add3A_7, %dma_start3A_44] : memref<5000x128xi32, #tpu.memory_space<hbm>> -> memref<157x128xi32, #tpu.memory_space<hbm>>
      tpu.enqueue_dma source(%dma_start3A_45 : memref<157x128xi32, #tpu.memory_space<hbm>>) target(%arg10 : memref<157x128xi32, #tpu.memory_space<vmem>>) target_semaphore(%run_scoped3A : memref<!tpu.dma_semaphore, #tpu.memory_space<semaphore_mem>>)
      %dma_wait3A_46 = arith.constant 0 : i32
      %dma_wait3A_47 = tpu.memref_slice %arg3[%add3A_7, %dma_wait3A_46] : memref<5000x128xi32, #tpu.memory_space<hbm>> -> memref<157x128xi32, #tpu.memory_space<hbm>>
      %dma_wait3A_48 = arith.constant 0 : i32
      %dma_wait3A_49 = tpu.memref_slice %arg3[%add3A_7, %dma_wait3A_48] : memref<5000x128xi32, #tpu.memory_space<hbm>> -> memref<157x128xi32, #tpu.memory_space<hbm>>
      tpu.wait_dma2 semaphore(%run_scoped3A : memref<!tpu.dma_semaphore, #tpu.memory_space<semaphore_mem>>) src(%dma_wait3A_49 : memref<157x128xi32, #tpu.memory_space<hbm>>) dst(%arg10 : memref<157x128xi32, #tpu.memory_space<vmem>>)
      tpu.yield
    }) : () -> ()
    "tpu.region"() ({
      %run_scoped3A = tpu.sem_alloc : memref<!tpu.dma_semaphore, #tpu.memory_space<semaphore_mem>>
      %dma_start3A_42 = arith.constant 0 : i32
      %dma_start3A_43 = tpu.memref_slice %arg4[%add3A_7, %dma_start3A_42] : memref<5000x128xi32, #tpu.memory_space<hbm>> -> memref<157x128xi32, #tpu.memory_space<hbm>>
      %dma_start3A_44 = arith.constant 0 : i32
      %dma_start3A_45 = tpu.memref_slice %arg4[%add3A_7, %dma_start3A_44] : memref<5000x128xi32, #tpu.memory_space<hbm>> -> memref<157x128xi32, #tpu.memory_space<hbm>>
      tpu.enqueue_dma source(%dma_start3A_45 : memref<157x128xi32, #tpu.memory_space<hbm>>) target(%arg11 : memref<157x128xi32, #tpu.memory_space<vmem>>) target_semaphore(%run_scoped3A : memref<!tpu.dma_semaphore, #tpu.memory_space<semaphore_mem>>)
      %dma_wait3A_46 = arith.constant 0 : i32
      %dma_wait3A_47 = tpu.memref_slice %arg4[%add3A_7, %dma_wait3A_46] : memref<5000x128xi32, #tpu.memory_space<hbm>> -> memref<157x128xi32, #tpu.memory_space<hbm>>
      %dma_wait3A_48 = arith.constant 0 : i32
      %dma_wait3A_49 = tpu.memref_slice %arg4[%add3A_7, %dma_wait3A_48] : memref<5000x128xi32, #tpu.memory_space<hbm>> -> memref<157x128xi32, #tpu.memory_space<hbm>>
      tpu.wait_dma2 semaphore(%run_scoped3A : memref<!tpu.dma_semaphore, #tpu.memory_space<semaphore_mem>>) src(%dma_wait3A_49 : memref<157x128xi32, #tpu.memory_space<hbm>>) dst(%arg11 : memref<157x128xi32, #tpu.memory_space<vmem>>)
      tpu.yield
    }) : () -> ()
    "tpu.region"() ({
      %run_scoped3A = tpu.sem_alloc : memref<!tpu.dma_semaphore, #tpu.memory_space<semaphore_mem>>
      %dma_start3A_42 = arith.constant 0 : i32
      %dma_start3A_43 = tpu.memref_slice %arg26[%mul3A_0, %dma_start3A_42] : memref<10240x16xf32, #tpu.memory_space<vmem_shared>> -> memref<640x16xf32, #tpu.memory_space<vmem_shared>>
      %dma_start3A_44 = arith.constant 0 : i32
      %dma_start3A_45 = tpu.memref_slice %arg7[%mul3A_0, %dma_start3A_44] : memref<10240x16xf32, #tpu.memory_space<hbm>> -> memref<640x16xf32, #tpu.memory_space<hbm>>
      tpu.enqueue_dma source(%dma_start3A_45 : memref<640x16xf32, #tpu.memory_space<hbm>>) target(%dma_start3A_43 : memref<640x16xf32, #tpu.memory_space<vmem_shared>>) target_semaphore(%run_scoped3A : memref<!tpu.dma_semaphore, #tpu.memory_space<semaphore_mem>>)
      %dma_wait3A_46 = arith.constant 0 : i32
      %dma_wait3A_47 = tpu.memref_slice %arg26[%mul3A_0, %dma_wait3A_46] : memref<10240x16xf32, #tpu.memory_space<vmem_shared>> -> memref<640x16xf32, #tpu.memory_space<vmem_shared>>
      %dma_wait3A_48 = arith.constant 0 : i32
      %dma_wait3A_49 = tpu.memref_slice %arg7[%mul3A_0, %dma_wait3A_48] : memref<10240x16xf32, #tpu.memory_space<hbm>> -> memref<640x16xf32, #tpu.memory_space<hbm>>
      tpu.wait_dma2 semaphore(%run_scoped3A : memref<!tpu.dma_semaphore, #tpu.memory_space<semaphore_mem>>) src(%dma_wait3A_49 : memref<640x16xf32, #tpu.memory_space<hbm>>) dst(%dma_wait3A_47 : memref<640x16xf32, #tpu.memory_space<vmem_shared>>)
      tpu.yield
    }) : () -> ()
    "tpu.region"() ({
      %run_scoped3A = tpu.sem_alloc : memref<!tpu.dma_semaphore, #tpu.memory_space<semaphore_mem>>
      tpu.enqueue_dma source(%arg6 : memref<128x16xf32, #tpu.memory_space<hbm>>) target(%arg25 : memref<128x16xf32, #tpu.memory_space<vmem>>) target_semaphore(%run_scoped3A : memref<!tpu.dma_semaphore, #tpu.memory_space<semaphore_mem>>)
      tpu.wait_dma2 semaphore(%run_scoped3A : memref<!tpu.dma_semaphore, #tpu.memory_space<semaphore_mem>>) src(%arg6 : memref<128x16xf32, #tpu.memory_space<hbm>>) dst(%arg25 : memref<128x16xf32, #tpu.memory_space<vmem>>)
      tpu.yield
    }) : () -> ()
    %barrier3A = arith.constant 0 : index
    tpu.barrier barrier_id(%barrier3A)
    %dma_start3A = arith.constant 0 : i32
    %dma_start3A_8 = arith.constant 0 : i32
    %dma_start3A_9 = tpu.memref_slice %arg10[%dma_start3A, %dma_start3A_8] : memref<157x128xi32, #tpu.memory_space<vmem>> -> memref<1x128xi32, #tpu.memory_space<vmem>>
    %dma_start3A_10 = tpu.memref_squeeze %dma_start3A_9 : memref<1x128xi32, #tpu.memory_space<vmem>> -> memref<128xi32, #tpu.memory_space<vmem>>
    %dma_start3A_11 = arith.constant 0 : i32
    %dma_start3A_12 = arith.constant 0 : i32
    %dma_start3A_13 = tpu.memref_slice %arg2[%dma_start3A_11, %dma_start3A_12] : memref<20000x64xf32, #tpu.memory_space<hbm>> -> memref<20000x64xf32, #tpu.memory_space<hbm>>
    tpu.enqueue_indirect_dma source(%dma_start3A_13 : memref<20000x64xf32, #tpu.memory_space<hbm>>) target(%arg12 : memref<128x64xf32, #tpu.memory_space<vmem>>) offsets(%dma_start3A_10 : memref<128xi32, #tpu.memory_space<vmem>>) semaphore(%arg17 : memref<!tpu.dma_semaphore, #tpu.memory_space<semaphore_mem>>)
    %dma_start3A_14 = arith.constant 1 : i32
    %dma_start3A_15 = arith.constant 0 : i32
    %dma_start3A_16 = tpu.memref_slice %arg10[%dma_start3A_14, %dma_start3A_15] : memref<157x128xi32, #tpu.memory_space<vmem>> -> memref<1x128xi32, #tpu.memory_space<vmem>>
    %dma_start3A_17 = tpu.memref_squeeze %dma_start3A_16 : memref<1x128xi32, #tpu.memory_space<vmem>> -> memref<128xi32, #tpu.memory_space<vmem>>
    %dma_start3A_18 = arith.constant 0 : i32
    %dma_start3A_19 = arith.constant 0 : i32
    %dma_start3A_20 = tpu.memref_slice %arg2[%dma_start3A_18, %dma_start3A_19] : memref<20000x64xf32, #tpu.memory_space<hbm>> -> memref<20000x64xf32, #tpu.memory_space<hbm>>
    tpu.enqueue_indirect_dma source(%dma_start3A_20 : memref<20000x64xf32, #tpu.memory_space<hbm>>) target(%arg13 : memref<128x64xf32, #tpu.memory_space<vmem>>) offsets(%dma_start3A_17 : memref<128xi32, #tpu.memory_space<vmem>>) semaphore(%arg18 : memref<!tpu.dma_semaphore, #tpu.memory_space<semaphore_mem>>)
    %scan3A = arith.constant 0 : i32
    %scan3A_21 = arith.constant 0 : i32
    %scan3A_22 = arith.constant 39 : i32
    %scan3A_23 = arith.addi %scan3A_21, %scan3A_22 : i32
    %scan3A_24 = arith.constant 1 : i32
    scf.for %scan3A_42 = %scan3A_21 to %scan3A_23 step %scan3A_24  : i32 {
      %mul3A_43 = arith.constant 4 : i32
      %mul3A_44 = arith.muli %mul3A_43, %scan3A_42 : i32
      %add3A_45 = arith.constant 0 : i32
      %add3A_46 = arith.addi %mul3A_44, %add3A_45 : i32
      %ge3A_47 = arith.constant 2 : i32
      %ge3A_48 = arith.cmpi sge, %add3A_46, %ge3A_47 : i32
      %convert_element_type3A_49 = arith.extui %ge3A_48 : i1 to i32
      %cond3A_50 = arith.constant 0 : i32
      %cond3A_51 = arith.cmpi ne, %convert_element_type3A_49, %cond3A_50 : i32
      scf.if %cond3A_51 {
        %sub3A_148 = arith.constant 2 : i32
        %sub3A_149 = arith.subi %add3A_46, %sub3A_148 : i32
        %dma_wait3A_150 = arith.constant 0 : i32
        %dma_wait3A_151 = tpu.memref_slice %arg11[%sub3A_149, %dma_wait3A_150] : memref<157x128xi32, #tpu.memory_space<vmem>> -> memref<1x128xi32, #tpu.memory_space<vmem>>
        %dma_wait3A_152 = tpu.memref_squeeze %dma_wait3A_151 : memref<1x128xi32, #tpu.memory_space<vmem>> -> memref<128xi32, #tpu.memory_space<vmem>>
        %dma_wait3A_153 = arith.constant 0 : i32
        %dma_wait3A_154 = arith.constant 0 : i32
        %dma_wait3A_155 = tpu.memref_slice %arg16[%dma_wait3A_153, %dma_wait3A_154] : memref<10240x64xf32, #tpu.memory_space<vmem_shared>> -> memref<10240x64xf32, #tpu.memory_space<vmem_shared>>
        tpu.wait_indirect_dma semaphore(%arg23 : memref<!tpu.dma_semaphore, #tpu.memory_space<semaphore_mem>>) src(%arg14 : memref<128x64xf32, #tpu.memory_space<vmem>>) dst(%dma_wait3A_155 : memref<10240x64xf32, #tpu.memory_space<vmem_shared>>)
      } else {
      }
      %add3A_52 = arith.constant 2 : i32
      %add3A_53 = arith.addi %add3A_46, %add3A_52 : i32
      %lt3A = arith.constant 156 : i32
      %lt3A_54 = arith.cmpi slt, %add3A_53, %lt3A : i32
      %convert_element_type3A_55 = arith.extui %lt3A_54 : i1 to i32
      %cond3A_56 = arith.constant 0 : i32
      %cond3A_57 = arith.cmpi ne, %convert_element_type3A_55, %cond3A_56 : i32
      scf.if %cond3A_57 {
        %add3A_148 = arith.constant 2 : i32
        %add3A_149 = arith.addi %add3A_46, %add3A_148 : i32
        %dma_start3A_150 = arith.constant 0 : i32
        %dma_start3A_151 = tpu.memref_slice %arg10[%add3A_149, %dma_start3A_150] : memref<157x128xi32, #tpu.memory_space<vmem>> -> memref<1x128xi32, #tpu.memory_space<vmem>>
        %dma_start3A_152 = tpu.memref_squeeze %dma_start3A_151 : memref<1x128xi32, #tpu.memory_space<vmem>> -> memref<128xi32, #tpu.memory_space<vmem>>
        %dma_start3A_153 = arith.constant 0 : i32
        %dma_start3A_154 = arith.constant 0 : i32
        %dma_start3A_155 = tpu.memref_slice %arg2[%dma_start3A_153, %dma_start3A_154] : memref<20000x64xf32, #tpu.memory_space<hbm>> -> memref<20000x64xf32, #tpu.memory_space<hbm>>
        tpu.enqueue_indirect_dma source(%dma_start3A_155 : memref<20000x64xf32, #tpu.memory_space<hbm>>) target(%arg14 : memref<128x64xf32, #tpu.memory_space<vmem>>) offsets(%dma_start3A_152 : memref<128xi32, #tpu.memory_space<vmem>>) semaphore(%arg19 : memref<!tpu.dma_semaphore, #tpu.memory_space<semaphore_mem>>)
      } else {
      }
      %dma_wait3A_58 = arith.constant 0 : i32
      %dma_wait3A_59 = tpu.memref_slice %arg10[%add3A_46, %dma_wait3A_58] : memref<157x128xi32, #tpu.memory_space<vmem>> -> memref<1x128xi32, #tpu.memory_space<vmem>>
      %dma_wait3A_60 = tpu.memref_squeeze %dma_wait3A_59 : memref<1x128xi32, #tpu.memory_space<vmem>> -> memref<128xi32, #tpu.memory_space<vmem>>
      %dma_wait3A_61 = arith.constant 0 : i32
      %dma_wait3A_62 = arith.constant 0 : i32
      %dma_wait3A_63 = tpu.memref_slice %arg2[%dma_wait3A_61, %dma_wait3A_62] : memref<20000x64xf32, #tpu.memory_space<hbm>> -> memref<20000x64xf32, #tpu.memory_space<hbm>>
      tpu.wait_indirect_dma semaphore(%arg17 : memref<!tpu.dma_semaphore, #tpu.memory_space<semaphore_mem>>) src(%dma_wait3A_63 : memref<20000x64xf32, #tpu.memory_space<hbm>>) dst(%arg12 : memref<128x64xf32, #tpu.memory_space<vmem>>)
      "tpu.region"() ({
        %run_scoped3A = tpu.sem_alloc : memref<!tpu.dma_semaphore, #tpu.memory_space<semaphore_mem>>
        %dma_start3A_148 = arith.constant 0 : i32
        %dma_start3A_149 = tpu.memref_slice %arg11[%add3A_46, %dma_start3A_148] : memref<157x128xi32, #tpu.memory_space<vmem>> -> memref<1x128xi32, #tpu.memory_space<vmem>>
        %dma_start3A_150 = tpu.memref_squeeze %dma_start3A_149 : memref<1x128xi32, #tpu.memory_space<vmem>> -> memref<128xi32, #tpu.memory_space<vmem>>
        %dma_start3A_151 = arith.constant 0 : i32
        %dma_start3A_152 = arith.constant 0 : i32
        %dma_start3A_153 = tpu.memref_slice %arg26[%dma_start3A_151, %dma_start3A_152] : memref<10240x16xf32, #tpu.memory_space<vmem_shared>> -> memref<10240x16xf32, #tpu.memory_space<vmem_shared>>
        tpu.enqueue_indirect_dma source(%arg25 : memref<128x16xf32, #tpu.memory_space<vmem>>) target(%dma_start3A_153 : memref<10240x16xf32, #tpu.memory_space<vmem_shared>>) offsets(%dma_start3A_150 : memref<128xi32, #tpu.memory_space<vmem>>) semaphore(%run_scoped3A : memref<!tpu.dma_semaphore, #tpu.memory_space<semaphore_mem>>) {add = true}
        %dma_wait3A_154 = arith.constant 0 : i32
        %dma_wait3A_155 = tpu.memref_slice %arg11[%add3A_46, %dma_wait3A_154] : memref<157x128xi32, #tpu.memory_space<vmem>> -> memref<1x128xi32, #tpu.memory_space<vmem>>
        %dma_wait3A_156 = tpu.memref_squeeze %dma_wait3A_155 : memref<1x128xi32, #tpu.memory_space<vmem>> -> memref<128xi32, #tpu.memory_space<vmem>>
        %dma_wait3A_157 = arith.constant 0 : i32
        %dma_wait3A_158 = arith.constant 0 : i32
        %dma_wait3A_159 = tpu.memref_slice %arg26[%dma_wait3A_157, %dma_wait3A_158] : memref<10240x16xf32, #tpu.memory_space<vmem_shared>> -> memref<10240x16xf32, #tpu.memory_space<vmem_shared>>
        tpu.wait_indirect_dma semaphore(%run_scoped3A : memref<!tpu.dma_semaphore, #tpu.memory_space<semaphore_mem>>) src(%arg25 : memref<128x16xf32, #tpu.memory_space<vmem>>) dst(%dma_wait3A_159 : memref<10240x16xf32, #tpu.memory_space<vmem_shared>>)
        tpu.yield
      }) : () -> ()
      %dma_start3A_64 = arith.constant 0 : i32
      %dma_start3A_65 = tpu.memref_slice %arg11[%add3A_46, %dma_start3A_64] : memref<157x128xi32, #tpu.memory_space<vmem>> -> memref<1x128xi32, #tpu.memory_space<vmem>>
      %dma_start3A_66 = tpu.memref_squeeze %dma_start3A_65 : memref<1x128xi32, #tpu.memory_space<vmem>> -> memref<128xi32, #tpu.memory_space<vmem>>
      %dma_start3A_67 = arith.constant 0 : i32
      %dma_start3A_68 = arith.constant 0 : i32
      %dma_start3A_69 = tpu.memref_slice %arg16[%dma_start3A_67, %dma_start3A_68] : memref<10240x64xf32, #tpu.memory_space<vmem_shared>> -> memref<10240x64xf32, #tpu.memory_space<vmem_shared>>
      tpu.enqueue_indirect_dma source(%arg12 : memref<128x64xf32, #tpu.memory_space<vmem>>) target(%dma_start3A_69 : memref<10240x64xf32, #tpu.memory_space<vmem_shared>>) offsets(%dma_start3A_66 : memref<128xi32, #tpu.memory_space<vmem>>) semaphore(%arg21 : memref<!tpu.dma_semaphore, #tpu.memory_space<semaphore_mem>>) {add = true}
      %add3A_70 = arith.constant 1 : i32
      %add3A_71 = arith.addi %mul3A_44, %add3A_70 : i32
      %ge3A_72 = arith.constant 2 : i32
      %ge3A_73 = arith.cmpi sge, %add3A_71, %ge3A_72 : i32
      %convert_element_type3A_74 = arith.extui %ge3A_73 : i1 to i32
      %cond3A_75 = arith.constant 0 : i32
      %cond3A_76 = arith.cmpi ne, %convert_element_type3A_74, %cond3A_75 : i32
      scf.if %cond3A_76 {
        %sub3A_148 = arith.constant 2 : i32
        %sub3A_149 = arith.subi %add3A_71, %sub3A_148 : i32
        %dma_wait3A_150 = arith.constant 0 : i32
        %dma_wait3A_151 = tpu.memref_slice %arg11[%sub3A_149, %dma_wait3A_150] : memref<157x128xi32, #tpu.memory_space<vmem>> -> memref<1x128xi32, #tpu.memory_space<vmem>>
        %dma_wait3A_152 = tpu.memref_squeeze %dma_wait3A_151 : memref<1x128xi32, #tpu.memory_space<vmem>> -> memref<128xi32, #tpu.memory_space<vmem>>
        %dma_wait3A_153 = arith.constant 0 : i32
        %dma_wait3A_154 = arith.constant 0 : i32
        %dma_wait3A_155 = tpu.memref_slice %arg16[%dma_wait3A_153, %dma_wait3A_154] : memref<10240x64xf32, #tpu.memory_space<vmem_shared>> -> memref<10240x64xf32, #tpu.memory_space<vmem_shared>>
        tpu.wait_indirect_dma semaphore(%arg24 : memref<!tpu.dma_semaphore, #tpu.memory_space<semaphore_mem>>) src(%arg15 : memref<128x64xf32, #tpu.memory_space<vmem>>) dst(%dma_wait3A_155 : memref<10240x64xf32, #tpu.memory_space<vmem_shared>>)
      } else {
      }
      %add3A_77 = arith.constant 2 : i32
      %add3A_78 = arith.addi %add3A_71, %add3A_77 : i32
      %lt3A_79 = arith.constant 156 : i32
      %lt3A_80 = arith.cmpi slt, %add3A_78, %lt3A_79 : i32
      %convert_element_type3A_81 = arith.extui %lt3A_80 : i1 to i32
      %cond3A_82 = arith.constant 0 : i32
      %cond3A_83 = arith.cmpi ne, %convert_element_type3A_81, %cond3A_82 : i32
      scf.if %cond3A_83 {
        %add3A_148 = arith.constant 2 : i32
        %add3A_149 = arith.addi %add3A_71, %add3A_148 : i32
        %dma_start3A_150 = arith.constant 0 : i32
        %dma_start3A_151 = tpu.memref_slice %arg10[%add3A_149, %dma_start3A_150] : memref<157x128xi32, #tpu.memory_space<vmem>> -> memref<1x128xi32, #tpu.memory_space<vmem>>
        %dma_start3A_152 = tpu.memref_squeeze %dma_start3A_151 : memref<1x128xi32, #tpu.memory_space<vmem>> -> memref<128xi32, #tpu.memory_space<vmem>>
        %dma_start3A_153 = arith.constant 0 : i32
        %dma_start3A_154 = arith.constant 0 : i32
        %dma_start3A_155 = tpu.memref_slice %arg2[%dma_start3A_153, %dma_start3A_154] : memref<20000x64xf32, #tpu.memory_space<hbm>> -> memref<20000x64xf32, #tpu.memory_space<hbm>>
        tpu.enqueue_indirect_dma source(%dma_start3A_155 : memref<20000x64xf32, #tpu.memory_space<hbm>>) target(%arg15 : memref<128x64xf32, #tpu.memory_space<vmem>>) offsets(%dma_start3A_152 : memref<128xi32, #tpu.memory_space<vmem>>) semaphore(%arg20 : memref<!tpu.dma_semaphore, #tpu.memory_space<semaphore_mem>>)
      } else {
      }
      %dma_wait3A_84 = arith.constant 0 : i32
      %dma_wait3A_85 = tpu.memref_slice %arg10[%add3A_71, %dma_wait3A_84] : memref<157x128xi32, #tpu.memory_space<vmem>> -> memref<1x128xi32, #tpu.memory_space<vmem>>
      %dma_wait3A_86 = tpu.memref_squeeze %dma_wait3A_85 : memref<1x128xi32, #tpu.memory_space<vmem>> -> memref<128xi32, #tpu.memory_space<vmem>>
      %dma_wait3A_87 = arith.constant 0 : i32
      %dma_wait3A_88 = arith.constant 0 : i32
      %dma_wait3A_89 = tpu.memref_slice %arg2[%dma_wait3A_87, %dma_wait3A_88] : memref<20000x64xf32, #tpu.memory_space<hbm>> -> memref<20000x64xf32, #tpu.memory_space<hbm>>
      tpu.wait_indirect_dma semaphore(%arg18 : memref<!tpu.dma_semaphore, #tpu.memory_space<semaphore_mem>>) src(%dma_wait3A_89 : memref<20000x64xf32, #tpu.memory_space<hbm>>) dst(%arg13 : memref<128x64xf32, #tpu.memory_space<vmem>>)
      "tpu.region"() ({
        %run_scoped3A = tpu.sem_alloc : memref<!tpu.dma_semaphore, #tpu.memory_space<semaphore_mem>>
        %dma_start3A_148 = arith.constant 0 : i32
        %dma_start3A_149 = tpu.memref_slice %arg11[%add3A_71, %dma_start3A_148] : memref<157x128xi32, #tpu.memory_space<vmem>> -> memref<1x128xi32, #tpu.memory_space<vmem>>
        %dma_start3A_150 = tpu.memref_squeeze %dma_start3A_149 : memref<1x128xi32, #tpu.memory_space<vmem>> -> memref<128xi32, #tpu.memory_space<vmem>>
        %dma_start3A_151 = arith.constant 0 : i32
        %dma_start3A_152 = arith.constant 0 : i32
        %dma_start3A_153 = tpu.memref_slice %arg26[%dma_start3A_151, %dma_start3A_152] : memref<10240x16xf32, #tpu.memory_space<vmem_shared>> -> memref<10240x16xf32, #tpu.memory_space<vmem_shared>>
        tpu.enqueue_indirect_dma source(%arg25 : memref<128x16xf32, #tpu.memory_space<vmem>>) target(%dma_start3A_153 : memref<10240x16xf32, #tpu.memory_space<vmem_shared>>) offsets(%dma_start3A_150 : memref<128xi32, #tpu.memory_space<vmem>>) semaphore(%run_scoped3A : memref<!tpu.dma_semaphore, #tpu.memory_space<semaphore_mem>>) {add = true}
        %dma_wait3A_154 = arith.constant 0 : i32
        %dma_wait3A_155 = tpu.memref_slice %arg11[%add3A_71, %dma_wait3A_154] : memref<157x128xi32, #tpu.memory_space<vmem>> -> memref<1x128xi32, #tpu.memory_space<vmem>>
        %dma_wait3A_156 = tpu.memref_squeeze %dma_wait3A_155 : memref<1x128xi32, #tpu.memory_space<vmem>> -> memref<128xi32, #tpu.memory_space<vmem>>
        %dma_wait3A_157 = arith.constant 0 : i32
        %dma_wait3A_158 = arith.constant 0 : i32
        %dma_wait3A_159 = tpu.memref_slice %arg26[%dma_wait3A_157, %dma_wait3A_158] : memref<10240x16xf32, #tpu.memory_space<vmem_shared>> -> memref<10240x16xf32, #tpu.memory_space<vmem_shared>>
        tpu.wait_indirect_dma semaphore(%run_scoped3A : memref<!tpu.dma_semaphore, #tpu.memory_space<semaphore_mem>>) src(%arg25 : memref<128x16xf32, #tpu.memory_space<vmem>>) dst(%dma_wait3A_159 : memref<10240x16xf32, #tpu.memory_space<vmem_shared>>)
        tpu.yield
      }) : () -> ()
      %dma_start3A_90 = arith.constant 0 : i32
      %dma_start3A_91 = tpu.memref_slice %arg11[%add3A_71, %dma_start3A_90] : memref<157x128xi32, #tpu.memory_space<vmem>> -> memref<1x128xi32, #tpu.memory_space<vmem>>
      %dma_start3A_92 = tpu.memref_squeeze %dma_start3A_91 : memref<1x128xi32, #tpu.memory_space<vmem>> -> memref<128xi32, #tpu.memory_space<vmem>>
      %dma_start3A_93 = arith.constant 0 : i32
      %dma_start3A_94 = arith.constant 0 : i32
      %dma_start3A_95 = tpu.memref_slice %arg16[%dma_start3A_93, %dma_start3A_94] : memref<10240x64xf32, #tpu.memory_space<vmem_shared>> -> memref<10240x64xf32, #tpu.memory_space<vmem_shared>>
      tpu.enqueue_indirect_dma source(%arg13 : memref<128x64xf32, #tpu.memory_space<vmem>>) target(%dma_start3A_95 : memref<10240x64xf32, #tpu.memory_space<vmem_shared>>) offsets(%dma_start3A_92 : memref<128xi32, #tpu.memory_space<vmem>>) semaphore(%arg22 : memref<!tpu.dma_semaphore, #tpu.memory_space<semaphore_mem>>) {add = true}
      %add3A_96 = arith.constant 2 : i32
      %add3A_97 = arith.addi %mul3A_44, %add3A_96 : i32
      %ge3A_98 = arith.constant 2 : i32
      %ge3A_99 = arith.cmpi sge, %add3A_97, %ge3A_98 : i32
      %convert_element_type3A_100 = arith.extui %ge3A_99 : i1 to i32
      %cond3A_101 = arith.constant 0 : i32
      %cond3A_102 = arith.cmpi ne, %convert_element_type3A_100, %cond3A_101 : i32
      scf.if %cond3A_102 {
        %sub3A_148 = arith.constant 2 : i32
        %sub3A_149 = arith.subi %add3A_97, %sub3A_148 : i32
        %dma_wait3A_150 = arith.constant 0 : i32
        %dma_wait3A_151 = tpu.memref_slice %arg11[%sub3A_149, %dma_wait3A_150] : memref<157x128xi32, #tpu.memory_space<vmem>> -> memref<1x128xi32, #tpu.memory_space<vmem>>
        %dma_wait3A_152 = tpu.memref_squeeze %dma_wait3A_151 : memref<1x128xi32, #tpu.memory_space<vmem>> -> memref<128xi32, #tpu.memory_space<vmem>>
        %dma_wait3A_153 = arith.constant 0 : i32
        %dma_wait3A_154 = arith.constant 0 : i32
        %dma_wait3A_155 = tpu.memref_slice %arg16[%dma_wait3A_153, %dma_wait3A_154] : memref<10240x64xf32, #tpu.memory_space<vmem_shared>> -> memref<10240x64xf32, #tpu.memory_space<vmem_shared>>
        tpu.wait_indirect_dma semaphore(%arg21 : memref<!tpu.dma_semaphore, #tpu.memory_space<semaphore_mem>>) src(%arg12 : memref<128x64xf32, #tpu.memory_space<vmem>>) dst(%dma_wait3A_155 : memref<10240x64xf32, #tpu.memory_space<vmem_shared>>)
      } else {
      }
      %add3A_103 = arith.constant 2 : i32
      %add3A_104 = arith.addi %add3A_97, %add3A_103 : i32
      %lt3A_105 = arith.constant 156 : i32
      %lt3A_106 = arith.cmpi slt, %add3A_104, %lt3A_105 : i32
      %convert_element_type3A_107 = arith.extui %lt3A_106 : i1 to i32
      %cond3A_108 = arith.constant 0 : i32
      %cond3A_109 = arith.cmpi ne, %convert_element_type3A_107, %cond3A_108 : i32
      scf.if %cond3A_109 {
        %add3A_148 = arith.constant 2 : i32
        %add3A_149 = arith.addi %add3A_97, %add3A_148 : i32
        %dma_start3A_150 = arith.constant 0 : i32
        %dma_start3A_151 = tpu.memref_slice %arg10[%add3A_149, %dma_start3A_150] : memref<157x128xi32, #tpu.memory_space<vmem>> -> memref<1x128xi32, #tpu.memory_space<vmem>>
        %dma_start3A_152 = tpu.memref_squeeze %dma_start3A_151 : memref<1x128xi32, #tpu.memory_space<vmem>> -> memref<128xi32, #tpu.memory_space<vmem>>
        %dma_start3A_153 = arith.constant 0 : i32
        %dma_start3A_154 = arith.constant 0 : i32
        %dma_start3A_155 = tpu.memref_slice %arg2[%dma_start3A_153, %dma_start3A_154] : memref<20000x64xf32, #tpu.memory_space<hbm>> -> memref<20000x64xf32, #tpu.memory_space<hbm>>
        tpu.enqueue_indirect_dma source(%dma_start3A_155 : memref<20000x64xf32, #tpu.memory_space<hbm>>) target(%arg12 : memref<128x64xf32, #tpu.memory_space<vmem>>) offsets(%dma_start3A_152 : memref<128xi32, #tpu.memory_space<vmem>>) semaphore(%arg17 : memref<!tpu.dma_semaphore, #tpu.memory_space<semaphore_mem>>)
      } else {
      }
      %dma_wait3A_110 = arith.constant 0 : i32
      %dma_wait3A_111 = tpu.memref_slice %arg10[%add3A_97, %dma_wait3A_110] : memref<157x128xi32, #tpu.memory_space<vmem>> -> memref<1x128xi32, #tpu.memory_space<vmem>>
      %dma_wait3A_112 = tpu.memref_squeeze %dma_wait3A_111 : memref<1x128xi32, #tpu.memory_space<vmem>> -> memref<128xi32, #tpu.memory_space<vmem>>
      %dma_wait3A_113 = arith.constant 0 : i32
      %dma_wait3A_114 = arith.constant 0 : i32
      %dma_wait3A_115 = tpu.memref_slice %arg2[%dma_wait3A_113, %dma_wait3A_114] : memref<20000x64xf32, #tpu.memory_space<hbm>> -> memref<20000x64xf32, #tpu.memory_space<hbm>>
      tpu.wait_indirect_dma semaphore(%arg19 : memref<!tpu.dma_semaphore, #tpu.memory_space<semaphore_mem>>) src(%dma_wait3A_115 : memref<20000x64xf32, #tpu.memory_space<hbm>>) dst(%arg14 : memref<128x64xf32, #tpu.memory_space<vmem>>)
      "tpu.region"() ({
        %run_scoped3A = tpu.sem_alloc : memref<!tpu.dma_semaphore, #tpu.memory_space<semaphore_mem>>
        %dma_start3A_148 = arith.constant 0 : i32
        %dma_start3A_149 = tpu.memref_slice %arg11[%add3A_97, %dma_start3A_148] : memref<157x128xi32, #tpu.memory_space<vmem>> -> memref<1x128xi32, #tpu.memory_space<vmem>>
        %dma_start3A_150 = tpu.memref_squeeze %dma_start3A_149 : memref<1x128xi32, #tpu.memory_space<vmem>> -> memref<128xi32, #tpu.memory_space<vmem>>
        %dma_start3A_151 = arith.constant 0 : i32
        %dma_start3A_152 = arith.constant 0 : i32
        %dma_start3A_153 = tpu.memref_slice %arg26[%dma_start3A_151, %dma_start3A_152] : memref<10240x16xf32, #tpu.memory_space<vmem_shared>> -> memref<10240x16xf32, #tpu.memory_space<vmem_shared>>
        tpu.enqueue_indirect_dma source(%arg25 : memref<128x16xf32, #tpu.memory_space<vmem>>) target(%dma_start3A_153 : memref<10240x16xf32, #tpu.memory_space<vmem_shared>>) offsets(%dma_start3A_150 : memref<128xi32, #tpu.memory_space<vmem>>) semaphore(%run_scoped3A : memref<!tpu.dma_semaphore, #tpu.memory_space<semaphore_mem>>) {add = true}
        %dma_wait3A_154 = arith.constant 0 : i32
        %dma_wait3A_155 = tpu.memref_slice %arg11[%add3A_97, %dma_wait3A_154] : memref<157x128xi32, #tpu.memory_space<vmem>> -> memref<1x128xi32, #tpu.memory_space<vmem>>
        %dma_wait3A_156 = tpu.memref_squeeze %dma_wait3A_155 : memref<1x128xi32, #tpu.memory_space<vmem>> -> memref<128xi32, #tpu.memory_space<vmem>>
        %dma_wait3A_157 = arith.constant 0 : i32
        %dma_wait3A_158 = arith.constant 0 : i32
        %dma_wait3A_159 = tpu.memref_slice %arg26[%dma_wait3A_157, %dma_wait3A_158] : memref<10240x16xf32, #tpu.memory_space<vmem_shared>> -> memref<10240x16xf32, #tpu.memory_space<vmem_shared>>
        tpu.wait_indirect_dma semaphore(%run_scoped3A : memref<!tpu.dma_semaphore, #tpu.memory_space<semaphore_mem>>) src(%arg25 : memref<128x16xf32, #tpu.memory_space<vmem>>) dst(%dma_wait3A_159 : memref<10240x16xf32, #tpu.memory_space<vmem_shared>>)
        tpu.yield
      }) : () -> ()
      %dma_start3A_116 = arith.constant 0 : i32
      %dma_start3A_117 = tpu.memref_slice %arg11[%add3A_97, %dma_start3A_116] : memref<157x128xi32, #tpu.memory_space<vmem>> -> memref<1x128xi32, #tpu.memory_space<vmem>>
      %dma_start3A_118 = tpu.memref_squeeze %dma_start3A_117 : memref<1x128xi32, #tpu.memory_space<vmem>> -> memref<128xi32, #tpu.memory_space<vmem>>
      %dma_start3A_119 = arith.constant 0 : i32
      %dma_start3A_120 = arith.constant 0 : i32
      %dma_start3A_121 = tpu.memref_slice %arg16[%dma_start3A_119, %dma_start3A_120] : memref<10240x64xf32, #tpu.memory_space<vmem_shared>> -> memref<10240x64xf32, #tpu.memory_space<vmem_shared>>
      tpu.enqueue_indirect_dma source(%arg14 : memref<128x64xf32, #tpu.memory_space<vmem>>) target(%dma_start3A_121 : memref<10240x64xf32, #tpu.memory_space<vmem_shared>>) offsets(%dma_start3A_118 : memref<128xi32, #tpu.memory_space<vmem>>) semaphore(%arg23 : memref<!tpu.dma_semaphore, #tpu.memory_space<semaphore_mem>>) {add = true}
      %add3A_122 = arith.constant 3 : i32
      %add3A_123 = arith.addi %mul3A_44, %add3A_122 : i32
      %ge3A_124 = arith.constant 2 : i32
      %ge3A_125 = arith.cmpi sge, %add3A_123, %ge3A_124 : i32
      %convert_element_type3A_126 = arith.extui %ge3A_125 : i1 to i32
      %cond3A_127 = arith.constant 0 : i32
      %cond3A_128 = arith.cmpi ne, %convert_element_type3A_126, %cond3A_127 : i32
      scf.if %cond3A_128 {
        %sub3A_148 = arith.constant 2 : i32
        %sub3A_149 = arith.subi %add3A_123, %sub3A_148 : i32
        %dma_wait3A_150 = arith.constant 0 : i32
        %dma_wait3A_151 = tpu.memref_slice %arg11[%sub3A_149, %dma_wait3A_150] : memref<157x128xi32, #tpu.memory_space<vmem>> -> memref<1x128xi32, #tpu.memory_space<vmem>>
        %dma_wait3A_152 = tpu.memref_squeeze %dma_wait3A_151 : memref<1x128xi32, #tpu.memory_space<vmem>> -> memref<128xi32, #tpu.memory_space<vmem>>
        %dma_wait3A_153 = arith.constant 0 : i32
        %dma_wait3A_154 = arith.constant 0 : i32
        %dma_wait3A_155 = tpu.memref_slice %arg16[%dma_wait3A_153, %dma_wait3A_154] : memref<10240x64xf32, #tpu.memory_space<vmem_shared>> -> memref<10240x64xf32, #tpu.memory_space<vmem_shared>>
        tpu.wait_indirect_dma semaphore(%arg22 : memref<!tpu.dma_semaphore, #tpu.memory_space<semaphore_mem>>) src(%arg13 : memref<128x64xf32, #tpu.memory_space<vmem>>) dst(%dma_wait3A_155 : memref<10240x64xf32, #tpu.memory_space<vmem_shared>>)
      } else {
      }
      %add3A_129 = arith.constant 2 : i32
      %add3A_130 = arith.addi %add3A_123, %add3A_129 : i32
      %lt3A_131 = arith.constant 156 : i32
      %lt3A_132 = arith.cmpi slt, %add3A_130, %lt3A_131 : i32
      %convert_element_type3A_133 = arith.extui %lt3A_132 : i1 to i32
      %cond3A_134 = arith.constant 0 : i32
      %cond3A_135 = arith.cmpi ne, %convert_element_type3A_133, %cond3A_134 : i32
      scf.if %cond3A_135 {
        %add3A_148 = arith.constant 2 : i32
        %add3A_149 = arith.addi %add3A_123, %add3A_148 : i32
        %dma_start3A_150 = arith.constant 0 : i32
        %dma_start3A_151 = tpu.memref_slice %arg10[%add3A_149, %dma_start3A_150] : memref<157x128xi32, #tpu.memory_space<vmem>> -> memref<1x128xi32, #tpu.memory_space<vmem>>
        %dma_start3A_152 = tpu.memref_squeeze %dma_start3A_151 : memref<1x128xi32, #tpu.memory_space<vmem>> -> memref<128xi32, #tpu.memory_space<vmem>>
        %dma_start3A_153 = arith.constant 0 : i32
        %dma_start3A_154 = arith.constant 0 : i32
        %dma_start3A_155 = tpu.memref_slice %arg2[%dma_start3A_153, %dma_start3A_154] : memref<20000x64xf32, #tpu.memory_space<hbm>> -> memref<20000x64xf32, #tpu.memory_space<hbm>>
        tpu.enqueue_indirect_dma source(%dma_start3A_155 : memref<20000x64xf32, #tpu.memory_space<hbm>>) target(%arg13 : memref<128x64xf32, #tpu.memory_space<vmem>>) offsets(%dma_start3A_152 : memref<128xi32, #tpu.memory_space<vmem>>) semaphore(%arg18 : memref<!tpu.dma_semaphore, #tpu.memory_space<semaphore_mem>>)
      } else {
      }
      %dma_wait3A_136 = arith.constant 0 : i32
      %dma_wait3A_137 = tpu.memref_slice %arg10[%add3A_123, %dma_wait3A_136] : memref<157x128xi32, #tpu.memory_space<vmem>> -> memref<1x128xi32, #tpu.memory_space<vmem>>
      %dma_wait3A_138 = tpu.memref_squeeze %dma_wait3A_137 : memref<1x128xi32, #tpu.memory_space<vmem>> -> memref<128xi32, #tpu.memory_space<vmem>>
      %dma_wait3A_139 = arith.constant 0 : i32
      %dma_wait3A_140 = arith.constant 0 : i32
      %dma_wait3A_141 = tpu.memref_slice %arg2[%dma_wait3A_139, %dma_wait3A_140] : memref<20000x64xf32, #tpu.memory_space<hbm>> -> memref<20000x64xf32, #tpu.memory_space<hbm>>
      tpu.wait_indirect_dma semaphore(%arg20 : memref<!tpu.dma_semaphore, #tpu.memory_space<semaphore_mem>>) src(%dma_wait3A_141 : memref<20000x64xf32, #tpu.memory_space<hbm>>) dst(%arg15 : memref<128x64xf32, #tpu.memory_space<vmem>>)
      "tpu.region"() ({
        %run_scoped3A = tpu.sem_alloc : memref<!tpu.dma_semaphore, #tpu.memory_space<semaphore_mem>>
        %dma_start3A_148 = arith.constant 0 : i32
        %dma_start3A_149 = tpu.memref_slice %arg11[%add3A_123, %dma_start3A_148] : memref<157x128xi32, #tpu.memory_space<vmem>> -> memref<1x128xi32, #tpu.memory_space<vmem>>
        %dma_start3A_150 = tpu.memref_squeeze %dma_start3A_149 : memref<1x128xi32, #tpu.memory_space<vmem>> -> memref<128xi32, #tpu.memory_space<vmem>>
        %dma_start3A_151 = arith.constant 0 : i32
        %dma_start3A_152 = arith.constant 0 : i32
        %dma_start3A_153 = tpu.memref_slice %arg26[%dma_start3A_151, %dma_start3A_152] : memref<10240x16xf32, #tpu.memory_space<vmem_shared>> -> memref<10240x16xf32, #tpu.memory_space<vmem_shared>>
        tpu.enqueue_indirect_dma source(%arg25 : memref<128x16xf32, #tpu.memory_space<vmem>>) target(%dma_start3A_153 : memref<10240x16xf32, #tpu.memory_space<vmem_shared>>) offsets(%dma_start3A_150 : memref<128xi32, #tpu.memory_space<vmem>>) semaphore(%run_scoped3A : memref<!tpu.dma_semaphore, #tpu.memory_space<semaphore_mem>>) {add = true}
        %dma_wait3A_154 = arith.constant 0 : i32
        %dma_wait3A_155 = tpu.memref_slice %arg11[%add3A_123, %dma_wait3A_154] : memref<157x128xi32, #tpu.memory_space<vmem>> -> memref<1x128xi32, #tpu.memory_space<vmem>>
        %dma_wait3A_156 = tpu.memref_squeeze %dma_wait3A_155 : memref<1x128xi32, #tpu.memory_space<vmem>> -> memref<128xi32, #tpu.memory_space<vmem>>
        %dma_wait3A_157 = arith.constant 0 : i32
        %dma_wait3A_158 = arith.constant 0 : i32
        %dma_wait3A_159 = tpu.memref_slice %arg26[%dma_wait3A_157, %dma_wait3A_158] : memref<10240x16xf32, #tpu.memory_space<vmem_shared>> -> memref<10240x16xf32, #tpu.memory_space<vmem_shared>>
        tpu.wait_indirect_dma semaphore(%run_scoped3A : memref<!tpu.dma_semaphore, #tpu.memory_space<semaphore_mem>>) src(%arg25 : memref<128x16xf32, #tpu.memory_space<vmem>>) dst(%dma_wait3A_159 : memref<10240x16xf32, #tpu.memory_space<vmem_shared>>)
        tpu.yield
      }) : () -> ()
      %dma_start3A_142 = arith.constant 0 : i32
      %dma_start3A_143 = tpu.memref_slice %arg11[%add3A_123, %dma_start3A_142] : memref<157x128xi32, #tpu.memory_space<vmem>> -> memref<1x128xi32, #tpu.memory_space<vmem>>
      %dma_start3A_144 = tpu.memref_squeeze %dma_start3A_143 : memref<1x128xi32, #tpu.memory_space<vmem>> -> memref<128xi32, #tpu.memory_space<vmem>>
      %dma_start3A_145 = arith.constant 0 : i32
      %dma_start3A_146 = arith.constant 0 : i32
      %dma_start3A_147 = tpu.memref_slice %arg16[%dma_start3A_145, %dma_start3A_146] : memref<10240x64xf32, #tpu.memory_space<vmem_shared>> -> memref<10240x64xf32, #tpu.memory_space<vmem_shared>>
      tpu.enqueue_indirect_dma source(%arg15 : memref<128x64xf32, #tpu.memory_space<vmem>>) target(%dma_start3A_147 : memref<10240x64xf32, #tpu.memory_space<vmem_shared>>) offsets(%dma_start3A_144 : memref<128xi32, #tpu.memory_space<vmem>>) semaphore(%arg24 : memref<!tpu.dma_semaphore, #tpu.memory_space<semaphore_mem>>) {add = true}
    }
    %scan3A_25 = arith.constant 39 : i32
    %dma_wait3A = arith.constant 154 : i32
    %dma_wait3A_26 = arith.constant 0 : i32
    %dma_wait3A_27 = tpu.memref_slice %arg11[%dma_wait3A, %dma_wait3A_26] : memref<157x128xi32, #tpu.memory_space<vmem>> -> memref<1x128xi32, #tpu.memory_space<vmem>>
    %dma_wait3A_28 = tpu.memref_squeeze %dma_wait3A_27 : memref<1x128xi32, #tpu.memory_space<vmem>> -> memref<128xi32, #tpu.memory_space<vmem>>
    %dma_wait3A_29 = arith.constant 0 : i32
    %dma_wait3A_30 = arith.constant 0 : i32
    %dma_wait3A_31 = tpu.memref_slice %arg16[%dma_wait3A_29, %dma_wait3A_30] : memref<10240x64xf32, #tpu.memory_space<vmem_shared>> -> memref<10240x64xf32, #tpu.memory_space<vmem_shared>>
    tpu.wait_indirect_dma semaphore(%arg23 : memref<!tpu.dma_semaphore, #tpu.memory_space<semaphore_mem>>) src(%arg14 : memref<128x64xf32, #tpu.memory_space<vmem>>) dst(%dma_wait3A_31 : memref<10240x64xf32, #tpu.memory_space<vmem_shared>>)
    %dma_wait3A_32 = arith.constant 155 : i32
    %dma_wait3A_33 = arith.constant 0 : i32
    %dma_wait3A_34 = tpu.memref_slice %arg11[%dma_wait3A_32, %dma_wait3A_33] : memref<157x128xi32, #tpu.memory_space<vmem>> -> memref<1x128xi32, #tpu.memory_space<vmem>>
    %dma_wait3A_35 = tpu.memref_squeeze %dma_wait3A_34 : memref<1x128xi32, #tpu.memory_space<vmem>> -> memref<128xi32, #tpu.memory_space<vmem>>
    %dma_wait3A_36 = arith.constant 0 : i32
    %dma_wait3A_37 = arith.constant 0 : i32
    %dma_wait3A_38 = tpu.memref_slice %arg16[%dma_wait3A_36, %dma_wait3A_37] : memref<10240x64xf32, #tpu.memory_space<vmem_shared>> -> memref<10240x64xf32, #tpu.memory_space<vmem_shared>>
    tpu.wait_indirect_dma semaphore(%arg24 : memref<!tpu.dma_semaphore, #tpu.memory_space<semaphore_mem>>) src(%arg15 : memref<128x64xf32, #tpu.memory_space<vmem>>) dst(%dma_wait3A_38 : memref<10240x64xf32, #tpu.memory_space<vmem_shared>>)
    %ge3A = arith.constant 24 : i32
    %ge3A_39 = arith.cmpi sge, %add3A, %ge3A : i32
    %convert_element_type3A = arith.extui %ge3A_39 : i1 to i32
    %cond3A = arith.constant 0 : i32
    %cond3A_40 = arith.cmpi ne, %convert_element_type3A, %cond3A : i32
    scf.if %cond3A_40 {
      %dma_start3A_42 = arith.constant 156 : i32
      %dma_start3A_43 = arith.constant 0 : i32
      %dma_start3A_44 = tpu.memref_slice %arg10[%dma_start3A_42, %dma_start3A_43] : memref<157x128xi32, #tpu.memory_space<vmem>> -> memref<1x128xi32, #tpu.memory_space<vmem>>
      %dma_start3A_45 = tpu.memref_squeeze %dma_start3A_44 : memref<1x128xi32, #tpu.memory_space<vmem>> -> memref<128xi32, #tpu.memory_space<vmem>>
      %dma_start3A_46 = arith.constant 0 : i32
      %dma_start3A_47 = arith.constant 0 : i32
      %dma_start3A_48 = tpu.memref_slice %arg2[%dma_start3A_46, %dma_start3A_47] : memref<20000x64xf32, #tpu.memory_space<hbm>> -> memref<20000x64xf32, #tpu.memory_space<hbm>>
      tpu.enqueue_indirect_dma source(%dma_start3A_48 : memref<20000x64xf32, #tpu.memory_space<hbm>>) target(%arg12 : memref<128x64xf32, #tpu.memory_space<vmem>>) offsets(%dma_start3A_45 : memref<128xi32, #tpu.memory_space<vmem>>) semaphore(%arg17 : memref<!tpu.dma_semaphore, #tpu.memory_space<semaphore_mem>>)
      %dma_wait3A_49 = arith.constant 156 : i32
      %dma_wait3A_50 = arith.constant 0 : i32
      %dma_wait3A_51 = tpu.memref_slice %arg10[%dma_wait3A_49, %dma_wait3A_50] : memref<157x128xi32, #tpu.memory_space<vmem>> -> memref<1x128xi32, #tpu.memory_space<vmem>>
      %dma_wait3A_52 = tpu.memref_squeeze %dma_wait3A_51 : memref<1x128xi32, #tpu.memory_space<vmem>> -> memref<128xi32, #tpu.memory_space<vmem>>
      %dma_wait3A_53 = arith.constant 0 : i32
      %dma_wait3A_54 = arith.constant 0 : i32
      %dma_wait3A_55 = tpu.memref_slice %arg2[%dma_wait3A_53, %dma_wait3A_54] : memref<20000x64xf32, #tpu.memory_space<hbm>> -> memref<20000x64xf32, #tpu.memory_space<hbm>>
      tpu.wait_indirect_dma semaphore(%arg17 : memref<!tpu.dma_semaphore, #tpu.memory_space<semaphore_mem>>) src(%dma_wait3A_55 : memref<20000x64xf32, #tpu.memory_space<hbm>>) dst(%arg12 : memref<128x64xf32, #tpu.memory_space<vmem>>)
      %run_scoped3A = arith.constant 156 : i32
      "tpu.region"() ({
        %run_scoped3A_70 = tpu.sem_alloc : memref<!tpu.dma_semaphore, #tpu.memory_space<semaphore_mem>>
        %dma_start3A_71 = arith.constant 0 : i32
        %dma_start3A_72 = tpu.memref_slice %arg11[%run_scoped3A, %dma_start3A_71] : memref<157x128xi32, #tpu.memory_space<vmem>> -> memref<1x128xi32, #tpu.memory_space<vmem>>
        %dma_start3A_73 = tpu.memref_squeeze %dma_start3A_72 : memref<1x128xi32, #tpu.memory_space<vmem>> -> memref<128xi32, #tpu.memory_space<vmem>>
        %dma_start3A_74 = arith.constant 0 : i32
        %dma_start3A_75 = arith.constant 0 : i32
        %dma_start3A_76 = tpu.memref_slice %arg26[%dma_start3A_74, %dma_start3A_75] : memref<10240x16xf32, #tpu.memory_space<vmem_shared>> -> memref<10240x16xf32, #tpu.memory_space<vmem_shared>>
        tpu.enqueue_indirect_dma source(%arg25 : memref<128x16xf32, #tpu.memory_space<vmem>>) target(%dma_start3A_76 : memref<10240x16xf32, #tpu.memory_space<vmem_shared>>) offsets(%dma_start3A_73 : memref<128xi32, #tpu.memory_space<vmem>>) semaphore(%run_scoped3A_70 : memref<!tpu.dma_semaphore, #tpu.memory_space<semaphore_mem>>) {add = true}
        %dma_wait3A_77 = arith.constant 0 : i32
        %dma_wait3A_78 = tpu.memref_slice %arg11[%run_scoped3A, %dma_wait3A_77] : memref<157x128xi32, #tpu.memory_space<vmem>> -> memref<1x128xi32, #tpu.memory_space<vmem>>
        %dma_wait3A_79 = tpu.memref_squeeze %dma_wait3A_78 : memref<1x128xi32, #tpu.memory_space<vmem>> -> memref<128xi32, #tpu.memory_space<vmem>>
        %dma_wait3A_80 = arith.constant 0 : i32
        %dma_wait3A_81 = arith.constant 0 : i32
        %dma_wait3A_82 = tpu.memref_slice %arg26[%dma_wait3A_80, %dma_wait3A_81] : memref<10240x16xf32, #tpu.memory_space<vmem_shared>> -> memref<10240x16xf32, #tpu.memory_space<vmem_shared>>
        tpu.wait_indirect_dma semaphore(%run_scoped3A_70 : memref<!tpu.dma_semaphore, #tpu.memory_space<semaphore_mem>>) src(%arg25 : memref<128x16xf32, #tpu.memory_space<vmem>>) dst(%dma_wait3A_82 : memref<10240x16xf32, #tpu.memory_space<vmem_shared>>)
        tpu.yield
      }) : () -> ()
      %dma_start3A_56 = arith.constant 156 : i32
      %dma_start3A_57 = arith.constant 0 : i32
      %dma_start3A_58 = tpu.memref_slice %arg11[%dma_start3A_56, %dma_start3A_57] : memref<157x128xi32, #tpu.memory_space<vmem>> -> memref<1x128xi32, #tpu.memory_space<vmem>>
      %dma_start3A_59 = tpu.memref_squeeze %dma_start3A_58 : memref<1x128xi32, #tpu.memory_space<vmem>> -> memref<128xi32, #tpu.memory_space<vmem>>
      %dma_start3A_60 = arith.constant 0 : i32
      %dma_start3A_61 = arith.constant 0 : i32
      %dma_start3A_62 = tpu.memref_slice %arg16[%dma_start3A_60, %dma_start3A_61] : memref<10240x64xf32, #tpu.memory_space<vmem_shared>> -> memref<10240x64xf32, #tpu.memory_space<vmem_shared>>
      tpu.enqueue_indirect_dma source(%arg12 : memref<128x64xf32, #tpu.memory_space<vmem>>) target(%dma_start3A_62 : memref<10240x64xf32, #tpu.memory_space<vmem_shared>>) offsets(%dma_start3A_59 : memref<128xi32, #tpu.memory_space<vmem>>) semaphore(%arg21 : memref<!tpu.dma_semaphore, #tpu.memory_space<semaphore_mem>>) {add = true}
      %dma_wait3A_63 = arith.constant 156 : i32
      %dma_wait3A_64 = arith.constant 0 : i32
      %dma_wait3A_65 = tpu.memref_slice %arg11[%dma_wait3A_63, %dma_wait3A_64] : memref<157x128xi32, #tpu.memory_space<vmem>> -> memref<1x128xi32, #tpu.memory_space<vmem>>
      %dma_wait3A_66 = tpu.memref_squeeze %dma_wait3A_65 : memref<1x128xi32, #tpu.memory_space<vmem>> -> memref<128xi32, #tpu.memory_space<vmem>>
      %dma_wait3A_67 = arith.constant 0 : i32
      %dma_wait3A_68 = arith.constant 0 : i32
      %dma_wait3A_69 = tpu.memref_slice %arg16[%dma_wait3A_67, %dma_wait3A_68] : memref<10240x64xf32, #tpu.memory_space<vmem_shared>> -> memref<10240x64xf32, #tpu.memory_space<vmem_shared>>
      tpu.wait_indirect_dma semaphore(%arg21 : memref<!tpu.dma_semaphore, #tpu.memory_space<semaphore_mem>>) src(%arg12 : memref<128x64xf32, #tpu.memory_space<vmem>>) dst(%dma_wait3A_69 : memref<10240x64xf32, #tpu.memory_space<vmem_shared>>)
    } else {
    }
    %barrier3A_41 = arith.constant 0 : index
    tpu.barrier barrier_id(%barrier3A_41)
    "tpu.region"() ({
      %run_scoped3A = tpu.sem_alloc : memref<!tpu.dma_semaphore, #tpu.memory_space<semaphore_mem>>
      %dma_start3A_42 = arith.constant 0 : i32
      %dma_start3A_43 = tpu.memref_slice %arg8[%arg0, %mul3A_0, %dma_start3A_42] : memref<2x10240x64xf32, #tpu.memory_space<hbm>> -> memref<1x640x64xf32, #tpu.memory_space<hbm>>
      %dma_start3A_44 = tpu.memref_squeeze %dma_start3A_43 : memref<1x640x64xf32, #tpu.memory_space<hbm>> -> memref<640x64xf32, #tpu.memory_space<hbm>>
      %dma_start3A_45 = arith.constant 0 : i32
      %dma_start3A_46 = tpu.memref_slice %arg16[%mul3A_0, %dma_start3A_45] : memref<10240x64xf32, #tpu.memory_space<vmem_shared>> -> memref<640x64xf32, #tpu.memory_space<vmem_shared>>
      tpu.enqueue_dma source(%dma_start3A_46 : memref<640x64xf32, #tpu.memory_space<vmem_shared>>) target(%dma_start3A_44 : memref<640x64xf32, #tpu.memory_space<hbm>>) target_semaphore(%run_scoped3A : memref<!tpu.dma_semaphore, #tpu.memory_space<semaphore_mem>>)
      %dma_wait3A_47 = arith.constant 0 : i32
      %dma_wait3A_48 = tpu.memref_slice %arg8[%arg0, %mul3A_0, %dma_wait3A_47] : memref<2x10240x64xf32, #tpu.memory_space<hbm>> -> memref<1x640x64xf32, #tpu.memory_space<hbm>>
      %dma_wait3A_49 = tpu.memref_squeeze %dma_wait3A_48 : memref<1x640x64xf32, #tpu.memory_space<hbm>> -> memref<640x64xf32, #tpu.memory_space<hbm>>
      %dma_wait3A_50 = arith.constant 0 : i32
      %dma_wait3A_51 = tpu.memref_slice %arg16[%mul3A_0, %dma_wait3A_50] : memref<10240x64xf32, #tpu.memory_space<vmem_shared>> -> memref<640x64xf32, #tpu.memory_space<vmem_shared>>
      tpu.wait_dma2 semaphore(%run_scoped3A : memref<!tpu.dma_semaphore, #tpu.memory_space<semaphore_mem>>) src(%dma_wait3A_51 : memref<640x64xf32, #tpu.memory_space<vmem_shared>>) dst(%dma_wait3A_49 : memref<640x64xf32, #tpu.memory_space<hbm>>)
      tpu.yield
    }) : () -> ()
    "tpu.region"() ({
      %run_scoped3A = tpu.sem_alloc : memref<!tpu.dma_semaphore, #tpu.memory_space<semaphore_mem>>
      %dma_start3A_42 = arith.constant 0 : i32
      %dma_start3A_43 = tpu.memref_slice %arg9[%arg0, %mul3A_0, %dma_start3A_42] : memref<2x10240x16xf32, #tpu.memory_space<hbm>> -> memref<1x640x16xf32, #tpu.memory_space<hbm>>
      %dma_start3A_44 = tpu.memref_squeeze %dma_start3A_43 : memref<1x640x16xf32, #tpu.memory_space<hbm>> -> memref<640x16xf32, #tpu.memory_space<hbm>>
      %dma_start3A_45 = arith.constant 0 : i32
      %dma_start3A_46 = tpu.memref_slice %arg26[%mul3A_0, %dma_start3A_45] : memref<10240x16xf32, #tpu.memory_space<vmem_shared>> -> memref<640x16xf32, #tpu.memory_space<vmem_shared>>
      tpu.enqueue_dma source(%dma_start3A_46 : memref<640x16xf32, #tpu.memory_space<vmem_shared>>) target(%dma_start3A_44 : memref<640x16xf32, #tpu.memory_space<hbm>>) target_semaphore(%run_scoped3A : memref<!tpu.dma_semaphore, #tpu.memory_space<semaphore_mem>>)
      %dma_wait3A_47 = arith.constant 0 : i32
      %dma_wait3A_48 = tpu.memref_slice %arg9[%arg0, %mul3A_0, %dma_wait3A_47] : memref<2x10240x16xf32, #tpu.memory_space<hbm>> -> memref<1x640x16xf32, #tpu.memory_space<hbm>>
      %dma_wait3A_49 = tpu.memref_squeeze %dma_wait3A_48 : memref<1x640x16xf32, #tpu.memory_space<hbm>> -> memref<640x16xf32, #tpu.memory_space<hbm>>
      %dma_wait3A_50 = arith.constant 0 : i32
      %dma_wait3A_51 = tpu.memref_slice %arg26[%mul3A_0, %dma_wait3A_50] : memref<10240x16xf32, #tpu.memory_space<vmem_shared>> -> memref<640x16xf32, #tpu.memory_space<vmem_shared>>
      tpu.wait_dma2 semaphore(%run_scoped3A : memref<!tpu.dma_semaphore, #tpu.memory_space<semaphore_mem>>) src(%dma_wait3A_51 : memref<640x16xf32, #tpu.memory_space<vmem_shared>>) dst(%dma_wait3A_49 : memref<640x16xf32, #tpu.memory_space<hbm>>)
      tpu.yield
    }) : () -> ()
    return
  }
}

#map = affine_map<(d0, d1) -> (0, 0)>
#map1 = affine_map<(d0, d1) -> (0, 0, 0)>
module attributes {stable_mosaic.version = 14 : i64} {
  func.func @body(%arg0: i32, %arg1: i32, %arg2: memref<20000x64xf32, #tpu.memory_space<hbm>>, %arg3: memref<5000x128xi32, #tpu.memory_space<hbm>>, %arg4: memref<5000x128xi32, #tpu.memory_space<hbm>>, %arg5: memref<10240x64xf32, #tpu.memory_space<hbm>>, %arg6: memref<2x10240x64xf32, #tpu.memory_space<hbm>>, %arg7: memref<157x128xi32, #tpu.memory_space<vmem>>, %arg8: memref<157x128xi32, #tpu.memory_space<vmem>>, %arg9: memref<128x64xf32, #tpu.memory_space<vmem>>, %arg10: memref<128x64xf32, #tpu.memory_space<vmem>>, %arg11: memref<128x64xf32, #tpu.memory_space<vmem>>, %arg12: memref<128x64xf32, #tpu.memory_space<vmem>>, %arg13: memref<10240x64xf32, #tpu.memory_space<vmem_shared>>, %arg14: memref<!tpu.dma_semaphore, #tpu.memory_space<semaphore_mem>>, %arg15: memref<!tpu.dma_semaphore, #tpu.memory_space<semaphore_mem>>, %arg16: memref<!tpu.dma_semaphore, #tpu.memory_space<semaphore_mem>>, %arg17: memref<!tpu.dma_semaphore, #tpu.memory_space<semaphore_mem>>, %arg18: memref<!tpu.dma_semaphore, #tpu.memory_space<semaphore_mem>>, %arg19: memref<!tpu.dma_semaphore, #tpu.memory_space<semaphore_mem>>, %arg20: memref<!tpu.dma_semaphore, #tpu.memory_space<semaphore_mem>>, %arg21: memref<!tpu.dma_semaphore, #tpu.memory_space<semaphore_mem>>) attributes {dimension_semantics = [#tpu.dimension_semantics<core_parallel>, #tpu.dimension_semantics<subcore_parallel>], iteration_bounds = array<i64: 2, 16>, scalar_prefetch = 0 : i64, scratch_operands = 15 : i64, tpu.core_type = #tpu.core_type<sc_vector_subcore>, window_params = [{transform_indices = #map}, {transform_indices = #map}, {transform_indices = #map}, {transform_indices = #map}, {transform_indices = #map1}]} {
    %mul3A = arith.constant 640 : i32
    %mul3A_0 = arith.muli %arg1, %mul3A : i32
    "tpu.region"() ({
      %run_scoped3A = tpu.sem_alloc : memref<!tpu.dma_semaphore, #tpu.memory_space<semaphore_mem>>
      %dma_start3A_42 = arith.constant 0 : i32
      %dma_start3A_43 = tpu.memref_slice %arg13[%mul3A_0, %dma_start3A_42] : memref<10240x64xf32, #tpu.memory_space<vmem_shared>> -> memref<640x64xf32, #tpu.memory_space<vmem_shared>>
      %dma_start3A_44 = arith.constant 0 : i32
      %dma_start3A_45 = tpu.memref_slice %arg5[%mul3A_0, %dma_start3A_44] : memref<10240x64xf32, #tpu.memory_space<hbm>> -> memref<640x64xf32, #tpu.memory_space<hbm>>
      tpu.enqueue_dma source(%dma_start3A_45 : memref<640x64xf32, #tpu.memory_space<hbm>>) target(%dma_start3A_43 : memref<640x64xf32, #tpu.memory_space<vmem_shared>>) target_semaphore(%run_scoped3A : memref<!tpu.dma_semaphore, #tpu.memory_space<semaphore_mem>>)
      %dma_wait3A_46 = arith.constant 0 : i32
      %dma_wait3A_47 = tpu.memref_slice %arg13[%mul3A_0, %dma_wait3A_46] : memref<10240x64xf32, #tpu.memory_space<vmem_shared>> -> memref<640x64xf32, #tpu.memory_space<vmem_shared>>
      %dma_wait3A_48 = arith.constant 0 : i32
      %dma_wait3A_49 = tpu.memref_slice %arg5[%mul3A_0, %dma_wait3A_48] : memref<10240x64xf32, #tpu.memory_space<hbm>> -> memref<640x64xf32, #tpu.memory_space<hbm>>
      tpu.wait_dma2 semaphore(%run_scoped3A : memref<!tpu.dma_semaphore, #tpu.memory_space<semaphore_mem>>) src(%dma_wait3A_49 : memref<640x64xf32, #tpu.memory_space<hbm>>) dst(%dma_wait3A_47 : memref<640x64xf32, #tpu.memory_space<vmem_shared>>)
      tpu.yield
    }) : () -> ()
    %mul3A_1 = arith.constant 16 : i32
    %mul3A_2 = arith.muli %arg0, %mul3A_1 : i32
    %add3A = arith.addi %mul3A_2, %arg1 : i32
    %mul3A_3 = arith.constant 156 : i32
    %mul3A_4 = arith.muli %mul3A_3, %add3A : i32
    %sub3A = arith.constant 24 : i32
    %sub3A_5 = arith.subi %add3A, %sub3A : i32
    %max3A = arith.constant 0 : i32
    %max3A_6 = arith.maxsi %sub3A_5, %max3A : i32
    %add3A_7 = arith.addi %mul3A_4, %max3A_6 : i32
    "tpu.region"() ({
      %run_scoped3A = tpu.sem_alloc : memref<!tpu.dma_semaphore, #tpu.memory_space<semaphore_mem>>
      %dma_start3A_42 = arith.constant 0 : i32
      %dma_start3A_43 = tpu.memref_slice %arg3[%add3A_7, %dma_start3A_42] : memref<5000x128xi32, #tpu.memory_space<hbm>> -> memref<157x128xi32, #tpu.memory_space<hbm>>
      %dma_start3A_44 = arith.constant 0 : i32
      %dma_start3A_45 = tpu.memref_slice %arg3[%add3A_7, %dma_start3A_44] : memref<5000x128xi32, #tpu.memory_space<hbm>> -> memref<157x128xi32, #tpu.memory_space<hbm>>
      tpu.enqueue_dma source(%dma_start3A_45 : memref<157x128xi32, #tpu.memory_space<hbm>>) target(%arg7 : memref<157x128xi32, #tpu.memory_space<vmem>>) target_semaphore(%run_scoped3A : memref<!tpu.dma_semaphore, #tpu.memory_space<semaphore_mem>>)
      %dma_wait3A_46 = arith.constant 0 : i32
      %dma_wait3A_47 = tpu.memref_slice %arg3[%add3A_7, %dma_wait3A_46] : memref<5000x128xi32, #tpu.memory_space<hbm>> -> memref<157x128xi32, #tpu.memory_space<hbm>>
      %dma_wait3A_48 = arith.constant 0 : i32
      %dma_wait3A_49 = tpu.memref_slice %arg3[%add3A_7, %dma_wait3A_48] : memref<5000x128xi32, #tpu.memory_space<hbm>> -> memref<157x128xi32, #tpu.memory_space<hbm>>
      tpu.wait_dma2 semaphore(%run_scoped3A : memref<!tpu.dma_semaphore, #tpu.memory_space<semaphore_mem>>) src(%dma_wait3A_49 : memref<157x128xi32, #tpu.memory_space<hbm>>) dst(%arg7 : memref<157x128xi32, #tpu.memory_space<vmem>>)
      tpu.yield
    }) : () -> ()
    "tpu.region"() ({
      %run_scoped3A = tpu.sem_alloc : memref<!tpu.dma_semaphore, #tpu.memory_space<semaphore_mem>>
      %dma_start3A_42 = arith.constant 0 : i32
      %dma_start3A_43 = tpu.memref_slice %arg4[%add3A_7, %dma_start3A_42] : memref<5000x128xi32, #tpu.memory_space<hbm>> -> memref<157x128xi32, #tpu.memory_space<hbm>>
      %dma_start3A_44 = arith.constant 0 : i32
      %dma_start3A_45 = tpu.memref_slice %arg4[%add3A_7, %dma_start3A_44] : memref<5000x128xi32, #tpu.memory_space<hbm>> -> memref<157x128xi32, #tpu.memory_space<hbm>>
      tpu.enqueue_dma source(%dma_start3A_45 : memref<157x128xi32, #tpu.memory_space<hbm>>) target(%arg8 : memref<157x128xi32, #tpu.memory_space<vmem>>) target_semaphore(%run_scoped3A : memref<!tpu.dma_semaphore, #tpu.memory_space<semaphore_mem>>)
      %dma_wait3A_46 = arith.constant 0 : i32
      %dma_wait3A_47 = tpu.memref_slice %arg4[%add3A_7, %dma_wait3A_46] : memref<5000x128xi32, #tpu.memory_space<hbm>> -> memref<157x128xi32, #tpu.memory_space<hbm>>
      %dma_wait3A_48 = arith.constant 0 : i32
      %dma_wait3A_49 = tpu.memref_slice %arg4[%add3A_7, %dma_wait3A_48] : memref<5000x128xi32, #tpu.memory_space<hbm>> -> memref<157x128xi32, #tpu.memory_space<hbm>>
      tpu.wait_dma2 semaphore(%run_scoped3A : memref<!tpu.dma_semaphore, #tpu.memory_space<semaphore_mem>>) src(%dma_wait3A_49 : memref<157x128xi32, #tpu.memory_space<hbm>>) dst(%arg8 : memref<157x128xi32, #tpu.memory_space<vmem>>)
      tpu.yield
    }) : () -> ()
    %barrier3A = arith.constant 0 : index
    tpu.barrier barrier_id(%barrier3A)
    %dma_start3A = arith.constant 0 : i32
    %dma_start3A_8 = arith.constant 0 : i32
    %dma_start3A_9 = tpu.memref_slice %arg7[%dma_start3A, %dma_start3A_8] : memref<157x128xi32, #tpu.memory_space<vmem>> -> memref<1x128xi32, #tpu.memory_space<vmem>>
    %dma_start3A_10 = tpu.memref_squeeze %dma_start3A_9 : memref<1x128xi32, #tpu.memory_space<vmem>> -> memref<128xi32, #tpu.memory_space<vmem>>
    %dma_start3A_11 = arith.constant 0 : i32
    %dma_start3A_12 = arith.constant 0 : i32
    %dma_start3A_13 = tpu.memref_slice %arg2[%dma_start3A_11, %dma_start3A_12] : memref<20000x64xf32, #tpu.memory_space<hbm>> -> memref<20000x64xf32, #tpu.memory_space<hbm>>
    tpu.enqueue_indirect_dma source(%dma_start3A_13 : memref<20000x64xf32, #tpu.memory_space<hbm>>) target(%arg9 : memref<128x64xf32, #tpu.memory_space<vmem>>) offsets(%dma_start3A_10 : memref<128xi32, #tpu.memory_space<vmem>>) semaphore(%arg14 : memref<!tpu.dma_semaphore, #tpu.memory_space<semaphore_mem>>)
    %dma_start3A_14 = arith.constant 1 : i32
    %dma_start3A_15 = arith.constant 0 : i32
    %dma_start3A_16 = tpu.memref_slice %arg7[%dma_start3A_14, %dma_start3A_15] : memref<157x128xi32, #tpu.memory_space<vmem>> -> memref<1x128xi32, #tpu.memory_space<vmem>>
    %dma_start3A_17 = tpu.memref_squeeze %dma_start3A_16 : memref<1x128xi32, #tpu.memory_space<vmem>> -> memref<128xi32, #tpu.memory_space<vmem>>
    %dma_start3A_18 = arith.constant 0 : i32
    %dma_start3A_19 = arith.constant 0 : i32
    %dma_start3A_20 = tpu.memref_slice %arg2[%dma_start3A_18, %dma_start3A_19] : memref<20000x64xf32, #tpu.memory_space<hbm>> -> memref<20000x64xf32, #tpu.memory_space<hbm>>
    tpu.enqueue_indirect_dma source(%dma_start3A_20 : memref<20000x64xf32, #tpu.memory_space<hbm>>) target(%arg10 : memref<128x64xf32, #tpu.memory_space<vmem>>) offsets(%dma_start3A_17 : memref<128xi32, #tpu.memory_space<vmem>>) semaphore(%arg15 : memref<!tpu.dma_semaphore, #tpu.memory_space<semaphore_mem>>)
    %scan3A = arith.constant 0 : i32
    %scan3A_21 = arith.constant 0 : i32
    %scan3A_22 = arith.constant 39 : i32
    %scan3A_23 = arith.addi %scan3A_21, %scan3A_22 : i32
    %scan3A_24 = arith.constant 1 : i32
    scf.for %scan3A_42 = %scan3A_21 to %scan3A_23 step %scan3A_24  : i32 {
      %mul3A_43 = arith.constant 4 : i32
      %mul3A_44 = arith.muli %mul3A_43, %scan3A_42 : i32
      %add3A_45 = arith.constant 0 : i32
      %add3A_46 = arith.addi %mul3A_44, %add3A_45 : i32
      %ge3A_47 = arith.constant 2 : i32
      %ge3A_48 = arith.cmpi sge, %add3A_46, %ge3A_47 : i32
      %convert_element_type3A_49 = arith.extui %ge3A_48 : i1 to i32
      %cond3A_50 = arith.constant 0 : i32
      %cond3A_51 = arith.cmpi ne, %convert_element_type3A_49, %cond3A_50 : i32
      scf.if %cond3A_51 {
        %sub3A_148 = arith.constant 2 : i32
        %sub3A_149 = arith.subi %add3A_46, %sub3A_148 : i32
        %dma_wait3A_150 = arith.constant 0 : i32
        %dma_wait3A_151 = tpu.memref_slice %arg8[%sub3A_149, %dma_wait3A_150] : memref<157x128xi32, #tpu.memory_space<vmem>> -> memref<1x128xi32, #tpu.memory_space<vmem>>
        %dma_wait3A_152 = tpu.memref_squeeze %dma_wait3A_151 : memref<1x128xi32, #tpu.memory_space<vmem>> -> memref<128xi32, #tpu.memory_space<vmem>>
        %dma_wait3A_153 = arith.constant 0 : i32
        %dma_wait3A_154 = arith.constant 0 : i32
        %dma_wait3A_155 = tpu.memref_slice %arg13[%dma_wait3A_153, %dma_wait3A_154] : memref<10240x64xf32, #tpu.memory_space<vmem_shared>> -> memref<10240x64xf32, #tpu.memory_space<vmem_shared>>
        tpu.wait_indirect_dma semaphore(%arg20 : memref<!tpu.dma_semaphore, #tpu.memory_space<semaphore_mem>>) src(%arg11 : memref<128x64xf32, #tpu.memory_space<vmem>>) dst(%dma_wait3A_155 : memref<10240x64xf32, #tpu.memory_space<vmem_shared>>)
      } else {
      }
      %add3A_52 = arith.constant 2 : i32
      %add3A_53 = arith.addi %add3A_46, %add3A_52 : i32
      %lt3A = arith.constant 156 : i32
      %lt3A_54 = arith.cmpi slt, %add3A_53, %lt3A : i32
      %convert_element_type3A_55 = arith.extui %lt3A_54 : i1 to i32
      %cond3A_56 = arith.constant 0 : i32
      %cond3A_57 = arith.cmpi ne, %convert_element_type3A_55, %cond3A_56 : i32
      scf.if %cond3A_57 {
        %add3A_148 = arith.constant 2 : i32
        %add3A_149 = arith.addi %add3A_46, %add3A_148 : i32
        %dma_start3A_150 = arith.constant 0 : i32
        %dma_start3A_151 = tpu.memref_slice %arg7[%add3A_149, %dma_start3A_150] : memref<157x128xi32, #tpu.memory_space<vmem>> -> memref<1x128xi32, #tpu.memory_space<vmem>>
        %dma_start3A_152 = tpu.memref_squeeze %dma_start3A_151 : memref<1x128xi32, #tpu.memory_space<vmem>> -> memref<128xi32, #tpu.memory_space<vmem>>
        %dma_start3A_153 = arith.constant 0 : i32
        %dma_start3A_154 = arith.constant 0 : i32
        %dma_start3A_155 = tpu.memref_slice %arg2[%dma_start3A_153, %dma_start3A_154] : memref<20000x64xf32, #tpu.memory_space<hbm>> -> memref<20000x64xf32, #tpu.memory_space<hbm>>
        tpu.enqueue_indirect_dma source(%dma_start3A_155 : memref<20000x64xf32, #tpu.memory_space<hbm>>) target(%arg11 : memref<128x64xf32, #tpu.memory_space<vmem>>) offsets(%dma_start3A_152 : memref<128xi32, #tpu.memory_space<vmem>>) semaphore(%arg16 : memref<!tpu.dma_semaphore, #tpu.memory_space<semaphore_mem>>)
      } else {
      }
      %dma_wait3A_58 = arith.constant 0 : i32
      %dma_wait3A_59 = tpu.memref_slice %arg7[%add3A_46, %dma_wait3A_58] : memref<157x128xi32, #tpu.memory_space<vmem>> -> memref<1x128xi32, #tpu.memory_space<vmem>>
      %dma_wait3A_60 = tpu.memref_squeeze %dma_wait3A_59 : memref<1x128xi32, #tpu.memory_space<vmem>> -> memref<128xi32, #tpu.memory_space<vmem>>
      %dma_wait3A_61 = arith.constant 0 : i32
      %dma_wait3A_62 = arith.constant 0 : i32
      %dma_wait3A_63 = tpu.memref_slice %arg2[%dma_wait3A_61, %dma_wait3A_62] : memref<20000x64xf32, #tpu.memory_space<hbm>> -> memref<20000x64xf32, #tpu.memory_space<hbm>>
      tpu.wait_indirect_dma semaphore(%arg14 : memref<!tpu.dma_semaphore, #tpu.memory_space<semaphore_mem>>) src(%dma_wait3A_63 : memref<20000x64xf32, #tpu.memory_space<hbm>>) dst(%arg9 : memref<128x64xf32, #tpu.memory_space<vmem>>)
      %dma_start3A_64 = arith.constant 0 : i32
      %dma_start3A_65 = tpu.memref_slice %arg8[%add3A_46, %dma_start3A_64] : memref<157x128xi32, #tpu.memory_space<vmem>> -> memref<1x128xi32, #tpu.memory_space<vmem>>
      %dma_start3A_66 = tpu.memref_squeeze %dma_start3A_65 : memref<1x128xi32, #tpu.memory_space<vmem>> -> memref<128xi32, #tpu.memory_space<vmem>>
      %dma_start3A_67 = arith.constant 0 : i32
      %dma_start3A_68 = arith.constant 0 : i32
      %dma_start3A_69 = tpu.memref_slice %arg13[%dma_start3A_67, %dma_start3A_68] : memref<10240x64xf32, #tpu.memory_space<vmem_shared>> -> memref<10240x64xf32, #tpu.memory_space<vmem_shared>>
      tpu.enqueue_indirect_dma source(%arg9 : memref<128x64xf32, #tpu.memory_space<vmem>>) target(%dma_start3A_69 : memref<10240x64xf32, #tpu.memory_space<vmem_shared>>) offsets(%dma_start3A_66 : memref<128xi32, #tpu.memory_space<vmem>>) semaphore(%arg18 : memref<!tpu.dma_semaphore, #tpu.memory_space<semaphore_mem>>) {add = true}
      %add3A_70 = arith.constant 1 : i32
      %add3A_71 = arith.addi %mul3A_44, %add3A_70 : i32
      %ge3A_72 = arith.constant 2 : i32
      %ge3A_73 = arith.cmpi sge, %add3A_71, %ge3A_72 : i32
      %convert_element_type3A_74 = arith.extui %ge3A_73 : i1 to i32
      %cond3A_75 = arith.constant 0 : i32
      %cond3A_76 = arith.cmpi ne, %convert_element_type3A_74, %cond3A_75 : i32
      scf.if %cond3A_76 {
        %sub3A_148 = arith.constant 2 : i32
        %sub3A_149 = arith.subi %add3A_71, %sub3A_148 : i32
        %dma_wait3A_150 = arith.constant 0 : i32
        %dma_wait3A_151 = tpu.memref_slice %arg8[%sub3A_149, %dma_wait3A_150] : memref<157x128xi32, #tpu.memory_space<vmem>> -> memref<1x128xi32, #tpu.memory_space<vmem>>
        %dma_wait3A_152 = tpu.memref_squeeze %dma_wait3A_151 : memref<1x128xi32, #tpu.memory_space<vmem>> -> memref<128xi32, #tpu.memory_space<vmem>>
        %dma_wait3A_153 = arith.constant 0 : i32
        %dma_wait3A_154 = arith.constant 0 : i32
        %dma_wait3A_155 = tpu.memref_slice %arg13[%dma_wait3A_153, %dma_wait3A_154] : memref<10240x64xf32, #tpu.memory_space<vmem_shared>> -> memref<10240x64xf32, #tpu.memory_space<vmem_shared>>
        tpu.wait_indirect_dma semaphore(%arg21 : memref<!tpu.dma_semaphore, #tpu.memory_space<semaphore_mem>>) src(%arg12 : memref<128x64xf32, #tpu.memory_space<vmem>>) dst(%dma_wait3A_155 : memref<10240x64xf32, #tpu.memory_space<vmem_shared>>)
      } else {
      }
      %add3A_77 = arith.constant 2 : i32
      %add3A_78 = arith.addi %add3A_71, %add3A_77 : i32
      %lt3A_79 = arith.constant 156 : i32
      %lt3A_80 = arith.cmpi slt, %add3A_78, %lt3A_79 : i32
      %convert_element_type3A_81 = arith.extui %lt3A_80 : i1 to i32
      %cond3A_82 = arith.constant 0 : i32
      %cond3A_83 = arith.cmpi ne, %convert_element_type3A_81, %cond3A_82 : i32
      scf.if %cond3A_83 {
        %add3A_148 = arith.constant 2 : i32
        %add3A_149 = arith.addi %add3A_71, %add3A_148 : i32
        %dma_start3A_150 = arith.constant 0 : i32
        %dma_start3A_151 = tpu.memref_slice %arg7[%add3A_149, %dma_start3A_150] : memref<157x128xi32, #tpu.memory_space<vmem>> -> memref<1x128xi32, #tpu.memory_space<vmem>>
        %dma_start3A_152 = tpu.memref_squeeze %dma_start3A_151 : memref<1x128xi32, #tpu.memory_space<vmem>> -> memref<128xi32, #tpu.memory_space<vmem>>
        %dma_start3A_153 = arith.constant 0 : i32
        %dma_start3A_154 = arith.constant 0 : i32
        %dma_start3A_155 = tpu.memref_slice %arg2[%dma_start3A_153, %dma_start3A_154] : memref<20000x64xf32, #tpu.memory_space<hbm>> -> memref<20000x64xf32, #tpu.memory_space<hbm>>
        tpu.enqueue_indirect_dma source(%dma_start3A_155 : memref<20000x64xf32, #tpu.memory_space<hbm>>) target(%arg12 : memref<128x64xf32, #tpu.memory_space<vmem>>) offsets(%dma_start3A_152 : memref<128xi32, #tpu.memory_space<vmem>>) semaphore(%arg17 : memref<!tpu.dma_semaphore, #tpu.memory_space<semaphore_mem>>)
      } else {
      }
      %dma_wait3A_84 = arith.constant 0 : i32
      %dma_wait3A_85 = tpu.memref_slice %arg7[%add3A_71, %dma_wait3A_84] : memref<157x128xi32, #tpu.memory_space<vmem>> -> memref<1x128xi32, #tpu.memory_space<vmem>>
      %dma_wait3A_86 = tpu.memref_squeeze %dma_wait3A_85 : memref<1x128xi32, #tpu.memory_space<vmem>> -> memref<128xi32, #tpu.memory_space<vmem>>
      %dma_wait3A_87 = arith.constant 0 : i32
      %dma_wait3A_88 = arith.constant 0 : i32
      %dma_wait3A_89 = tpu.memref_slice %arg2[%dma_wait3A_87, %dma_wait3A_88] : memref<20000x64xf32, #tpu.memory_space<hbm>> -> memref<20000x64xf32, #tpu.memory_space<hbm>>
      tpu.wait_indirect_dma semaphore(%arg15 : memref<!tpu.dma_semaphore, #tpu.memory_space<semaphore_mem>>) src(%dma_wait3A_89 : memref<20000x64xf32, #tpu.memory_space<hbm>>) dst(%arg10 : memref<128x64xf32, #tpu.memory_space<vmem>>)
      %dma_start3A_90 = arith.constant 0 : i32
      %dma_start3A_91 = tpu.memref_slice %arg8[%add3A_71, %dma_start3A_90] : memref<157x128xi32, #tpu.memory_space<vmem>> -> memref<1x128xi32, #tpu.memory_space<vmem>>
      %dma_start3A_92 = tpu.memref_squeeze %dma_start3A_91 : memref<1x128xi32, #tpu.memory_space<vmem>> -> memref<128xi32, #tpu.memory_space<vmem>>
      %dma_start3A_93 = arith.constant 0 : i32
      %dma_start3A_94 = arith.constant 0 : i32
      %dma_start3A_95 = tpu.memref_slice %arg13[%dma_start3A_93, %dma_start3A_94] : memref<10240x64xf32, #tpu.memory_space<vmem_shared>> -> memref<10240x64xf32, #tpu.memory_space<vmem_shared>>
      tpu.enqueue_indirect_dma source(%arg10 : memref<128x64xf32, #tpu.memory_space<vmem>>) target(%dma_start3A_95 : memref<10240x64xf32, #tpu.memory_space<vmem_shared>>) offsets(%dma_start3A_92 : memref<128xi32, #tpu.memory_space<vmem>>) semaphore(%arg19 : memref<!tpu.dma_semaphore, #tpu.memory_space<semaphore_mem>>) {add = true}
      %add3A_96 = arith.constant 2 : i32
      %add3A_97 = arith.addi %mul3A_44, %add3A_96 : i32
      %ge3A_98 = arith.constant 2 : i32
      %ge3A_99 = arith.cmpi sge, %add3A_97, %ge3A_98 : i32
      %convert_element_type3A_100 = arith.extui %ge3A_99 : i1 to i32
      %cond3A_101 = arith.constant 0 : i32
      %cond3A_102 = arith.cmpi ne, %convert_element_type3A_100, %cond3A_101 : i32
      scf.if %cond3A_102 {
        %sub3A_148 = arith.constant 2 : i32
        %sub3A_149 = arith.subi %add3A_97, %sub3A_148 : i32
        %dma_wait3A_150 = arith.constant 0 : i32
        %dma_wait3A_151 = tpu.memref_slice %arg8[%sub3A_149, %dma_wait3A_150] : memref<157x128xi32, #tpu.memory_space<vmem>> -> memref<1x128xi32, #tpu.memory_space<vmem>>
        %dma_wait3A_152 = tpu.memref_squeeze %dma_wait3A_151 : memref<1x128xi32, #tpu.memory_space<vmem>> -> memref<128xi32, #tpu.memory_space<vmem>>
        %dma_wait3A_153 = arith.constant 0 : i32
        %dma_wait3A_154 = arith.constant 0 : i32
        %dma_wait3A_155 = tpu.memref_slice %arg13[%dma_wait3A_153, %dma_wait3A_154] : memref<10240x64xf32, #tpu.memory_space<vmem_shared>> -> memref<10240x64xf32, #tpu.memory_space<vmem_shared>>
        tpu.wait_indirect_dma semaphore(%arg18 : memref<!tpu.dma_semaphore, #tpu.memory_space<semaphore_mem>>) src(%arg9 : memref<128x64xf32, #tpu.memory_space<vmem>>) dst(%dma_wait3A_155 : memref<10240x64xf32, #tpu.memory_space<vmem_shared>>)
      } else {
      }
      %add3A_103 = arith.constant 2 : i32
      %add3A_104 = arith.addi %add3A_97, %add3A_103 : i32
      %lt3A_105 = arith.constant 156 : i32
      %lt3A_106 = arith.cmpi slt, %add3A_104, %lt3A_105 : i32
      %convert_element_type3A_107 = arith.extui %lt3A_106 : i1 to i32
      %cond3A_108 = arith.constant 0 : i32
      %cond3A_109 = arith.cmpi ne, %convert_element_type3A_107, %cond3A_108 : i32
      scf.if %cond3A_109 {
        %add3A_148 = arith.constant 2 : i32
        %add3A_149 = arith.addi %add3A_97, %add3A_148 : i32
        %dma_start3A_150 = arith.constant 0 : i32
        %dma_start3A_151 = tpu.memref_slice %arg7[%add3A_149, %dma_start3A_150] : memref<157x128xi32, #tpu.memory_space<vmem>> -> memref<1x128xi32, #tpu.memory_space<vmem>>
        %dma_start3A_152 = tpu.memref_squeeze %dma_start3A_151 : memref<1x128xi32, #tpu.memory_space<vmem>> -> memref<128xi32, #tpu.memory_space<vmem>>
        %dma_start3A_153 = arith.constant 0 : i32
        %dma_start3A_154 = arith.constant 0 : i32
        %dma_start3A_155 = tpu.memref_slice %arg2[%dma_start3A_153, %dma_start3A_154] : memref<20000x64xf32, #tpu.memory_space<hbm>> -> memref<20000x64xf32, #tpu.memory_space<hbm>>
        tpu.enqueue_indirect_dma source(%dma_start3A_155 : memref<20000x64xf32, #tpu.memory_space<hbm>>) target(%arg9 : memref<128x64xf32, #tpu.memory_space<vmem>>) offsets(%dma_start3A_152 : memref<128xi32, #tpu.memory_space<vmem>>) semaphore(%arg14 : memref<!tpu.dma_semaphore, #tpu.memory_space<semaphore_mem>>)
      } else {
      }
      %dma_wait3A_110 = arith.constant 0 : i32
      %dma_wait3A_111 = tpu.memref_slice %arg7[%add3A_97, %dma_wait3A_110] : memref<157x128xi32, #tpu.memory_space<vmem>> -> memref<1x128xi32, #tpu.memory_space<vmem>>
      %dma_wait3A_112 = tpu.memref_squeeze %dma_wait3A_111 : memref<1x128xi32, #tpu.memory_space<vmem>> -> memref<128xi32, #tpu.memory_space<vmem>>
      %dma_wait3A_113 = arith.constant 0 : i32
      %dma_wait3A_114 = arith.constant 0 : i32
      %dma_wait3A_115 = tpu.memref_slice %arg2[%dma_wait3A_113, %dma_wait3A_114] : memref<20000x64xf32, #tpu.memory_space<hbm>> -> memref<20000x64xf32, #tpu.memory_space<hbm>>
      tpu.wait_indirect_dma semaphore(%arg16 : memref<!tpu.dma_semaphore, #tpu.memory_space<semaphore_mem>>) src(%dma_wait3A_115 : memref<20000x64xf32, #tpu.memory_space<hbm>>) dst(%arg11 : memref<128x64xf32, #tpu.memory_space<vmem>>)
      %dma_start3A_116 = arith.constant 0 : i32
      %dma_start3A_117 = tpu.memref_slice %arg8[%add3A_97, %dma_start3A_116] : memref<157x128xi32, #tpu.memory_space<vmem>> -> memref<1x128xi32, #tpu.memory_space<vmem>>
      %dma_start3A_118 = tpu.memref_squeeze %dma_start3A_117 : memref<1x128xi32, #tpu.memory_space<vmem>> -> memref<128xi32, #tpu.memory_space<vmem>>
      %dma_start3A_119 = arith.constant 0 : i32
      %dma_start3A_120 = arith.constant 0 : i32
      %dma_start3A_121 = tpu.memref_slice %arg13[%dma_start3A_119, %dma_start3A_120] : memref<10240x64xf32, #tpu.memory_space<vmem_shared>> -> memref<10240x64xf32, #tpu.memory_space<vmem_shared>>
      tpu.enqueue_indirect_dma source(%arg11 : memref<128x64xf32, #tpu.memory_space<vmem>>) target(%dma_start3A_121 : memref<10240x64xf32, #tpu.memory_space<vmem_shared>>) offsets(%dma_start3A_118 : memref<128xi32, #tpu.memory_space<vmem>>) semaphore(%arg20 : memref<!tpu.dma_semaphore, #tpu.memory_space<semaphore_mem>>) {add = true}
      %add3A_122 = arith.constant 3 : i32
      %add3A_123 = arith.addi %mul3A_44, %add3A_122 : i32
      %ge3A_124 = arith.constant 2 : i32
      %ge3A_125 = arith.cmpi sge, %add3A_123, %ge3A_124 : i32
      %convert_element_type3A_126 = arith.extui %ge3A_125 : i1 to i32
      %cond3A_127 = arith.constant 0 : i32
      %cond3A_128 = arith.cmpi ne, %convert_element_type3A_126, %cond3A_127 : i32
      scf.if %cond3A_128 {
        %sub3A_148 = arith.constant 2 : i32
        %sub3A_149 = arith.subi %add3A_123, %sub3A_148 : i32
        %dma_wait3A_150 = arith.constant 0 : i32
        %dma_wait3A_151 = tpu.memref_slice %arg8[%sub3A_149, %dma_wait3A_150] : memref<157x128xi32, #tpu.memory_space<vmem>> -> memref<1x128xi32, #tpu.memory_space<vmem>>
        %dma_wait3A_152 = tpu.memref_squeeze %dma_wait3A_151 : memref<1x128xi32, #tpu.memory_space<vmem>> -> memref<128xi32, #tpu.memory_space<vmem>>
        %dma_wait3A_153 = arith.constant 0 : i32
        %dma_wait3A_154 = arith.constant 0 : i32
        %dma_wait3A_155 = tpu.memref_slice %arg13[%dma_wait3A_153, %dma_wait3A_154] : memref<10240x64xf32, #tpu.memory_space<vmem_shared>> -> memref<10240x64xf32, #tpu.memory_space<vmem_shared>>
        tpu.wait_indirect_dma semaphore(%arg19 : memref<!tpu.dma_semaphore, #tpu.memory_space<semaphore_mem>>) src(%arg10 : memref<128x64xf32, #tpu.memory_space<vmem>>) dst(%dma_wait3A_155 : memref<10240x64xf32, #tpu.memory_space<vmem_shared>>)
      } else {
      }
      %add3A_129 = arith.constant 2 : i32
      %add3A_130 = arith.addi %add3A_123, %add3A_129 : i32
      %lt3A_131 = arith.constant 156 : i32
      %lt3A_132 = arith.cmpi slt, %add3A_130, %lt3A_131 : i32
      %convert_element_type3A_133 = arith.extui %lt3A_132 : i1 to i32
      %cond3A_134 = arith.constant 0 : i32
      %cond3A_135 = arith.cmpi ne, %convert_element_type3A_133, %cond3A_134 : i32
      scf.if %cond3A_135 {
        %add3A_148 = arith.constant 2 : i32
        %add3A_149 = arith.addi %add3A_123, %add3A_148 : i32
        %dma_start3A_150 = arith.constant 0 : i32
        %dma_start3A_151 = tpu.memref_slice %arg7[%add3A_149, %dma_start3A_150] : memref<157x128xi32, #tpu.memory_space<vmem>> -> memref<1x128xi32, #tpu.memory_space<vmem>>
        %dma_start3A_152 = tpu.memref_squeeze %dma_start3A_151 : memref<1x128xi32, #tpu.memory_space<vmem>> -> memref<128xi32, #tpu.memory_space<vmem>>
        %dma_start3A_153 = arith.constant 0 : i32
        %dma_start3A_154 = arith.constant 0 : i32
        %dma_start3A_155 = tpu.memref_slice %arg2[%dma_start3A_153, %dma_start3A_154] : memref<20000x64xf32, #tpu.memory_space<hbm>> -> memref<20000x64xf32, #tpu.memory_space<hbm>>
        tpu.enqueue_indirect_dma source(%dma_start3A_155 : memref<20000x64xf32, #tpu.memory_space<hbm>>) target(%arg10 : memref<128x64xf32, #tpu.memory_space<vmem>>) offsets(%dma_start3A_152 : memref<128xi32, #tpu.memory_space<vmem>>) semaphore(%arg15 : memref<!tpu.dma_semaphore, #tpu.memory_space<semaphore_mem>>)
      } else {
      }
      %dma_wait3A_136 = arith.constant 0 : i32
      %dma_wait3A_137 = tpu.memref_slice %arg7[%add3A_123, %dma_wait3A_136] : memref<157x128xi32, #tpu.memory_space<vmem>> -> memref<1x128xi32, #tpu.memory_space<vmem>>
      %dma_wait3A_138 = tpu.memref_squeeze %dma_wait3A_137 : memref<1x128xi32, #tpu.memory_space<vmem>> -> memref<128xi32, #tpu.memory_space<vmem>>
      %dma_wait3A_139 = arith.constant 0 : i32
      %dma_wait3A_140 = arith.constant 0 : i32
      %dma_wait3A_141 = tpu.memref_slice %arg2[%dma_wait3A_139, %dma_wait3A_140] : memref<20000x64xf32, #tpu.memory_space<hbm>> -> memref<20000x64xf32, #tpu.memory_space<hbm>>
      tpu.wait_indirect_dma semaphore(%arg17 : memref<!tpu.dma_semaphore, #tpu.memory_space<semaphore_mem>>) src(%dma_wait3A_141 : memref<20000x64xf32, #tpu.memory_space<hbm>>) dst(%arg12 : memref<128x64xf32, #tpu.memory_space<vmem>>)
      %dma_start3A_142 = arith.constant 0 : i32
      %dma_start3A_143 = tpu.memref_slice %arg8[%add3A_123, %dma_start3A_142] : memref<157x128xi32, #tpu.memory_space<vmem>> -> memref<1x128xi32, #tpu.memory_space<vmem>>
      %dma_start3A_144 = tpu.memref_squeeze %dma_start3A_143 : memref<1x128xi32, #tpu.memory_space<vmem>> -> memref<128xi32, #tpu.memory_space<vmem>>
      %dma_start3A_145 = arith.constant 0 : i32
      %dma_start3A_146 = arith.constant 0 : i32
      %dma_start3A_147 = tpu.memref_slice %arg13[%dma_start3A_145, %dma_start3A_146] : memref<10240x64xf32, #tpu.memory_space<vmem_shared>> -> memref<10240x64xf32, #tpu.memory_space<vmem_shared>>
      tpu.enqueue_indirect_dma source(%arg12 : memref<128x64xf32, #tpu.memory_space<vmem>>) target(%dma_start3A_147 : memref<10240x64xf32, #tpu.memory_space<vmem_shared>>) offsets(%dma_start3A_144 : memref<128xi32, #tpu.memory_space<vmem>>) semaphore(%arg21 : memref<!tpu.dma_semaphore, #tpu.memory_space<semaphore_mem>>) {add = true}
    }
    %scan3A_25 = arith.constant 39 : i32
    %dma_wait3A = arith.constant 154 : i32
    %dma_wait3A_26 = arith.constant 0 : i32
    %dma_wait3A_27 = tpu.memref_slice %arg8[%dma_wait3A, %dma_wait3A_26] : memref<157x128xi32, #tpu.memory_space<vmem>> -> memref<1x128xi32, #tpu.memory_space<vmem>>
    %dma_wait3A_28 = tpu.memref_squeeze %dma_wait3A_27 : memref<1x128xi32, #tpu.memory_space<vmem>> -> memref<128xi32, #tpu.memory_space<vmem>>
    %dma_wait3A_29 = arith.constant 0 : i32
    %dma_wait3A_30 = arith.constant 0 : i32
    %dma_wait3A_31 = tpu.memref_slice %arg13[%dma_wait3A_29, %dma_wait3A_30] : memref<10240x64xf32, #tpu.memory_space<vmem_shared>> -> memref<10240x64xf32, #tpu.memory_space<vmem_shared>>
    tpu.wait_indirect_dma semaphore(%arg20 : memref<!tpu.dma_semaphore, #tpu.memory_space<semaphore_mem>>) src(%arg11 : memref<128x64xf32, #tpu.memory_space<vmem>>) dst(%dma_wait3A_31 : memref<10240x64xf32, #tpu.memory_space<vmem_shared>>)
    %dma_wait3A_32 = arith.constant 155 : i32
    %dma_wait3A_33 = arith.constant 0 : i32
    %dma_wait3A_34 = tpu.memref_slice %arg8[%dma_wait3A_32, %dma_wait3A_33] : memref<157x128xi32, #tpu.memory_space<vmem>> -> memref<1x128xi32, #tpu.memory_space<vmem>>
    %dma_wait3A_35 = tpu.memref_squeeze %dma_wait3A_34 : memref<1x128xi32, #tpu.memory_space<vmem>> -> memref<128xi32, #tpu.memory_space<vmem>>
    %dma_wait3A_36 = arith.constant 0 : i32
    %dma_wait3A_37 = arith.constant 0 : i32
    %dma_wait3A_38 = tpu.memref_slice %arg13[%dma_wait3A_36, %dma_wait3A_37] : memref<10240x64xf32, #tpu.memory_space<vmem_shared>> -> memref<10240x64xf32, #tpu.memory_space<vmem_shared>>
    tpu.wait_indirect_dma semaphore(%arg21 : memref<!tpu.dma_semaphore, #tpu.memory_space<semaphore_mem>>) src(%arg12 : memref<128x64xf32, #tpu.memory_space<vmem>>) dst(%dma_wait3A_38 : memref<10240x64xf32, #tpu.memory_space<vmem_shared>>)
    %ge3A = arith.constant 24 : i32
    %ge3A_39 = arith.cmpi sge, %add3A, %ge3A : i32
    %convert_element_type3A = arith.extui %ge3A_39 : i1 to i32
    %cond3A = arith.constant 0 : i32
    %cond3A_40 = arith.cmpi ne, %convert_element_type3A, %cond3A : i32
    scf.if %cond3A_40 {
      %dma_start3A_42 = arith.constant 156 : i32
      %dma_start3A_43 = arith.constant 0 : i32
      %dma_start3A_44 = tpu.memref_slice %arg7[%dma_start3A_42, %dma_start3A_43] : memref<157x128xi32, #tpu.memory_space<vmem>> -> memref<1x128xi32, #tpu.memory_space<vmem>>
      %dma_start3A_45 = tpu.memref_squeeze %dma_start3A_44 : memref<1x128xi32, #tpu.memory_space<vmem>> -> memref<128xi32, #tpu.memory_space<vmem>>
      %dma_start3A_46 = arith.constant 0 : i32
      %dma_start3A_47 = arith.constant 0 : i32
      %dma_start3A_48 = tpu.memref_slice %arg2[%dma_start3A_46, %dma_start3A_47] : memref<20000x64xf32, #tpu.memory_space<hbm>> -> memref<20000x64xf32, #tpu.memory_space<hbm>>
      tpu.enqueue_indirect_dma source(%dma_start3A_48 : memref<20000x64xf32, #tpu.memory_space<hbm>>) target(%arg9 : memref<128x64xf32, #tpu.memory_space<vmem>>) offsets(%dma_start3A_45 : memref<128xi32, #tpu.memory_space<vmem>>) semaphore(%arg14 : memref<!tpu.dma_semaphore, #tpu.memory_space<semaphore_mem>>)
      %dma_wait3A_49 = arith.constant 156 : i32
      %dma_wait3A_50 = arith.constant 0 : i32
      %dma_wait3A_51 = tpu.memref_slice %arg7[%dma_wait3A_49, %dma_wait3A_50] : memref<157x128xi32, #tpu.memory_space<vmem>> -> memref<1x128xi32, #tpu.memory_space<vmem>>
      %dma_wait3A_52 = tpu.memref_squeeze %dma_wait3A_51 : memref<1x128xi32, #tpu.memory_space<vmem>> -> memref<128xi32, #tpu.memory_space<vmem>>
      %dma_wait3A_53 = arith.constant 0 : i32
      %dma_wait3A_54 = arith.constant 0 : i32
      %dma_wait3A_55 = tpu.memref_slice %arg2[%dma_wait3A_53, %dma_wait3A_54] : memref<20000x64xf32, #tpu.memory_space<hbm>> -> memref<20000x64xf32, #tpu.memory_space<hbm>>
      tpu.wait_indirect_dma semaphore(%arg14 : memref<!tpu.dma_semaphore, #tpu.memory_space<semaphore_mem>>) src(%dma_wait3A_55 : memref<20000x64xf32, #tpu.memory_space<hbm>>) dst(%arg9 : memref<128x64xf32, #tpu.memory_space<vmem>>)
      %dma_start3A_56 = arith.constant 156 : i32
      %dma_start3A_57 = arith.constant 0 : i32
      %dma_start3A_58 = tpu.memref_slice %arg8[%dma_start3A_56, %dma_start3A_57] : memref<157x128xi32, #tpu.memory_space<vmem>> -> memref<1x128xi32, #tpu.memory_space<vmem>>
      %dma_start3A_59 = tpu.memref_squeeze %dma_start3A_58 : memref<1x128xi32, #tpu.memory_space<vmem>> -> memref<128xi32, #tpu.memory_space<vmem>>
      %dma_start3A_60 = arith.constant 0 : i32
      %dma_start3A_61 = arith.constant 0 : i32
      %dma_start3A_62 = tpu.memref_slice %arg13[%dma_start3A_60, %dma_start3A_61] : memref<10240x64xf32, #tpu.memory_space<vmem_shared>> -> memref<10240x64xf32, #tpu.memory_space<vmem_shared>>
      tpu.enqueue_indirect_dma source(%arg9 : memref<128x64xf32, #tpu.memory_space<vmem>>) target(%dma_start3A_62 : memref<10240x64xf32, #tpu.memory_space<vmem_shared>>) offsets(%dma_start3A_59 : memref<128xi32, #tpu.memory_space<vmem>>) semaphore(%arg18 : memref<!tpu.dma_semaphore, #tpu.memory_space<semaphore_mem>>) {add = true}
      %dma_wait3A_63 = arith.constant 156 : i32
      %dma_wait3A_64 = arith.constant 0 : i32
      %dma_wait3A_65 = tpu.memref_slice %arg8[%dma_wait3A_63, %dma_wait3A_64] : memref<157x128xi32, #tpu.memory_space<vmem>> -> memref<1x128xi32, #tpu.memory_space<vmem>>
      %dma_wait3A_66 = tpu.memref_squeeze %dma_wait3A_65 : memref<1x128xi32, #tpu.memory_space<vmem>> -> memref<128xi32, #tpu.memory_space<vmem>>
      %dma_wait3A_67 = arith.constant 0 : i32
      %dma_wait3A_68 = arith.constant 0 : i32
      %dma_wait3A_69 = tpu.memref_slice %arg13[%dma_wait3A_67, %dma_wait3A_68] : memref<10240x64xf32, #tpu.memory_space<vmem_shared>> -> memref<10240x64xf32, #tpu.memory_space<vmem_shared>>
      tpu.wait_indirect_dma semaphore(%arg18 : memref<!tpu.dma_semaphore, #tpu.memory_space<semaphore_mem>>) src(%arg9 : memref<128x64xf32, #tpu.memory_space<vmem>>) dst(%dma_wait3A_69 : memref<10240x64xf32, #tpu.memory_space<vmem_shared>>)
    } else {
    }
    %barrier3A_41 = arith.constant 0 : index
    tpu.barrier barrier_id(%barrier3A_41)
    "tpu.region"() ({
      %run_scoped3A = tpu.sem_alloc : memref<!tpu.dma_semaphore, #tpu.memory_space<semaphore_mem>>
      %dma_start3A_42 = arith.constant 0 : i32
      %dma_start3A_43 = tpu.memref_slice %arg6[%arg0, %mul3A_0, %dma_start3A_42] : memref<2x10240x64xf32, #tpu.memory_space<hbm>> -> memref<1x640x64xf32, #tpu.memory_space<hbm>>
      %dma_start3A_44 = tpu.memref_squeeze %dma_start3A_43 : memref<1x640x64xf32, #tpu.memory_space<hbm>> -> memref<640x64xf32, #tpu.memory_space<hbm>>
      %dma_start3A_45 = arith.constant 0 : i32
      %dma_start3A_46 = tpu.memref_slice %arg13[%mul3A_0, %dma_start3A_45] : memref<10240x64xf32, #tpu.memory_space<vmem_shared>> -> memref<640x64xf32, #tpu.memory_space<vmem_shared>>
      tpu.enqueue_dma source(%dma_start3A_46 : memref<640x64xf32, #tpu.memory_space<vmem_shared>>) target(%dma_start3A_44 : memref<640x64xf32, #tpu.memory_space<hbm>>) target_semaphore(%run_scoped3A : memref<!tpu.dma_semaphore, #tpu.memory_space<semaphore_mem>>)
      %dma_wait3A_47 = arith.constant 0 : i32
      %dma_wait3A_48 = tpu.memref_slice %arg6[%arg0, %mul3A_0, %dma_wait3A_47] : memref<2x10240x64xf32, #tpu.memory_space<hbm>> -> memref<1x640x64xf32, #tpu.memory_space<hbm>>
      %dma_wait3A_49 = tpu.memref_squeeze %dma_wait3A_48 : memref<1x640x64xf32, #tpu.memory_space<hbm>> -> memref<640x64xf32, #tpu.memory_space<hbm>>
      %dma_wait3A_50 = arith.constant 0 : i32
      %dma_wait3A_51 = tpu.memref_slice %arg13[%mul3A_0, %dma_wait3A_50] : memref<10240x64xf32, #tpu.memory_space<vmem_shared>> -> memref<640x64xf32, #tpu.memory_space<vmem_shared>>
      tpu.wait_dma2 semaphore(%run_scoped3A : memref<!tpu.dma_semaphore, #tpu.memory_space<semaphore_mem>>) src(%dma_wait3A_51 : memref<640x64xf32, #tpu.memory_space<vmem_shared>>) dst(%dma_wait3A_49 : memref<640x64xf32, #tpu.memory_space<hbm>>)
      tpu.yield
    }) : () -> ()
    return
  }
}

module attributes {stable_mosaic.version = 14 : i64} {
  func.func @_proj_body(%arg0: memref<10000x128xf32, #tpu.memory_space<vmem>>, %arg1: memref<128x64xf32, #tpu.memory_space<vmem>>, %arg2: memref<128x64xf32, #tpu.memory_space<vmem>>, %arg3: memref<10000x128xf32, #tpu.memory_space<vmem>>) attributes {dimension_semantics = [], scalar_prefetch = 0 : i64, scratch_operands = 0 : i64, tpu.core_type = #tpu.core_type<tc>} {
    %get3A = arith.constant 0 : index
    %get3A_0 = arith.constant 0 : index
    %get3A_1 = vector.load %arg0[%get3A, %get3A_0] : memref<10000x128xf32, #tpu.memory_space<vmem>>, vector<10000x128xf32>
    %get3A_2 = arith.constant 0 : index
    %get3A_3 = arith.constant 0 : index
    %get3A_4 = vector.load %arg1[%get3A_2, %get3A_3] : memref<128x64xf32, #tpu.memory_space<vmem>>, vector<128x64xf32>
    %dot_general3A = arith.constant dense<0.000000e+00> : vector<10000x64xf32>
    %dot_general3A_5 = tpu.matmul %get3A_1, %get3A_4, %dot_general3A {dimension_numbers = #tpu.dot_dimension_numbers<[1], [0], [0], [1], [0, 0, 1, 1], [], []>, transpose_lhs_hint = false} : vector<10000x128xf32>, vector<128x64xf32>, vector<10000x64xf32> -> vector<10000x64xf32>
    %swap3A = arith.constant 0 : index
    %swap3A_6 = arith.constant 0 : index
    %swap3A_7 = vector.load %arg3[%swap3A, %swap3A_6] : memref<10000x128xf32, #tpu.memory_space<vmem>>, vector<10000x64xf32>
    tpu.vector_store %arg3[%swap3A, %swap3A_6], %dot_general3A_5 {strides = array<i32>} : memref<10000x128xf32, #tpu.memory_space<vmem>>, vector<10000x64xf32>,
    %get3A_8 = arith.constant 0 : index
    %get3A_9 = arith.constant 0 : index
    %get3A_10 = vector.load %arg2[%get3A_8, %get3A_9] : memref<128x64xf32, #tpu.memory_space<vmem>>, vector<128x64xf32>
    %dot_general3A_11 = arith.constant dense<0.000000e+00> : vector<10000x64xf32>
    %dot_general3A_12 = tpu.matmul %get3A_1, %get3A_10, %dot_general3A_11 {dimension_numbers = #tpu.dot_dimension_numbers<[1], [0], [0], [1], [0, 0, 1, 1], [], []>, transpose_lhs_hint = false} : vector<10000x128xf32>, vector<128x64xf32>, vector<10000x64xf32> -> vector<10000x64xf32>
    %swap3A_13 = arith.constant 0 : index
    %swap3A_14 = arith.constant 64 : index
    %swap3A_15 = vector.load %arg3[%swap3A_13, %swap3A_14] : memref<10000x128xf32, #tpu.memory_space<vmem>>, vector<10000x64xf32>
    tpu.vector_store %arg3[%swap3A_13, %swap3A_14], %dot_general3A_12 {strides = array<i32>} : memref<10000x128xf32, #tpu.memory_space<vmem>>, vector<10000x64xf32>,
    return
  }
}

module attributes {stable_mosaic.version = 14 : i64} {
  func.func @_fuse_body(%arg0: memref<10000x128xf32, #tpu.memory_space<vmem>>, %arg1: memref<2x10240x64xf32, #tpu.memory_space<vmem>>, %arg2: memref<2x10240x16xf32, #tpu.memory_space<vmem>>, %arg3: memref<1x64xf32, #tpu.memory_space<vmem>>, %arg4: memref<64x64xf32, #tpu.memory_space<vmem>>, %arg5: memref<64x64xf32, #tpu.memory_space<vmem>>, %arg6: memref<10000x128xf32, #tpu.memory_space<vmem>>) attributes {dimension_semantics = [], scalar_prefetch = 0 : i64, scratch_operands = 0 : i64, tpu.core_type = #tpu.core_type<tc>} {
    %get3A = arith.constant 0 : index
    %get3A_0 = arith.constant 0 : index
    %get3A_1 = arith.constant 0 : index
    %get3A_2 = vector.load %arg2[%get3A, %get3A_0, %get3A_1] : memref<2x10240x16xf32, #tpu.memory_space<vmem>>, vector<1x10000x1xf32>
    %get3A_3 = vector.shape_cast %get3A_2 : vector<1x10000x1xf32> to vector<10000x1xf32>
    %get3A_4 = arith.constant 1 : index
    %get3A_5 = arith.constant 0 : index
    %get3A_6 = arith.constant 0 : index
    %get3A_7 = vector.load %arg2[%get3A_4, %get3A_5, %get3A_6] : memref<2x10240x16xf32, #tpu.memory_space<vmem>>, vector<1x10000x1xf32>
    %get3A_8 = vector.shape_cast %get3A_7 : vector<1x10000x1xf32> to vector<10000x1xf32>
    %add3A = arith.addf %get3A_3, %get3A_8 : vector<10000x1xf32>
    %max3A = arith.constant 1.000000e+00 : f32
    %max3A_9 = vector.broadcast %max3A : f32 to vector<10000x1xf32>
    %max3A_10 = arith.maximumf %add3A, %max3A_9 : vector<10000x1xf32>
    %div3A = arith.constant 1.000000e+00 : f32
    %div3A_11 = vector.broadcast %div3A : f32 to vector<10000x1xf32>
    %div3A_12 = arith.divf %div3A_11, %max3A_10 : vector<10000x1xf32>
    %get3A_13 = arith.constant 0 : index
    %get3A_14 = arith.constant 64 : index
    %get3A_15 = vector.load %arg0[%get3A_13, %get3A_14] : memref<10000x128xf32, #tpu.memory_space<vmem>>, vector<10000x64xf32>
    %get3A_16 = arith.constant 0 : index
    %get3A_17 = arith.constant 0 : index
    %get3A_18 = arith.constant 0 : index
    %get3A_19 = vector.load %arg1[%get3A_16, %get3A_17, %get3A_18] : memref<2x10240x64xf32, #tpu.memory_space<vmem>>, vector<1x10000x64xf32>
    %get3A_20 = vector.shape_cast %get3A_19 : vector<1x10000x64xf32> to vector<10000x64xf32>
    %get3A_21 = arith.constant 1 : index
    %get3A_22 = arith.constant 0 : index
    %get3A_23 = arith.constant 0 : index
    %get3A_24 = vector.load %arg1[%get3A_21, %get3A_22, %get3A_23] : memref<2x10240x64xf32, #tpu.memory_space<vmem>>, vector<1x10000x64xf32>
    %get3A_25 = vector.shape_cast %get3A_24 : vector<1x10000x64xf32> to vector<10000x64xf32>
    %add3A_26 = arith.addf %get3A_20, %get3A_25 : vector<10000x64xf32>
    %mul3A = vector.broadcast %div3A_12 : vector<10000x1xf32> to vector<10000x64xf32>
    %mul3A_27 = arith.mulf %add3A_26, %mul3A : vector<10000x64xf32>
    %add3A_28 = arith.addf %get3A_15, %mul3A_27 : vector<10000x64xf32>
    %get3A_29 = arith.constant 0 : index
    %get3A_30 = arith.constant 0 : index
    %get3A_31 = vector.load %arg3[%get3A_29, %get3A_30] : memref<1x64xf32, #tpu.memory_space<vmem>>, vector<1x64xf32>
    %add3A_32 = vector.broadcast %get3A_31 : vector<1x64xf32> to vector<10000x64xf32>
    %add3A_33 = arith.addf %add3A_28, %add3A_32 : vector<10000x64xf32>
    %max3A_34 = arith.constant 0.000000e+00 : f32
    %max3A_35 = vector.broadcast %max3A_34 : f32 to vector<10000x64xf32>
    %max3A_36 = arith.maximumf %add3A_33, %max3A_35 : vector<10000x64xf32>
    %get3A_37 = arith.constant 0 : index
    %get3A_38 = arith.constant 0 : index
    %get3A_39 = vector.load %arg4[%get3A_37, %get3A_38] : memref<64x64xf32, #tpu.memory_space<vmem>>, vector<64x64xf32>
    %dot_general3A = arith.constant dense<0.000000e+00> : vector<10000x64xf32>
    %dot_general3A_40 = tpu.matmul %max3A_36, %get3A_39, %dot_general3A {dimension_numbers = #tpu.dot_dimension_numbers<[1], [0], [0], [1], [0, 0, 1, 1], [], []>, transpose_lhs_hint = false} : vector<10000x64xf32>, vector<64x64xf32>, vector<10000x64xf32> -> vector<10000x64xf32>
    %swap3A = arith.constant 0 : index
    %swap3A_41 = arith.constant 0 : index
    %swap3A_42 = vector.load %arg6[%swap3A, %swap3A_41] : memref<10000x128xf32, #tpu.memory_space<vmem>>, vector<10000x64xf32>
    tpu.vector_store %arg6[%swap3A, %swap3A_41], %dot_general3A_40 {strides = array<i32>} : memref<10000x128xf32, #tpu.memory_space<vmem>>, vector<10000x64xf32>,
    %get3A_43 = arith.constant 0 : index
    %get3A_44 = arith.constant 0 : index
    %get3A_45 = vector.load %arg5[%get3A_43, %get3A_44] : memref<64x64xf32, #tpu.memory_space<vmem>>, vector<64x64xf32>
    %dot_general3A_46 = arith.constant dense<0.000000e+00> : vector<10000x64xf32>
    %dot_general3A_47 = tpu.matmul %max3A_36, %get3A_45, %dot_general3A_46 {dimension_numbers = #tpu.dot_dimension_numbers<[1], [0], [0], [1], [0, 0, 1, 1], [], []>, transpose_lhs_hint = false} : vector<10000x64xf32>, vector<64x64xf32>, vector<10000x64xf32> -> vector<10000x64xf32>
    %swap3A_48 = arith.constant 0 : index
    %swap3A_49 = arith.constant 64 : index
    %swap3A_50 = vector.load %arg6[%swap3A_48, %swap3A_49] : memref<10000x128xf32, #tpu.memory_space<vmem>>, vector<10000x64xf32>
    tpu.vector_store %arg6[%swap3A_48, %swap3A_49], %dot_general3A_47 {strides = array<i32>} : memref<10000x128xf32, #tpu.memory_space<vmem>>, vector<10000x64xf32>,
    return
  }
}

module attributes {stable_mosaic.version = 14 : i64} {
  func.func @_final_body(%arg0: memref<10000x128xf32, #tpu.memory_space<vmem>>, %arg1: memref<2x10240x64xf32, #tpu.memory_space<vmem>>, %arg2: memref<2x10240x16xf32, #tpu.memory_space<vmem>>, %arg3: memref<1x64xf32, #tpu.memory_space<vmem>>, %arg4: memref<64x2xf32, #tpu.memory_space<vmem>>, %arg5: memref<1x2xf32, #tpu.memory_space<vmem>>, %arg6: memref<1x2xf32, #tpu.memory_space<vmem>>, %arg7: memref<1x64xf32, #tpu.memory_space<vmem>>, %arg8: memref<10000x64xf32, #tpu.memory_space<vmem>>) attributes {dimension_semantics = [], scalar_prefetch = 0 : i64, scratch_operands = 0 : i64, tpu.core_type = #tpu.core_type<tc>} {
    %get3A = arith.constant 0 : index
    %get3A_0 = arith.constant 0 : index
    %get3A_1 = arith.constant 0 : index
    %get3A_2 = vector.load %arg2[%get3A, %get3A_0, %get3A_1] : memref<2x10240x16xf32, #tpu.memory_space<vmem>>, vector<1x10000x1xf32>
    %get3A_3 = vector.shape_cast %get3A_2 : vector<1x10000x1xf32> to vector<10000x1xf32>
    %get3A_4 = arith.constant 1 : index
    %get3A_5 = arith.constant 0 : index
    %get3A_6 = arith.constant 0 : index
    %get3A_7 = vector.load %arg2[%get3A_4, %get3A_5, %get3A_6] : memref<2x10240x16xf32, #tpu.memory_space<vmem>>, vector<1x10000x1xf32>
    %get3A_8 = vector.shape_cast %get3A_7 : vector<1x10000x1xf32> to vector<10000x1xf32>
    %add3A = arith.addf %get3A_3, %get3A_8 : vector<10000x1xf32>
    %max3A = arith.constant 1.000000e+00 : f32
    %max3A_9 = vector.broadcast %max3A : f32 to vector<10000x1xf32>
    %max3A_10 = arith.maximumf %add3A, %max3A_9 : vector<10000x1xf32>
    %div3A = arith.constant 1.000000e+00 : f32
    %div3A_11 = vector.broadcast %div3A : f32 to vector<10000x1xf32>
    %div3A_12 = arith.divf %div3A_11, %max3A_10 : vector<10000x1xf32>
    %get3A_13 = arith.constant 0 : index
    %get3A_14 = arith.constant 64 : index
    %get3A_15 = vector.load %arg0[%get3A_13, %get3A_14] : memref<10000x128xf32, #tpu.memory_space<vmem>>, vector<10000x64xf32>
    %get3A_16 = arith.constant 0 : index
    %get3A_17 = arith.constant 0 : index
    %get3A_18 = arith.constant 0 : index
    %get3A_19 = vector.load %arg1[%get3A_16, %get3A_17, %get3A_18] : memref<2x10240x64xf32, #tpu.memory_space<vmem>>, vector<1x10000x64xf32>
    %get3A_20 = vector.shape_cast %get3A_19 : vector<1x10000x64xf32> to vector<10000x64xf32>
    %get3A_21 = arith.constant 1 : index
    %get3A_22 = arith.constant 0 : index
    %get3A_23 = arith.constant 0 : index
    %get3A_24 = vector.load %arg1[%get3A_21, %get3A_22, %get3A_23] : memref<2x10240x64xf32, #tpu.memory_space<vmem>>, vector<1x10000x64xf32>
    %get3A_25 = vector.shape_cast %get3A_24 : vector<1x10000x64xf32> to vector<10000x64xf32>
    %add3A_26 = arith.addf %get3A_20, %get3A_25 : vector<10000x64xf32>
    %mul3A = vector.broadcast %div3A_12 : vector<10000x1xf32> to vector<10000x64xf32>
    %mul3A_27 = arith.mulf %add3A_26, %mul3A : vector<10000x64xf32>
    %add3A_28 = arith.addf %get3A_15, %mul3A_27 : vector<10000x64xf32>
    %get3A_29 = arith.constant 0 : index
    %get3A_30 = arith.constant 0 : index
    %get3A_31 = vector.load %arg3[%get3A_29, %get3A_30] : memref<1x64xf32, #tpu.memory_space<vmem>>, vector<1x64xf32>
    %add3A_32 = vector.broadcast %get3A_31 : vector<1x64xf32> to vector<10000x64xf32>
    %add3A_33 = arith.addf %add3A_28, %add3A_32 : vector<10000x64xf32>
    %swap3A = arith.constant 0 : index
    %swap3A_34 = arith.constant 0 : index
    %swap3A_35 = vector.load %arg8[%swap3A, %swap3A_34] : memref<10000x64xf32, #tpu.memory_space<vmem>>, vector<10000x64xf32>
    tpu.vector_store %arg8[%swap3A, %swap3A_34], %add3A_33 {strides = array<i32>} : memref<10000x64xf32, #tpu.memory_space<vmem>>, vector<10000x64xf32>,
    %reduce_sum3A = arith.constant dense<0.000000e+00> : vector<64xf32>
    %reduce_sum3A_36 = vector.multi_reduction <add>, %add3A_33, %reduce_sum3A [0] : vector<10000x64xf32> to vector<64xf32>
    %broadcast_in_dim3A = vector.shape_cast %reduce_sum3A_36 : vector<64xf32> to vector<1x64xf32>
    %mul3A_37 = arith.constant 9.99999974E-5 : f32
    %mul3A_38 = vector.broadcast %mul3A_37 : f32 to vector<1x64xf32>
    %mul3A_39 = arith.mulf %broadcast_in_dim3A, %mul3A_38 : vector<1x64xf32>
    %swap3A_40 = arith.constant 0 : index
    %swap3A_41 = arith.constant 0 : index
    %swap3A_42 = vector.load %arg7[%swap3A_40, %swap3A_41] : memref<1x64xf32, #tpu.memory_space<vmem>>, vector<1x64xf32>
    tpu.vector_store %arg7[%swap3A_40, %swap3A_41], %mul3A_39 {strides = array<i32>} : memref<1x64xf32, #tpu.memory_space<vmem>>, vector<1x64xf32>,
    %get3A_43 = arith.constant 0 : index
    %get3A_44 = arith.constant 0 : index
    %get3A_45 = vector.load %arg4[%get3A_43, %get3A_44] : memref<64x2xf32, #tpu.memory_space<vmem>>, vector<64x2xf32>
    %dot_general3A = arith.constant dense<0.000000e+00> : vector<1x2xf32>
    %dot_general3A_46 = tpu.matmul %mul3A_39, %get3A_45, %dot_general3A {dimension_numbers = #tpu.dot_dimension_numbers<[1], [0], [0], [1], [0, 0, 1, 1], [], []>, transpose_lhs_hint = false} : vector<1x64xf32>, vector<64x2xf32>, vector<1x2xf32> -> vector<1x2xf32>
    %get3A_47 = arith.constant 0 : index
    %get3A_48 = arith.constant 0 : index
    %get3A_49 = vector.load %arg5[%get3A_47, %get3A_48] : memref<1x2xf32, #tpu.memory_space<vmem>>, vector<1x2xf32>
    %add3A_50 = arith.addf %dot_general3A_46, %get3A_49 : vector<1x2xf32>
    %swap3A_51 = arith.constant 0 : index
    %swap3A_52 = arith.constant 0 : index
    %swap3A_53 = vector.load %arg6[%swap3A_51, %swap3A_52] : memref<1x2xf32, #tpu.memory_space<vmem>>, vector<1x2xf32>
    tpu.vector_store %arg6[%swap3A_51, %swap3A_52], %add3A_50 {strides = array<i32>} : memref<1x2xf32, #tpu.memory_space<vmem>>, vector<1x2xf32>,
    return
  }
}

</mosaic_0001>

<sc_bundles>
// kernel: kernel.12.cloned.1.call-start
scs
__scs_entry_jumppad:
0x0: {  	(pc) =	sbr.rel $0x88, $3  }
0x1: {  	(tag) =	ssettag $0x0;
	lr =	simm.s32 $0x1  }
0x2: {  	[smem:$0x3F94] =	sst lr;
	_ =	strace $0xD0000000  }
0x3: {  	_ = 	snop  }
0x4: {  	_ = 	snop  }
0x5: {  	_ = 	snop  }
0x6: {  	_ = 	snop  }
0x7: {  	_ = 	snop  }
__scs_overlays_trampoline_lowered:
0x8: {  	[smem:$0x3FA3] =	sst s0  }
0x9: {  	[smem:$0x3FA4] =	sst s1  }
0xa: {  	[smem:$0x3FA5] =	sst s2  }
0xb: {  	[smem:$0x3FA6] =	sst s3  }
0xc: {  	[smem:$0x3FA7] =	sst s4  }
0xd: {  	[smem:$0x3FA8] =	sst s5  }
0xe: {  	[smem:$0x3FA9] =	sst s6  }
0xf: {  	[smem:$0x3FAA] =	sst s7  }
0x10: {  	[smem:$0x3FAB] =	sst s8  }
0x11: {  	[smem:$0x3FAC] =	sst s9;
	s0 =	simm.s32 @!p0 $0x0  }
0x12: {  	s1 =	sld [smem:$0x3F92];
	s0 =	simm.s32 @p0 $0x1  }
0x13: {  	[smem:$0x3FAD] =	sst s0;
	s0 =	simm.s32 @!p1 $0x0  }
0x14: {  	s2 =	sld [smem:$0x3F91];
	s0 =	simm.s32 @p1 $0x1  }
0x15: {  	[smem:$0x3FAE] =	sst s0;
	s0 =	simm.s32 @!p2 $0x0  }
0x16: {  	s3 =	sld [smem:$0x3FDB];
	s0 =	simm.s32 @p2 $0x1  }
0x17: {  	s4 =	simm.s32 $0x1BF5;
	[smem:$0x3FB0] =	sst s0  }
0x18: {  	s0 =	sld [smem:$0x3F93];
	_ =	swait.ge [sflag:s4], $0x0  }
0x19: {  	s7 =	sld [smem:$0x3F94]  }
0x1a: {  	s8 =	sadd.s32 $0xFFFFE003, lr  }
0x1b: {  	s9 =	sadd.s32 $0xFFFFFEF7, lr;
	s5 =	simm.s32 $0xFFFFFFFF;
	p2 =	slt.u32 s8, $0xFFFFF086  }
0x1c: {  	p1 =	slt.u32 s9, $0xF7A;
	s5 =	simm.s32 @!p2 $0x0  }
0x1d: {  	s5 =	simm.s32 @p1 $0x1;
	p0 =	seq.s32 s7, s2  }
0x1e: {  	s7 =	smul.u32 @!p0 $0xF7A, s2;
	p2 =	seq.s32 @!p0 s5, $0x0  }
0x1f: {  	s9 =	smul.u32 $0xF7A, s1;
	s8 =	simm.s32 @!p0 $0x1BF5;
	p2 =	por !p2, p0  }
0x20: {  	[sflag:s8] =	ssyncset.s32 @!p0 $0xFFFFF086;
	s6 =	sadd.s32 @!p0 s3, s7;
	s7 =	simm.s32 @!p0 $0x108  }
0x21: {  	s3 =	sadd.s32 s3, s9;
	s6 =	sadd.s32 @!p0 $0x88, s6;
	s7 =	simm.s32 @p2 $0x1082  }
0x22: {  	[simem:s7], [sflag:s8] =	dma.local @!p0 [hbm:s6], $0xF7A  }
0x23: {  	s9 =	sor.u32 $0xD0000000, s2;
	s6 =	simm.s32 $0x108;
	_ =	swait.ge @!p0 [sflag:s8], $0x0  }
0x24: {  	s3 =	sadd.s32 $0x88, s3;
	s6 =	simm.s32 @!p1 $0x1082;
	[sflag:s4] =	ssyncset.s32 $0xFFFFF086  }
0x25: {  	[simem:s6], [sflag:s4] =	dma.local [hbm:s3], $0xF7A  }
0x26: {  	[smem:$0x3F94] =	sst s1;
	(tag) =	ssettag s2;
	_ =	strace s9  }
0x27: {  	s1 =	sld [smem:$0x3FA4]  }
0x28: {  	s2 =	sld [smem:$0x3FA5]  }
0x29: {  	s4 =	sld [smem:$0x3FA7]  }
0x2a: {  	p0 =	seq.s32 s5, $0x0;
	s5 =	sld [smem:$0x3FA8]  }
0x2b: {  	s6 =	sld [smem:$0x3FA9]  }
0x2c: {  	s7 =	sld [smem:$0x3FAA]  }
0x2d: {  	s3 =	simm.s32 $0x108;
	s8 =	sld [smem:$0x3FAB]  }
0x2e: {  	s3 =	simm.s32 @!p0 $0x1082;
	s9 =	sld [smem:$0x3FAC]  }
0x2f: {  	lr =	sadd.s32 s0, s3;
	s0 =	sld [smem:$0x3FA3]  }
0x30: {  	s3 =	sld [smem:$0x3FA6]  }
0x31: {  	[smem:$0x3FAF] =	sst s10  }
0x32: {  	s10 =	sld [smem:$0x3FAD];
	_ =	sdelay $0x3  }
0x33: {  	p0 =	seq.s32 s10, $0x1;
	s10 =	sld [smem:$0x3FAF];
	_ =	sdelay $0x3  }
0x34: {  	[smem:$0x3FAF] =	sst s10  }
0x35: {  	s10 =	sld [smem:$0x3FAE];
	_ =	sdelay $0x3  }
0x36: {  	p1 =	seq.s32 s10, $0x1;
	s10 =	sld [smem:$0x3FAF];
	_ =	sdelay $0x3  }
0x37: {  	[smem:$0x3FAF] =	sst s10  }
0x38: {  	s10 =	sld [smem:$0x3FB0]  }
0x39: {  	_ = 	snop;
	(pc) =	sbr.ind lr, $3  }
0x3a: {  	_ = 	snop  }
0x3b: {  	_ = 	snop  }
0x3c: {  	p2 =	seq.s32 s10, $0x1;
	s10 =	sld [smem:$0x3FAF]  }
0x3d: {  	_ =	shalt  }
0x3e: {  	_ =	shalt  }
0x3f: {  	_ =	shalt  }
0x40: {  	_ =	shalt  }
0x41: {  	_ =	shalt  }
0x42: {  	_ =	shalt  }
0x43: {  	_ =	shalt  }
0x44: {  	_ =	shalt  }
0x45: {  	_ =	shalt  }
0x46: {  	_ =	shalt  }
0x47: {  	_ =	shalt  }
0x48: {  	_ =	shalt  }
0x49: {  	_ =	shalt  }
0x4a: {  	_ =	shalt  }
0x4b: {  	_ =	shalt  }
0x4c: {  	_ =	shalt  }
0x4d: {  	_ =	shalt  }
0x4e: {  	_ =	shalt  }
0x4f: {  	_ =	shalt  }
0x50: {  	_ =	shalt  }
0x51: {  	_ =	shalt  }
0x52: {  	_ =	shalt  }
0x53: {  	_ =	shalt  }
0x54: {  	_ =	shalt  }
0x55: {  	_ =	shalt  }
0x56: {  	_ =	shalt  }
0x57: {  	_ =	shalt  }
0x58: {  	_ =	shalt  }
0x59: {  	_ =	shalt  }
0x5a: {  	_ =	shalt  }
0x5b: {  	_ =	shalt  }
0x5c: {  	_ =	shalt  }
0x5d: {  	_ =	shalt  }
0x5e: {  	_ =	shalt  }
0x5f: {  	_ =	shalt  }
0x60: {  	_ =	shalt  }
0x61: {  	_ =	shalt  }
0x62: {  	_ =	shalt  }
0x63: {  	_ =	shalt  }
0x64: {  	_ =	shalt  }
0x65: {  	_ =	shalt  }
0x66: {  	_ =	shalt  }
0x67: {  	_ =	shalt  }
0x68: {  	_ =	shalt  }
0x69: {  	_ =	shalt  }
0x6a: {  	_ =	shalt  }
0x6b: {  	_ =	shalt  }
0x6c: {  	_ =	shalt  }
0x6d: {  	_ =	shalt  }
0x6e: {  	_ =	shalt  }
0x6f: {  	_ =	shalt  }
0x70: {  	_ =	shalt  }
0x71: {  	_ =	shalt  }
0x72: {  	_ =	shalt  }
0x73: {  	_ =	shalt  }
0x74: {  	_ =	shalt  }
0x75: {  	_ =	shalt  }
0x76: {  	_ =	shalt  }
0x77: {  	_ =	shalt  }
0x78: {  	_ =	shalt  }
0x79: {  	_ =	shalt  }
0x7a: {  	_ =	shalt  }
0x7b: {  	_ =	shalt  }
0x7c: {  	_ =	shalt  }
0x7d: {  	_ =	shalt  }
0x7e: {  	_ =	shalt  }
0x7f: {  	_ =	shalt  }
0x80: {  	_ =	shalt  }
0x81: {  	_ =	shalt  }
0x82: {  	_ =	shalt  }
0x83: {  	_ =	shalt  }
0x84: {  	_ =	shalt  }
0x85: {  	_ =	shalt  }
0x86: {  	_ =	shalt  }
0x87: {  	_ =	shalt  }
.Lfunc_end0:
.L_simem_size_0:
called_computation.1_lowered:
.L_overlay_start_0:
0x88: {  	s2 =	sld [smem:$0x3FD9]  }
0x89: {  	s3 =	sld [smem:$0x3FFE];
	_ =	sdelay $0x1  }
0x8a: {  	s1 =	srdreg.scid  }
0x8b: {  	s0 =	sand.u32 $0x1, s1  }
0x8c: {  	s14 =	sshll.u32 s0, $0xA;
	s2 =	sadd.s32 s3, s2  }
0x8d: {  	s2 =	sadd.s32 s2, s14  }
0x8e: {  	[smem:$0x3FBB] =	sst s2  }
0x8f: {  	_ = 	snop  }
0x90: {  	s2 =	sld [smem:$0x3FD0];
	_ =	sdelay $0x2  }
0x91: {  	s15 =	simm.s32 $0xA;
	s4 =	simm.s32 $0x10  }
0x92: {  	[smem:s4], [sflag:s15] =	dma.local [hbm:s2], $0x1  }
0x93: {  	_ =	swait.eq [sflag:s15], $0x1  }
0x94: {  	[sflag:s15] =	ssyncset.done $0x0  }
0x95: {  	[sflag:s15] =	ssyncadd.s32 $0xFFFFFFFF  }
0x96: {  	s16 =	sld [smem:$0x12];
	(tm) =	ssettm $0x1  }
0x97: {  	s17 =	sld [smem:$0x3FFB];
	_ =	sdelay $0x3  }
0x98: {  	_ =	strace s17  }
0x99: {  	s3 =	sld [smem:$0x3FFC];
	_ =	sdelay $0x3  }
0x9a: {  	_ =	strace s3  }
0x9b: {  	s3 =	sld [smem:$0x3FFD];
	_ =	sdelay $0x3  }
0x9c: {  	_ =	strace s3  }
0x9d: {  	_ =	strace $0x8FFFFFFF  }
0x9e: {  	s18 =	sld [smem:$0x3FDB];
	_ =	sdelay $0x1  }
0x9f: {  	s19 =	simm.s32 $_scs_section_size  }
0xa0: {  	s5 =	simm.s32 $_size__tile_overlayer_lowered;
	s6 =	simm.s32 $_tile_overlayer_lowered  }
0xa1: {  	s22 =	simm.s32 $0x1BFF;
	s21 =	sshll.u32 s6, $0x1;
	s3 =	sadd.s32 s19, s18  }
0xa2: {  	s7 =	simm.s32 $0x0;
	s20 =	sshll.u32 s5, $0x1;
	s5 =	sadd.s32 s21, s3  }
0xa3: {  	[timem:s7], [sflag:s22] =	dma.local [hbm:s5], s20  }
0xa4: {  	_ =	swait.ge [sflag:s22], s20  }
0xa5: {  	s4 =	ssub.s32 $0x0, s20;
	[sflag:s22] =	ssyncset.done $0x0  }
0xa6: {  	[sflag:s22] =	ssyncadd.s32 s4;
	_ =	sdelay $0x1  }
0xa7: {  	s23 =	simm.s32 $0x1B8B  }
0xa8: {  	_ =	swait.ge [sflag:s23], $0x1  }
0xa9: {  	[sflag:s23] =	ssyncset.done $0x0  }
0xaa: {  	s25 =	simm.s32 $0x1B8E;
	s24 =	sld [smem:$0x3FFE];
	[sflag:s23] =	ssyncadd.s32 $0xFFFFFFFF  }
0xab: {  	s26 =	simm.s32 $execute0_lowered;
	[smem:$0x3FD2] =	sst s25  }
0xac: {  	s5 =	sshll.u32 s26, $0x1;
	_ =	strace $0x80000049;
	[dreg:$0x1] =	wrdreg $0xFFFFFFFF  }
0xad: {  	s28 =	simm.s32 $_size_execute0_lowered;
	s3 =	sadd.s32 s3, s5;
	[dreg:$0x0] =	wrdreg $0x0  }
0xae: {  	s5 =	sshll.u32 s28, $0x1;
	[dreg:$0x2] =	wrdreg s3  }
0xaf: {  	[dreg:$0x3] =	wrdreg s5  }
0xb0: {  	[dreg:$0x4] =	wrdreg $0xC0  }
0xb1: {  	_ =	task [dreg:s7], $0x5FFFF  }
0xb2: {  	[dreg:$0x1] =	wrdreg $0xFFFFFFFF  }
0xb3: {  	[dreg:$0x0] =	wrdreg $0x60  }
0xb4: {  	[dreg:$0x2] =	wrdreg s24  }
0xb5: {  	[dreg:$0x3] =	wrdreg s16  }
0xb6: {  	[dreg:$0x4] =	wrdreg $0x11D000  }
0xb7: {  	[dreg:$0x5] =	wrdreg $0x9  }
0xb8: {  	_ =	task.clear_ibuf [dreg:s7], $0x6FFFF;
	_ =	strace $0x90000049  }
0xb9: {  	s29 =	simm.s32 $0x9;
	_ =	strace $0x8000004B  }
0xba: {  	_ =	swait.ge [sflag:s29], $0x1  }
0xbb: {  	[sflag:s29] =	ssyncadd.s32 $0xFFFFFFFF  }
0xbc: {  	_ =	strace $0x9000004B  }
0xbd: {  	_ =	sfence  }
0xbe: {  	s30 =	sld [smem:$0x0];
	_ =	sdelay $0x2  }
0xbf: {  	s31 =	sshll.u32 s1, $0xD;
	s1 =	sshrl.u32 s1, $0x2  }
0xc0: {  	s3 =	sand.u32 $0x4000, s31;
	s1 =	sadd.s32 s1, s30  }
0xc1: {  	s0 =	sor.u32 s3, s0;
	s1 =	sshll.u32 s1, $0x11  }
0xc2: {  	s0 =	sor.u32 s1, s0  }
0xc3: {  	s0 =	sadd.s32 $0x8F2B, s0  }
0xc4: {  	[sflag:s0] =	ssyncadd.remote.s32 $0x1  }
0xc5: {  	_ =	sfence.sel $0xFFFF  }
0xc6: {  	[dreg:$0x0] =	wrdreg $0xFFFFFFFF;
	(pc) =	sbr.abs _section_cstart, $3  }
0xc7: {  	[dreg:$0x1] =	wrdreg $0xFFFFFFFF  }
0xc8: {  	_ =	task.clear_ibuf [dreg:s7], $0x2FFFF;
	_ =	strace $0x9FFFFFFF  }
0xc9: {  	(tm) =	ssettm $0x7FFFFFFF  }
tec
execute0_lowered:
.L_overlay_start_1:
0x0: {  	(tag) =	ssettag $0x1  }
0x1: {  	s0 =	srdreg.scid;
	s1 =	rddreg [dreg:$0x0]  }
0x2: {  	s12 =	stileid.u32;
	s8 =	rddreg [dreg:$0x1];
	s3 =	simm.s32 $0x0  }
0x3: {  	s13 =	simm.s32 $0x4E80;
	s14 =	simm.s32 $0x80;
	s15 =	simm.s32 $0x9D00  }
0x4: {  	s16 =	simm.s32 $0xBD00;
	s18 =	simm.s32 $0xDD00;
	s19 =	simm.s32 $0x1  }
0x5: {  	s21 =	simm.s32 $0xFD00;
	s22 =	simm.s32 $0x2;
	s29 =	simm.s32 $0x6  }
0x6: {  	s31 =	simm.s32 $0x4;
	s30 =	simm.s32 $0x9B80;
	s20 =	simm.s32 $0x0  }
0x7: {  	s0 =	sand.u32 $0x1, s0;
	s23 =	smul.u32 $0xA000, s12;
	[smem:$0x7FF] =	sst s3  }
0x8: {  	s28 =	sshll.u32 s12, $0x6;
	s2 =	sshll.u32 s0, $0x4;
	s7 =	smul.u32 $0xA0000, s0  }
0x9: {  	s0 =	ssub.s32 $0x2, s0;
	s17 =	sor.u32 s12, s2;
	s2 =	rddreg [dreg:$0x2]  }
0xa: {  	_ =	strace $0x8000004A;
	s25 =	sshrl.u32 s23, $0x3;
	s11 =	sshrl.u32 s0, $0x1  }
0xb: {  	s12 =	simm.s32 $0x9;
	s4 =	smul.u32 $0x9C, s17;
	s5 =	smax.u32 s17, $0x18  }
0xc: {  	s24 =	sadd.s32 s23, s7;
	s7 =	sadd.s32 s25, s1;
	s0 =	ssub.s32 s0, s11  }
0xd: {  	s26 =	sadd.s32 s23, s2;
	p0 =	slt.u32 s17, $0x18;
	s17 =	simm.s32 $0x8  }
0xe: {  	s11 =	sshrl.u32 s26, $0x3;
	s26 =	simm.s32 $0x3;
	s4 =	sadd.s32 s4, s5  }
0xf: {  	s5 =	sadd.s32 $0x3EC00, s7;
	s6 =	sshll.u32 s4, $0x4;
	s4 =	sadd.s32 $0x17A00, s1  }
0x10: {  	s9 =	sadd.s32 $0xFFFFFE80, s6;
	s6 =	sshrl.u32 s24, $0x3;
	s24 =	simm.s32 $0x5  }
0x11: {  	s10 =	sadd.s32 s9, s1;
	s1 =	sadd.s32 s6, s1;
	s6 =	sor.u32 $0x1C09, s28  }
0x12: {  	s8 =	sadd.s32 s8, s9;
	s7 =	sadd.s32 $0x4000, s10;
	s9 =	sadd.s32 $0x52C00, s1  }
0x13: {  	s10 =	smax.u32 s0, $0x1;
	s0 =	simm.s32 $0x7;
	s1 =	simm.s32 $0x9C00  }
.LBB2_1:
0x14: {  	[spmem:s11], [sflag:s6] =	dma.local [hbm:s5], $0x1400  }
0x15: {  	_ =	swait.ge [sflag:s12], $0x1400  }
0x16: {  	[sflag:s12] =	ssyncset.done $0x0  }
0x17: {  	[sflag:s12] =	ssyncadd.s32 $0xFFFFEC00  }
0x18: {  	[tilespmem:s3], [sflag:$0x9] =	stream.linear.gather [hbm4b:s7+s3], $0x4E80, $0x38;
	[tilespmem:$0x1BD00] =	vst v63  }
0x19: {  	_ =	swait.ge [sflag:s12], $0x4E80  }
0x1a: {  	[sflag:s12] =	ssyncset.done $0x0  }
0x1b: {  	[sflag:s12] =	ssyncadd.s32 $0xFFFFB180  }
0x1c: {  	[tilespmem:s13], [sflag:$0x9] =	stream.linear.gather [hbm4b:s8+s3], $0x4E80, $0x38;
	[tilespmem:$0x1BD00] =	vst v63  }
0x1d: {  	_ =	swait.ge [sflag:s12], $0x4E80  }
0x1e: {  	[sflag:s12] =	ssyncset.done $0x0  }
0x1f: {  	[sflag:s12] =	ssyncadd.s32 $0xFFFFB180  }
0x20: {  	[bflag:$0x0] =	sbarrier.arrive $0xFFFF  }
0x21: {  	[tilespmem:s15], [sflag:$0x1] =	stream.indirect.gather [hbm4b:s4+s14], $0x40, s3, s14, $0xb8;
	[tilespmem:$0x1BD00] =	vst v63  }
0x22: {  	_ = 	snop  }
0x23: {  	[tilespmem:s16], [sflag:$0x2] =	stream.indirect.gather [hbm4b:s4+s14], $0x40, s14, s14, $0xb8;
	[tilespmem:$0x1BD00] =	vst v63  }
0x24: {  	s23 =	simm.s32 $0x100  }
0x25: {  	[tilespmem:s18], [sflag:$0x3] =	stream.indirect.gather [hbm4b:s4+s14], $0x40, s23, s14, $0xb8;
	[tilespmem:$0x1BD00] =	vst v63  }
0x26: {  	_ =	swait.ge [sflag:s19], $0x2000  }
0x27: {  	[sflag:s19] =	ssyncset.done $0x0  }
0x28: {  	[sflag:s19] =	ssyncadd.s32 $0xFFFFE000  }
0x29: {  	[spmem:s2] =	stream.indirect.scatter.add.f32 [tilespmem:s15], [sflag:$0x5], $0x40, s13, s14, $0xb8;
	[tilespmem:$0x1BD00] =	vst v63  }
0x2a: {  	s28 =	simm.s32 $0x180  }
0x2b: {  	[tilespmem:s21], [sflag:$0x4] =	stream.indirect.gather [hbm4b:s4+s14], $0x40, s28, s14, $0xb8;
	[tilespmem:$0x1BD00] =	vst v63  }
0x2c: {  	_ =	swait.ge [sflag:s22], $0x2000  }
0x2d: {  	[sflag:s22] =	ssyncset.done $0x0  }
0x2e: {  	s25 =	simm.s32 $0x4F00;
	[sflag:s22] =	ssyncadd.s32 $0xFFFFE000  }
0x2f: {  	[spmem:s2] =	stream.indirect.scatter.add.f32 [tilespmem:s16], [sflag:$0x6], $0x40, s25, s14, $0xb8;
	[tilespmem:$0x1BD00] =	vst v63  }
0x30: {  	_ =	swait.ge [sflag:s24], $0x2000  }
0x31: {  	[sflag:s24] =	ssyncset.done $0x0  }
0x32: {  	s28 =	simm.s32 $0x200;
	[sflag:s24] =	ssyncadd.s32 $0xFFFFE000  }
0x33: {  	[tilespmem:s15], [sflag:$0x1] =	stream.indirect.gather [hbm4b:s4+s14], $0x40, s28, s14, $0xb8;
	[tilespmem:$0x1BD00] =	vst v63  }
0x34: {  	_ =	swait.ge [sflag:s26], $0x2000  }
0x35: {  	[sflag:s26] =	ssyncset.done $0x0  }
0x36: {  	s25 =	simm.s32 $0x4F80;
	[sflag:s26] =	ssyncadd.s32 $0xFFFFE000  }
0x37: {  	[spmem:s2] =	stream.indirect.scatter.add.f32 [tilespmem:s18], [sflag:$0x7], $0x40, s25, s14, $0xb8;
	[tilespmem:$0x1BD00] =	vst v63  }
0x38: {  	_ =	swait.ge [sflag:s29], $0x2000  }
0x39: {  	[sflag:s29] =	ssyncset.done $0x0  }
0x3a: {  	s28 =	simm.s32 $0x280;
	[sflag:s29] =	ssyncadd.s32 $0xFFFFE000  }
0x3b: {  	[tilespmem:s16], [sflag:$0x2] =	stream.indirect.gather [hbm4b:s4+s14], $0x40, s28, s14, $0xb8;
	[tilespmem:$0x1BD00] =	vst v63  }
0x3c: {  	_ =	swait.ge [sflag:s31], $0x2000  }
0x3d: {  	[sflag:s31] =	ssyncset.done $0x0  }
0x3e: {  	s25 =	simm.s32 $0x5000;
	[sflag:s31] =	ssyncadd.s32 $0xFFFFE000  }
0x3f: {  	[spmem:s2] =	stream.indirect.scatter.add.f32 [tilespmem:s21], [sflag:$0x8], $0x40, s25, s14, $0xb8;
	[tilespmem:$0x1BD00] =	vst v63  }
0x40: {  	_ =	swait.ge [sflag:s0], $0x2000  }
0x41: {  	[sflag:s0] =	ssyncset.done $0x0  }
0x42: {  	s28 =	simm.s32 $0x300;
	[sflag:s0] =	ssyncadd.s32 $0xFFFFE000  }
0x43: {  	[tilespmem:s18], [sflag:$0x3] =	stream.indirect.gather [hbm4b:s4+s14], $0x40, s28, s14, $0xb8;
	[tilespmem:$0x1BD00] =	vst v63  }
0x44: {  	_ =	swait.ge [sflag:s19], $0x2000  }
0x45: {  	[sflag:s19] =	ssyncset.done $0x0  }
0x46: {  	s25 =	simm.s32 $0x5080;
	[sflag:s19] =	ssyncadd.s32 $0xFFFFE000  }
0x47: {  	[spmem:s2] =	stream.indirect.scatter.add.f32 [tilespmem:s15], [sflag:$0x5], $0x40, s25, s14, $0xb8;
	[tilespmem:$0x1BD00] =	vst v63  }
0x48: {  	_ =	swait.ge [sflag:s17], $0x2000  }
0x49: {  	[sflag:s17] =	ssyncset.done $0x0  }
0x4a: {  	s28 =	simm.s32 $0x380;
	[sflag:s17] =	ssyncadd.s32 $0xFFFFE000  }
0x4b: {  	[tilespmem:s21], [sflag:$0x4] =	stream.indirect.gather [hbm4b:s4+s14], $0x40, s28, s14, $0xb8;
	[tilespmem:$0x1BD00] =	vst v63  }
0x4c: {  	_ =	swait.ge [sflag:s22], $0x2000  }
0x4d: {  	[sflag:s22] =	ssyncset.done $0x0  }
0x4e: {  	s25 =	simm.s32 $0x5100;
	[sflag:s22] =	ssyncadd.s32 $0xFFFFE000  }
0x4f: {  	[spmem:s2] =	stream.indirect.scatter.add.f32 [tilespmem:s16], [sflag:$0x6], $0x40, s25, s14, $0xb8;
	[tilespmem:$0x1BD00] =	vst v63  }
0x50: {  	_ =	swait.ge [sflag:s24], $0x2000  }
0x51: {  	[sflag:s24] =	ssyncset.done $0x0  }
0x52: {  	s28 =	simm.s32 $0x400;
	[sflag:s24] =	ssyncadd.s32 $0xFFFFE000  }
0x53: {  	[tilespmem:s15], [sflag:$0x1] =	stream.indirect.gather [hbm4b:s4+s14], $0x40, s28, s14, $0xb8;
	[tilespmem:$0x1BD00] =	vst v63  }
0x54: {  	_ =	swait.ge [sflag:s26], $0x2000  }
0x55: {  	[sflag:s26] =	ssyncset.done $0x0  }
0x56: {  	s25 =	simm.s32 $0x5180;
	[sflag:s26] =	ssyncadd.s32 $0xFFFFE000  }
0x57: {  	[spmem:s2] =	stream.indirect.scatter.add.f32 [tilespmem:s18], [sflag:$0x7], $0x40, s25, s14, $0xb8;
	[tilespmem:$0x1BD00] =	vst v63  }
0x58: {  	_ =	swait.ge [sflag:s29], $0x2000  }
0x59: {  	[sflag:s29] =	ssyncset.done $0x0  }
0x5a: {  	s28 =	simm.s32 $0x480;
	[sflag:s29] =	ssyncadd.s32 $0xFFFFE000  }
0x5b: {  	[tilespmem:s16], [sflag:$0x2] =	stream.indirect.gather [hbm4b:s4+s14], $0x40, s28, s14, $0xb8;
	[tilespmem:$0x1BD00] =	vst v63  }
0x5c: {  	_ =	swait.ge [sflag:s31], $0x2000  }
0x5d: {  	[sflag:s31] =	ssyncset.done $0x0  }
0x5e: {  	s23 =	simm.s32 $0x800;
	s25 =	simm.s32 $0x5200;
	[sflag:s31] =	ssyncadd.s32 $0xFFFFE000  }
.LBB2_2:
0x5f: {  	[spmem:s2] =	stream.indirect.scatter.add.f32 [tilespmem:s21], [sflag:$0x8], $0x40, s25, s14, $0xb8;
	[tilespmem:$0x1BD00] =	vst v63  }
0x60: {  	s25 =	smov.u32 s23  }
0x61: {  	p1 =	sne.s32 s23, $0x12000;
	s23 =	sadd.s32 $0x800, s23;
	_ =	swait.ge [sflag:s0], $0x2000  }
0x62: {  	s25 =	sshra.s32 s25, $0x2;
	[sflag:s0] =	ssyncset.done $0x0  }
0x63: {  	s28 =	sadd.s32 $0x300, s25;
	[sflag:s0] =	ssyncadd.s32 $0xFFFFE000  }
0x64: {  	[tilespmem:s18], [sflag:$0x3] =	stream.indirect.gather [hbm4b:s4+s14], $0x40, s28, s14, $0xb8;
	[tilespmem:$0x1BD00] =	vst v63  }
0x65: {  	_ =	swait.ge [sflag:s19], $0x2000  }
0x66: {  	[sflag:s19] =	ssyncset.done $0x0  }
0x67: {  	s28 =	sadd.s32 $0x5080, s25;
	[sflag:s19] =	ssyncadd.s32 $0xFFFFE000  }
0x68: {  	[spmem:s2] =	stream.indirect.scatter.add.f32 [tilespmem:s15], [sflag:$0x5], $0x40, s28, s14, $0xb8;
	[tilespmem:$0x1BD00] =	vst v63  }
0x69: {  	_ =	swait.ge [sflag:s17], $0x2000  }
0x6a: {  	[sflag:s17] =	ssyncset.done $0x0  }
0x6b: {  	s28 =	sadd.s32 $0x380, s25;
	[sflag:s17] =	ssyncadd.s32 $0xFFFFE000  }
0x6c: {  	[tilespmem:s21], [sflag:$0x4] =	stream.indirect.gather [hbm4b:s4+s14], $0x40, s28, s14, $0xb8;
	[tilespmem:$0x1BD00] =	vst v63  }
0x6d: {  	_ =	swait.ge [sflag:s22], $0x2000  }
0x6e: {  	[sflag:s22] =	ssyncset.done $0x0  }
0x6f: {  	s28 =	sadd.s32 $0x5100, s25;
	[sflag:s22] =	ssyncadd.s32 $0xFFFFE000  }
0x70: {  	[spmem:s2] =	stream.indirect.scatter.add.f32 [tilespmem:s16], [sflag:$0x6], $0x40, s28, s14, $0xb8;
	[tilespmem:$0x1BD00] =	vst v63  }
0x71: {  	_ =	swait.ge [sflag:s24], $0x2000  }
0x72: {  	[sflag:s24] =	ssyncset.done $0x0  }
0x73: {  	s28 =	sadd.s32 $0x400, s25;
	[sflag:s24] =	ssyncadd.s32 $0xFFFFE000  }
0x74: {  	[tilespmem:s15], [sflag:$0x1] =	stream.indirect.gather [hbm4b:s4+s14], $0x40, s28, s14, $0xb8;
	[tilespmem:$0x1BD00] =	vst v63  }
0x75: {  	_ =	swait.ge [sflag:s26], $0x2000  }
0x76: {  	[sflag:s26] =	ssyncset.done $0x0  }
0x77: {  	s28 =	sadd.s32 $0x5180, s25;
	[sflag:s26] =	ssyncadd.s32 $0xFFFFE000  }
0x78: {  	[spmem:s2] =	stream.indirect.scatter.add.f32 [tilespmem:s18], [sflag:$0x7], $0x40, s28, s14, $0xb8;
	[tilespmem:$0x1BD00] =	vst v63  }
0x79: {  	_ =	swait.ge [sflag:s29], $0x2000  }
0x7a: {  	[sflag:s29] =	ssyncset.done $0x0  }
.Ltmp0:
0x7b: {  	s28 =	sadd.s32 $0x480, s25;
	[sflag:s29] =	ssyncadd.s32 $0xFFFFE000;
	(pc) =	sbr.rel @p1 .LBB2_2-.Ltmp0, $4  }
0x7c: {  	[tilespmem:s16], [sflag:$0x2] =	stream.indirect.gather [hbm4b:s4+s14], $0x40, s28, s14, $0xb8;
	[tilespmem:$0x1BD00] =	vst v63  }
0x7d: {  	_ =	swait.ge [sflag:s31], $0x2000  }
0x7e: {  	[sflag:s31] =	ssyncset.done $0x0  }
0x7f: {  	s25 =	sadd.s32 $0x5200, s25;
	[sflag:s31] =	ssyncadd.s32 $0xFFFFE000  }
0x80: {  	[spmem:s2] =	stream.indirect.scatter.add.f32 [tilespmem:s21], [sflag:$0x8], $0x40, s25, s14, $0xb8;
	[tilespmem:$0x1BD00] =	vst v63  }
0x81: {  	_ =	swait.ge [sflag:s0], $0x2000  }
0x82: {  	[sflag:s0] =	ssyncset.done $0x0  }
0x83: {  	s23 =	simm.s32 $0x4D00;
	[sflag:s0] =	ssyncadd.s32 $0xFFFFE000  }
0x84: {  	[tilespmem:s18], [sflag:$0x3] =	stream.indirect.gather [hbm4b:s4+s14], $0x40, s23, s14, $0xb8;
	[tilespmem:$0x1BD00] =	vst v63  }
0x85: {  	_ =	swait.ge [sflag:s19], $0x2000  }
0x86: {  	[sflag:s19] =	ssyncset.done $0x0  }
0x87: {  	s28 =	simm.s32 $0x9A80;
	[sflag:s19] =	ssyncadd.s32 $0xFFFFE000  }
0x88: {  	[spmem:s2] =	stream.indirect.scatter.add.f32 [tilespmem:s15], [sflag:$0x5], $0x40, s28, s14, $0xb8;
	[tilespmem:$0x1BD00] =	vst v63  }
0x89: {  	_ =	swait.ge [sflag:s17], $0x2000  }
0x8a: {  	[sflag:s17] =	ssyncset.done $0x0  }
0x8b: {  	s25 =	simm.s32 $0x4D80;
	[sflag:s17] =	ssyncadd.s32 $0xFFFFE000  }
0x8c: {  	[tilespmem:s21], [sflag:$0x4] =	stream.indirect.gather [hbm4b:s4+s14], $0x40, s25, s14, $0xb8;
	[tilespmem:$0x1BD00] =	vst v63  }
0x8d: {  	_ =	swait.ge [sflag:s22], $0x2000  }
0x8e: {  	[sflag:s22] =	ssyncset.done $0x0  }
0x8f: {  	s28 =	simm.s32 $0x9B00;
	[sflag:s22] =	ssyncadd.s32 $0xFFFFE000  }
0x90: {  	[spmem:s2] =	stream.indirect.scatter.add.f32 [tilespmem:s16], [sflag:$0x6], $0x40, s28, s14, $0xb8;
	[tilespmem:$0x1BD00] =	vst v63  }
0x91: {  	_ =	swait.ge [sflag:s24], $0x2000  }
0x92: {  	[sflag:s24] =	ssyncset.done $0x0  }
0x93: {  	[sflag:s24] =	ssyncadd.s32 $0xFFFFE000  }
0x94: {  	_ =	swait.ge [sflag:s26], $0x2000  }
0x95: {  	[sflag:s26] =	ssyncset.done $0x0  }
0x96: {  	[sflag:s26] =	ssyncadd.s32 $0xFFFFE000  }
0x97: {  	[spmem:s2] =	stream.indirect.scatter.add.f32 [tilespmem:s18], [sflag:$0x7], $0x40, s30, s14, $0xb8;
	[tilespmem:$0x1BD00] =	vst v63  }
0x98: {  	_ =	swait.ge [sflag:s29], $0x2000  }
0x99: {  	[sflag:s29] =	ssyncset.done $0x0  }
0x9a: {  	[sflag:s29] =	ssyncadd.s32 $0xFFFFE000  }
0x9b: {  	_ =	swait.ge [sflag:s31], $0x2000  }
0x9c: {  	[sflag:s31] =	ssyncset.done $0x0  }
0x9d: {  	[sflag:s31] =	ssyncadd.s32 $0xFFFFE000  }
0x9e: {  	[spmem:s2] =	stream.indirect.scatter.add.f32 [tilespmem:s21], [sflag:$0x8], $0x40, s1, s14, $0xb8;
	[tilespmem:$0x1BD00] =	vst v63  }
0x9f: {  	_ =	swait.ge [sflag:s0], $0x2000  }
0xa0: {  	[sflag:s0] =	ssyncset.done $0x0  }
0xa1: {  	[sflag:s0] =	ssyncadd.s32 $0xFFFFE000  }
0xa2: {  	_ =	swait.ge [sflag:s17], $0x2000  }
0xa3: {  	s23 =	simm.s32 @!p0 $0x80;
	[sflag:s17] =	ssyncset.done $0x0  }
0xa4: {  	s25 =	simm.s32 @!p0 $0x4E00;
	s28 =	simm.s32 @!p0 $0x9D00;
	[sflag:s17] =	ssyncadd.s32 $0xFFFFE000  }
0xa5: {  	[tilespmem:s28], [sflag:$0x1] =	stream.indirect.gather @!p0 [hbm4b:s4+s23], $0x40, s25, s23, $0xb8;
	[tilespmem:$0x1BD00] =	vst v63  }
0xa6: {  	s25 =	simm.s32 @!p0 $0x1  }
0xa7: {  	_ =	swait.ge @!p0 [sflag:s25], $0x2000  }
0xa8: {  	[sflag:s25] =	ssyncset.done @!p0 $0x0  }
0xa9: {  	[sflag:s25] =	ssyncadd.s32 @!p0 $0xFFFFE000;
	s25 =	simm.s32 @!p0 $0x9C80  }
0xaa: {  	[spmem:s2] =	stream.indirect.scatter.add.f32 @!p0 [tilespmem:s28], [sflag:$0x5], $0x40, s25, s23, $0xb8;
	[tilespmem:$0x1BD00] =	vst v63  }
0xab: {  	s23 =	simm.s32 @!p0 $0x5  }
0xac: {  	_ =	swait.ge @!p0 [sflag:s23], $0x2000  }
0xad: {  	s20 =	sadd.s32 $0x1, s20;
	[sflag:s23] =	ssyncset.done @!p0 $0x0  }
0xae: {  	p1 =	sne.s32 s20, s10;
	[sflag:s23] =	ssyncadd.s32 @!p0 $0xFFFFE000  }
.Ltmp1:
0xaf: {  	[bflag:$0x0] =	sbarrier.arrive $0xFFFF;
	(pc) =	sbr.rel @p1 .LBB2_1-.Ltmp1, $4  }
0xb0: {  	[hbm:s9], [sflag:s6] =	dma.local [spmem:s11], $0x1400  }
0xb1: {  	_ =	swait.ge [sflag:s12], $0x1400  }
0xb2: {  	[sflag:s12] =	ssyncset.done $0x0  }
0xb3: {  	[sflag:s12] =	ssyncadd.s32 $0xFFFFEC00  }
0xb4: {  	_ =	sfence.sel $0x180000  }
0xb5: {  	[bflag:$0x0] =	sbarrier.arrive $0xFFFF  }
0xb6: {  	_ =	strace $0x9000004A  }
0xb7: {  	s0 =	stileid.u32;
	[bflag:$0x2] =	sbarrier.arrive $0xFFFF  }
0xb8: {  	p0 =	sne.s32 s0, $0x0;
	s0 =	rddreg [dreg:$0x3]  }
0xb9: {  	s0 =	sadd.s32 @!p0 $0x100000, s0  }
0xba: {  	[sflag:s0] =	ssyncadd.tile.s32 @!p0 $0x1;
	_ =	shalt  }
.Lfunc_end2:
_tile_overlayer_lowered:
.L_overlay_start_2:
0xbb: {  	(tag) =	ssettag $0x2  }
0xbc: {  	s0 =	rddreg [dreg:$0x0];
	s2 =	stileid.u32  }
0xbd: {  	s1 =	rddreg [dreg:$0x1];
	p0 =	sne.s32 s2, $0x0  }
0xbe: {  	s3 =	rddreg [dreg:$0x2];
	[bflag:$0x3] =	sbarrier.arrive $0xFFFF;
	s2 =	simm.s32 @!p0 $0x1C09  }
0xbf: {  	[timem:s3], [sflag:s2] =	dma.local @!p0 [hbm:s0], s1  }
0xc0: {  	s0 =	simm.s32 @!p0 $0x9  }
0xc1: {  	_ =	swait.ge @!p0 [sflag:s0], s1  }
0xc2: {  	s1 =	ssub.s32 @!p0 $0x0, s1;
	[sflag:s0] =	ssyncset.done @!p0 $0x0  }
0xc3: {  	[sflag:s0] =	ssyncadd.s32 @!p0 s1  }
0xc4: {  	[bflag:$0x3] =	sbarrier.arrive $0xFFFF  }
0xc5: {  	_ =	shalt  }

// kernel: kernel.15.cloned.1.call-start
scs
__scs_entry_jumppad:
0x0: {  	(pc) =	sbr.rel $0x88, $3  }
0x1: {  	(tag) =	ssettag $0x0;
	lr =	simm.s32 $0x1  }
0x2: {  	[smem:$0x3F94] =	sst lr;
	_ =	strace $0xD0000000  }
0x3: {  	_ = 	snop  }
0x4: {  	_ = 	snop  }
0x5: {  	_ = 	snop  }
0x6: {  	_ = 	snop  }
0x7: {  	_ = 	snop  }
__scs_overlays_trampoline_lowered:
0x8: {  	[smem:$0x3FA3] =	sst s0  }
0x9: {  	[smem:$0x3FA4] =	sst s1  }
0xa: {  	[smem:$0x3FA5] =	sst s2  }
0xb: {  	[smem:$0x3FA6] =	sst s3  }
0xc: {  	[smem:$0x3FA7] =	sst s4  }
0xd: {  	[smem:$0x3FA8] =	sst s5  }
0xe: {  	[smem:$0x3FA9] =	sst s6  }
0xf: {  	[smem:$0x3FAA] =	sst s7  }
0x10: {  	[smem:$0x3FAB] =	sst s8  }
0x11: {  	[smem:$0x3FAC] =	sst s9;
	s0 =	simm.s32 @!p0 $0x0  }
0x12: {  	s1 =	sld [smem:$0x3F92];
	s0 =	simm.s32 @p0 $0x1  }
0x13: {  	[smem:$0x3FAD] =	sst s0;
	s0 =	simm.s32 @!p1 $0x0  }
0x14: {  	s2 =	sld [smem:$0x3F91];
	s0 =	simm.s32 @p1 $0x1  }
0x15: {  	[smem:$0x3FAE] =	sst s0;
	s0 =	simm.s32 @!p2 $0x0  }
0x16: {  	s3 =	sld [smem:$0x3FDB];
	s0 =	simm.s32 @p2 $0x1  }
0x17: {  	s4 =	simm.s32 $0x1BF5;
	[smem:$0x3FB0] =	sst s0  }
0x18: {  	s0 =	sld [smem:$0x3F93];
	_ =	swait.ge [sflag:s4], $0x0  }
0x19: {  	s7 =	sld [smem:$0x3F94]  }
0x1a: {  	s8 =	sadd.s32 $0xFFFFE003, lr  }
0x1b: {  	s9 =	sadd.s32 $0xFFFFFEF7, lr;
	s5 =	simm.s32 $0xFFFFFFFF;
	p2 =	slt.u32 s8, $0xFFFFF086  }
0x1c: {  	p1 =	slt.u32 s9, $0xF7A;
	s5 =	simm.s32 @!p2 $0x0  }
0x1d: {  	s5 =	simm.s32 @p1 $0x1;
	p0 =	seq.s32 s7, s2  }
0x1e: {  	s7 =	smul.u32 @!p0 $0xF7A, s2;
	p2 =	seq.s32 @!p0 s5, $0x0  }
0x1f: {  	s9 =	smul.u32 $0xF7A, s1;
	s8 =	simm.s32 @!p0 $0x1BF5;
	p2 =	por !p2, p0  }
0x20: {  	[sflag:s8] =	ssyncset.s32 @!p0 $0xFFFFF086;
	s6 =	sadd.s32 @!p0 s3, s7;
	s7 =	simm.s32 @!p0 $0x108  }
0x21: {  	s3 =	sadd.s32 s3, s9;
	s6 =	sadd.s32 @!p0 $0x88, s6;
	s7 =	simm.s32 @p2 $0x1082  }
0x22: {  	[simem:s7], [sflag:s8] =	dma.local @!p0 [hbm:s6], $0xF7A  }
0x23: {  	s9 =	sor.u32 $0xD0000000, s2;
	s6 =	simm.s32 $0x108;
	_ =	swait.ge @!p0 [sflag:s8], $0x0  }
0x24: {  	s3 =	sadd.s32 $0x88, s3;
	s6 =	simm.s32 @!p1 $0x1082;
	[sflag:s4] =	ssyncset.s32 $0xFFFFF086  }
0x25: {  	[simem:s6], [sflag:s4] =	dma.local [hbm:s3], $0xF7A  }
0x26: {  	[smem:$0x3F94] =	sst s1;
	(tag) =	ssettag s2;
	_ =	strace s9  }
0x27: {  	s1 =	sld [smem:$0x3FA4]  }
0x28: {  	s2 =	sld [smem:$0x3FA5]  }
0x29: {  	s4 =	sld [smem:$0x3FA7]  }
0x2a: {  	p0 =	seq.s32 s5, $0x0;
	s5 =	sld [smem:$0x3FA8]  }
0x2b: {  	s6 =	sld [smem:$0x3FA9]  }
0x2c: {  	s7 =	sld [smem:$0x3FAA]  }
0x2d: {  	s3 =	simm.s32 $0x108;
	s8 =	sld [smem:$0x3FAB]  }
0x2e: {  	s3 =	simm.s32 @!p0 $0x1082;
	s9 =	sld [smem:$0x3FAC]  }
0x2f: {  	lr =	sadd.s32 s0, s3;
	s0 =	sld [smem:$0x3FA3]  }
0x30: {  	s3 =	sld [smem:$0x3FA6]  }
0x31: {  	[smem:$0x3FAF] =	sst s10  }
0x32: {  	s10 =	sld [smem:$0x3FAD];
	_ =	sdelay $0x3  }
0x33: {  	p0 =	seq.s32 s10, $0x1;
	s10 =	sld [smem:$0x3FAF];
	_ =	sdelay $0x3  }
0x34: {  	[smem:$0x3FAF] =	sst s10  }
0x35: {  	s10 =	sld [smem:$0x3FAE];
	_ =	sdelay $0x3  }
0x36: {  	p1 =	seq.s32 s10, $0x1;
	s10 =	sld [smem:$0x3FAF];
	_ =	sdelay $0x3  }
0x37: {  	[smem:$0x3FAF] =	sst s10  }
0x38: {  	s10 =	sld [smem:$0x3FB0]  }
0x39: {  	_ = 	snop;
	(pc) =	sbr.ind lr, $3  }
0x3a: {  	_ = 	snop  }
0x3b: {  	_ = 	snop  }
0x3c: {  	p2 =	seq.s32 s10, $0x1;
	s10 =	sld [smem:$0x3FAF]  }
0x3d: {  	_ =	shalt  }
0x3e: {  	_ =	shalt  }
0x3f: {  	_ =	shalt  }
0x40: {  	_ =	shalt  }
0x41: {  	_ =	shalt  }
0x42: {  	_ =	shalt  }
0x43: {  	_ =	shalt  }
0x44: {  	_ =	shalt  }
0x45: {  	_ =	shalt  }
0x46: {  	_ =	shalt  }
0x47: {  	_ =	shalt  }
0x48: {  	_ =	shalt  }
0x49: {  	_ =	shalt  }
0x4a: {  	_ =	shalt  }
0x4b: {  	_ =	shalt  }
0x4c: {  	_ =	shalt  }
0x4d: {  	_ =	shalt  }
0x4e: {  	_ =	shalt  }
0x4f: {  	_ =	shalt  }
0x50: {  	_ =	shalt  }
0x51: {  	_ =	shalt  }
0x52: {  	_ =	shalt  }
0x53: {  	_ =	shalt  }
0x54: {  	_ =	shalt  }
0x55: {  	_ =	shalt  }
0x56: {  	_ =	shalt  }
0x57: {  	_ =	shalt  }
0x58: {  	_ =	shalt  }
0x59: {  	_ =	shalt  }
0x5a: {  	_ =	shalt  }
0x5b: {  	_ =	shalt  }
0x5c: {  	_ =	shalt  }
0x5d: {  	_ =	shalt  }
0x5e: {  	_ =	shalt  }
0x5f: {  	_ =	shalt  }
0x60: {  	_ =	shalt  }
0x61: {  	_ =	shalt  }
0x62: {  	_ =	shalt  }
0x63: {  	_ =	shalt  }
0x64: {  	_ =	shalt  }
0x65: {  	_ =	shalt  }
0x66: {  	_ =	shalt  }
0x67: {  	_ =	shalt  }
0x68: {  	_ =	shalt  }
0x69: {  	_ =	shalt  }
0x6a: {  	_ =	shalt  }
0x6b: {  	_ =	shalt  }
0x6c: {  	_ =	shalt  }
0x6d: {  	_ =	shalt  }
0x6e: {  	_ =	shalt  }
0x6f: {  	_ =	shalt  }
0x70: {  	_ =	shalt  }
0x71: {  	_ =	shalt  }
0x72: {  	_ =	shalt  }
0x73: {  	_ =	shalt  }
0x74: {  	_ =	shalt  }
0x75: {  	_ =	shalt  }
0x76: {  	_ =	shalt  }
0x77: {  	_ =	shalt  }
0x78: {  	_ =	shalt  }
0x79: {  	_ =	shalt  }
0x7a: {  	_ =	shalt  }
0x7b: {  	_ =	shalt  }
0x7c: {  	_ =	shalt  }
0x7d: {  	_ =	shalt  }
0x7e: {  	_ =	shalt  }
0x7f: {  	_ =	shalt  }
0x80: {  	_ =	shalt  }
0x81: {  	_ =	shalt  }
0x82: {  	_ =	shalt  }
0x83: {  	_ =	shalt  }
0x84: {  	_ =	shalt  }
0x85: {  	_ =	shalt  }
0x86: {  	_ =	shalt  }
0x87: {  	_ =	shalt  }
.Lfunc_end0:
.L_simem_size_0:
called_computation.2_lowered:
.L_overlay_start_0:
0x88: {  	s2 =	sld [smem:$0x3FD9]  }
0x89: {  	s3 =	sld [smem:$0x3FFE];
	_ =	sdelay $0x1  }
0x8a: {  	s1 =	srdreg.scid  }
0x8b: {  	s0 =	sand.u32 $0x1, s1  }
0x8c: {  	s14 =	sshll.u32 s0, $0xA;
	s2 =	sadd.s32 s3, s2  }
0x8d: {  	s2 =	sadd.s32 s2, s14  }
0x8e: {  	[smem:$0x3FBB] =	sst s2  }
0x8f: {  	_ = 	snop  }
0x90: {  	s2 =	sld [smem:$0x3FD0];
	_ =	sdelay $0x2  }
0x91: {  	s15 =	simm.s32 $0xA;
	s4 =	simm.s32 $0x10  }
0x92: {  	[smem:s4], [sflag:s15] =	dma.local [hbm:s2], $0x1  }
0x93: {  	_ =	swait.eq [sflag:s15], $0x1  }
0x94: {  	[sflag:s15] =	ssyncset.done $0x0  }
0x95: {  	[sflag:s15] =	ssyncadd.s32 $0xFFFFFFFF  }
0x96: {  	s16 =	sld [smem:$0x12];
	(tm) =	ssettm $0x1  }
0x97: {  	s17 =	sld [smem:$0x3FFB];
	_ =	sdelay $0x3  }
0x98: {  	_ =	strace s17  }
0x99: {  	s3 =	sld [smem:$0x3FFC];
	_ =	sdelay $0x3  }
0x9a: {  	_ =	strace s3  }
0x9b: {  	s3 =	sld [smem:$0x3FFD];
	_ =	sdelay $0x3  }
0x9c: {  	_ =	strace s3  }
0x9d: {  	_ =	strace $0x8FFFFFFF  }
0x9e: {  	s18 =	sld [smem:$0x3FDB];
	_ =	sdelay $0x1  }
0x9f: {  	s19 =	simm.s32 $_scs_section_size  }
0xa0: {  	s5 =	simm.s32 $_size__tile_overlayer_lowered;
	s6 =	simm.s32 $_tile_overlayer_lowered  }
0xa1: {  	s22 =	simm.s32 $0x1BFF;
	s21 =	sshll.u32 s6, $0x1;
	s3 =	sadd.s32 s19, s18  }
0xa2: {  	s7 =	simm.s32 $0x0;
	s20 =	sshll.u32 s5, $0x1;
	s5 =	sadd.s32 s21, s3  }
0xa3: {  	[timem:s7], [sflag:s22] =	dma.local [hbm:s5], s20  }
0xa4: {  	_ =	swait.ge [sflag:s22], s20  }
0xa5: {  	s4 =	ssub.s32 $0x0, s20;
	[sflag:s22] =	ssyncset.done $0x0  }
0xa6: {  	[sflag:s22] =	ssyncadd.s32 s4;
	_ =	sdelay $0x1  }
0xa7: {  	s23 =	simm.s32 $0x1B8B  }
0xa8: {  	_ =	swait.ge [sflag:s23], $0x1  }
0xa9: {  	[sflag:s23] =	ssyncset.done $0x0  }
0xaa: {  	s25 =	simm.s32 $0x1B8E;
	s24 =	sld [smem:$0x3FFE];
	[sflag:s23] =	ssyncadd.s32 $0xFFFFFFFF  }
0xab: {  	s26 =	simm.s32 $execute0_lowered;
	[smem:$0x3FD2] =	sst s25  }
0xac: {  	s5 =	sshll.u32 s26, $0x1;
	_ =	strace $0x8000004C;
	[dreg:$0x1] =	wrdreg $0xFFFFFFFF  }
0xad: {  	s28 =	simm.s32 $_size_execute0_lowered;
	s3 =	sadd.s32 s3, s5;
	[dreg:$0x0] =	wrdreg $0x0  }
0xae: {  	s5 =	sshll.u32 s28, $0x1;
	[dreg:$0x2] =	wrdreg s3  }
0xaf: {  	[dreg:$0x3] =	wrdreg s5  }
0xb0: {  	[dreg:$0x4] =	wrdreg $0xC0  }
0xb1: {  	_ =	task [dreg:s7], $0x5FFFF  }
0xb2: {  	[dreg:$0x1] =	wrdreg $0xFFFFFFFF  }
0xb3: {  	[dreg:$0x0] =	wrdreg $0x60  }
0xb4: {  	[dreg:$0x2] =	wrdreg s24  }
0xb5: {  	[dreg:$0x3] =	wrdreg s16  }
0xb6: {  	[dreg:$0x4] =	wrdreg $0x11D000  }
0xb7: {  	[dreg:$0x5] =	wrdreg $0x9  }
0xb8: {  	_ =	task.clear_ibuf [dreg:s7], $0x6FFFF;
	_ =	strace $0x9000004C  }
0xb9: {  	s29 =	simm.s32 $0x9;
	_ =	strace $0x8000004E  }
0xba: {  	_ =	swait.ge [sflag:s29], $0x1  }
0xbb: {  	[sflag:s29] =	ssyncadd.s32 $0xFFFFFFFF  }
0xbc: {  	_ =	strace $0x9000004E  }
0xbd: {  	_ =	sfence  }
0xbe: {  	s30 =	sld [smem:$0x0];
	_ =	sdelay $0x2  }
0xbf: {  	s31 =	sshll.u32 s1, $0xD;
	s1 =	sshrl.u32 s1, $0x2  }
0xc0: {  	s3 =	sand.u32 $0x4000, s31;
	s1 =	sadd.s32 s1, s30  }
0xc1: {  	s0 =	sor.u32 s3, s0;
	s1 =	sshll.u32 s1, $0x11  }
0xc2: {  	s0 =	sor.u32 s1, s0  }
0xc3: {  	s0 =	sadd.s32 $0x8F2B, s0  }
0xc4: {  	[sflag:s0] =	ssyncadd.remote.s32 $0x1  }
0xc5: {  	_ =	sfence.sel $0xFFFF  }
0xc6: {  	[dreg:$0x0] =	wrdreg $0xFFFFFFFF;
	(pc) =	sbr.abs _section_cstart, $3  }
0xc7: {  	[dreg:$0x1] =	wrdreg $0xFFFFFFFF  }
0xc8: {  	_ =	task.clear_ibuf [dreg:s7], $0x2FFFF;
	_ =	strace $0x9FFFFFFF  }
0xc9: {  	(tm) =	ssettm $0x7FFFFFFF  }
tec
execute0_lowered:
.L_overlay_start_1:
0x0: {  	(tag) =	ssettag $0x1  }
0x1: {  	s0 =	srdreg.scid;
	s1 =	rddreg [dreg:$0x0]  }
0x2: {  	s12 =	stileid.u32;
	s8 =	rddreg [dreg:$0x1];
	s3 =	simm.s32 $0x0  }
0x3: {  	s13 =	simm.s32 $0x4E80;
	s14 =	simm.s32 $0x80;
	s15 =	simm.s32 $0x9D00  }
0x4: {  	s16 =	simm.s32 $0xBD00;
	s18 =	simm.s32 $0xDD00;
	s19 =	simm.s32 $0x1  }
0x5: {  	s21 =	simm.s32 $0xFD00;
	s22 =	simm.s32 $0x2;
	s29 =	simm.s32 $0x6  }
0x6: {  	s31 =	simm.s32 $0x4;
	s30 =	simm.s32 $0x9B80;
	s20 =	simm.s32 $0x0  }
0x7: {  	s0 =	sand.u32 $0x1, s0;
	s23 =	smul.u32 $0xA000, s12;
	[smem:$0x7FF] =	sst s3  }
0x8: {  	s28 =	sshll.u32 s12, $0x6;
	s2 =	sshll.u32 s0, $0x4;
	s7 =	smul.u32 $0xA0000, s0  }
0x9: {  	s0 =	ssub.s32 $0x2, s0;
	s17 =	sor.u32 s12, s2;
	s2 =	rddreg [dreg:$0x2]  }
0xa: {  	_ =	strace $0x8000004D;
	s25 =	sshrl.u32 s23, $0x3;
	s11 =	sshrl.u32 s0, $0x1  }
0xb: {  	s12 =	simm.s32 $0x9;
	s4 =	smul.u32 $0x9C, s17;
	s5 =	smax.u32 s17, $0x18  }
0xc: {  	s24 =	sadd.s32 s23, s7;
	s7 =	sadd.s32 s25, s1;
	s0 =	ssub.s32 s0, s11  }
0xd: {  	s26 =	sadd.s32 s23, s2;
	p0 =	slt.u32 s17, $0x18;
	s17 =	simm.s32 $0x8  }
0xe: {  	s11 =	sshrl.u32 s26, $0x3;
	s26 =	simm.s32 $0x3;
	s4 =	sadd.s32 s4, s5  }
0xf: {  	s5 =	sadd.s32 $0x3EC00, s7;
	s6 =	sshll.u32 s4, $0x4;
	s4 =	sadd.s32 $0x17A00, s1  }
0x10: {  	s9 =	sadd.s32 $0xFFFFFE80, s6;
	s6 =	sshrl.u32 s24, $0x3;
	s24 =	simm.s32 $0x5  }
0x11: {  	s10 =	sadd.s32 s9, s1;
	s1 =	sadd.s32 s6, s1;
	s6 =	sor.u32 $0x1C09, s28  }
0x12: {  	s8 =	sadd.s32 s8, s9;
	s7 =	sadd.s32 $0x4000, s10;
	s9 =	sadd.s32 $0x52C00, s1  }
0x13: {  	s10 =	smax.u32 s0, $0x1;
	s0 =	simm.s32 $0x7;
	s1 =	simm.s32 $0x9C00  }
.LBB2_1:
0x14: {  	[spmem:s11], [sflag:s6] =	dma.local [hbm:s5], $0x1400  }
0x15: {  	_ =	swait.ge [sflag:s12], $0x1400  }
0x16: {  	[sflag:s12] =	ssyncset.done $0x0  }
0x17: {  	[sflag:s12] =	ssyncadd.s32 $0xFFFFEC00  }
0x18: {  	[tilespmem:s3], [sflag:$0x9] =	stream.linear.gather [hbm4b:s7+s3], $0x4E80, $0x38;
	[tilespmem:$0x1BD00] =	vst v63  }
0x19: {  	_ =	swait.ge [sflag:s12], $0x4E80  }
0x1a: {  	[sflag:s12] =	ssyncset.done $0x0  }
0x1b: {  	[sflag:s12] =	ssyncadd.s32 $0xFFFFB180  }
0x1c: {  	[tilespmem:s13], [sflag:$0x9] =	stream.linear.gather [hbm4b:s8+s3], $0x4E80, $0x38;
	[tilespmem:$0x1BD00] =	vst v63  }
0x1d: {  	_ =	swait.ge [sflag:s12], $0x4E80  }
0x1e: {  	[sflag:s12] =	ssyncset.done $0x0  }
0x1f: {  	[sflag:s12] =	ssyncadd.s32 $0xFFFFB180  }
0x20: {  	[bflag:$0x0] =	sbarrier.arrive $0xFFFF  }
0x21: {  	[tilespmem:s15], [sflag:$0x1] =	stream.indirect.gather [hbm4b:s4+s14], $0x40, s3, s14, $0xb8;
	[tilespmem:$0x1BD00] =	vst v63  }
0x22: {  	_ = 	snop  }
0x23: {  	[tilespmem:s16], [sflag:$0x2] =	stream.indirect.gather [hbm4b:s4+s14], $0x40, s14, s14, $0xb8;
	[tilespmem:$0x1BD00] =	vst v63  }
0x24: {  	s23 =	simm.s32 $0x100  }
0x25: {  	[tilespmem:s18], [sflag:$0x3] =	stream.indirect.gather [hbm4b:s4+s14], $0x40, s23, s14, $0xb8;
	[tilespmem:$0x1BD00] =	vst v63  }
0x26: {  	_ =	swait.ge [sflag:s19], $0x2000  }
0x27: {  	[sflag:s19] =	ssyncset.done $0x0  }
0x28: {  	[sflag:s19] =	ssyncadd.s32 $0xFFFFE000  }
0x29: {  	[spmem:s2] =	stream.indirect.scatter.add.f32 [tilespmem:s15], [sflag:$0x5], $0x40, s13, s14, $0xb8;
	[tilespmem:$0x1BD00] =	vst v63  }
0x2a: {  	s28 =	simm.s32 $0x180  }
0x2b: {  	[tilespmem:s21], [sflag:$0x4] =	stream.indirect.gather [hbm4b:s4+s14], $0x40, s28, s14, $0xb8;
	[tilespmem:$0x1BD00] =	vst v63  }
0x2c: {  	_ =	swait.ge [sflag:s22], $0x2000  }
0x2d: {  	[sflag:s22] =	ssyncset.done $0x0  }
0x2e: {  	s25 =	simm.s32 $0x4F00;
	[sflag:s22] =	ssyncadd.s32 $0xFFFFE000  }
0x2f: {  	[spmem:s2] =	stream.indirect.scatter.add.f32 [tilespmem:s16], [sflag:$0x6], $0x40, s25, s14, $0xb8;
	[tilespmem:$0x1BD00] =	vst v63  }
0x30: {  	_ =	swait.ge [sflag:s24], $0x2000  }
0x31: {  	[sflag:s24] =	ssyncset.done $0x0  }
0x32: {  	s28 =	simm.s32 $0x200;
	[sflag:s24] =	ssyncadd.s32 $0xFFFFE000  }
0x33: {  	[tilespmem:s15], [sflag:$0x1] =	stream.indirect.gather [hbm4b:s4+s14], $0x40, s28, s14, $0xb8;
	[tilespmem:$0x1BD00] =	vst v63  }
0x34: {  	_ =	swait.ge [sflag:s26], $0x2000  }
0x35: {  	[sflag:s26] =	ssyncset.done $0x0  }
0x36: {  	s25 =	simm.s32 $0x4F80;
	[sflag:s26] =	ssyncadd.s32 $0xFFFFE000  }
0x37: {  	[spmem:s2] =	stream.indirect.scatter.add.f32 [tilespmem:s18], [sflag:$0x7], $0x40, s25, s14, $0xb8;
	[tilespmem:$0x1BD00] =	vst v63  }
0x38: {  	_ =	swait.ge [sflag:s29], $0x2000  }
0x39: {  	[sflag:s29] =	ssyncset.done $0x0  }
0x3a: {  	s28 =	simm.s32 $0x280;
	[sflag:s29] =	ssyncadd.s32 $0xFFFFE000  }
0x3b: {  	[tilespmem:s16], [sflag:$0x2] =	stream.indirect.gather [hbm4b:s4+s14], $0x40, s28, s14, $0xb8;
	[tilespmem:$0x1BD00] =	vst v63  }
0x3c: {  	_ =	swait.ge [sflag:s31], $0x2000  }
0x3d: {  	[sflag:s31] =	ssyncset.done $0x0  }
0x3e: {  	s25 =	simm.s32 $0x5000;
	[sflag:s31] =	ssyncadd.s32 $0xFFFFE000  }
0x3f: {  	[spmem:s2] =	stream.indirect.scatter.add.f32 [tilespmem:s21], [sflag:$0x8], $0x40, s25, s14, $0xb8;
	[tilespmem:$0x1BD00] =	vst v63  }
0x40: {  	_ =	swait.ge [sflag:s0], $0x2000  }
0x41: {  	[sflag:s0] =	ssyncset.done $0x0  }
0x42: {  	s28 =	simm.s32 $0x300;
	[sflag:s0] =	ssyncadd.s32 $0xFFFFE000  }
0x43: {  	[tilespmem:s18], [sflag:$0x3] =	stream.indirect.gather [hbm4b:s4+s14], $0x40, s28, s14, $0xb8;
	[tilespmem:$0x1BD00] =	vst v63  }
0x44: {  	_ =	swait.ge [sflag:s19], $0x2000  }
0x45: {  	[sflag:s19] =	ssyncset.done $0x0  }
0x46: {  	s25 =	simm.s32 $0x5080;
	[sflag:s19] =	ssyncadd.s32 $0xFFFFE000  }
0x47: {  	[spmem:s2] =	stream.indirect.scatter.add.f32 [tilespmem:s15], [sflag:$0x5], $0x40, s25, s14, $0xb8;
	[tilespmem:$0x1BD00] =	vst v63  }
0x48: {  	_ =	swait.ge [sflag:s17], $0x2000  }
0x49: {  	[sflag:s17] =	ssyncset.done $0x0  }
0x4a: {  	s28 =	simm.s32 $0x380;
	[sflag:s17] =	ssyncadd.s32 $0xFFFFE000  }
0x4b: {  	[tilespmem:s21], [sflag:$0x4] =	stream.indirect.gather [hbm4b:s4+s14], $0x40, s28, s14, $0xb8;
	[tilespmem:$0x1BD00] =	vst v63  }
0x4c: {  	_ =	swait.ge [sflag:s22], $0x2000  }
0x4d: {  	[sflag:s22] =	ssyncset.done $0x0  }
0x4e: {  	s25 =	simm.s32 $0x5100;
	[sflag:s22] =	ssyncadd.s32 $0xFFFFE000  }
0x4f: {  	[spmem:s2] =	stream.indirect.scatter.add.f32 [tilespmem:s16], [sflag:$0x6], $0x40, s25, s14, $0xb8;
	[tilespmem:$0x1BD00] =	vst v63  }
0x50: {  	_ =	swait.ge [sflag:s24], $0x2000  }
0x51: {  	[sflag:s24] =	ssyncset.done $0x0  }
0x52: {  	s28 =	simm.s32 $0x400;
	[sflag:s24] =	ssyncadd.s32 $0xFFFFE000  }
0x53: {  	[tilespmem:s15], [sflag:$0x1] =	stream.indirect.gather [hbm4b:s4+s14], $0x40, s28, s14, $0xb8;
	[tilespmem:$0x1BD00] =	vst v63  }
0x54: {  	_ =	swait.ge [sflag:s26], $0x2000  }
0x55: {  	[sflag:s26] =	ssyncset.done $0x0  }
0x56: {  	s25 =	simm.s32 $0x5180;
	[sflag:s26] =	ssyncadd.s32 $0xFFFFE000  }
0x57: {  	[spmem:s2] =	stream.indirect.scatter.add.f32 [tilespmem:s18], [sflag:$0x7], $0x40, s25, s14, $0xb8;
	[tilespmem:$0x1BD00] =	vst v63  }
0x58: {  	_ =	swait.ge [sflag:s29], $0x2000  }
0x59: {  	[sflag:s29] =	ssyncset.done $0x0  }
0x5a: {  	s28 =	simm.s32 $0x480;
	[sflag:s29] =	ssyncadd.s32 $0xFFFFE000  }
0x5b: {  	[tilespmem:s16], [sflag:$0x2] =	stream.indirect.gather [hbm4b:s4+s14], $0x40, s28, s14, $0xb8;
	[tilespmem:$0x1BD00] =	vst v63  }
0x5c: {  	_ =	swait.ge [sflag:s31], $0x2000  }
0x5d: {  	[sflag:s31] =	ssyncset.done $0x0  }
0x5e: {  	s23 =	simm.s32 $0x800;
	s25 =	simm.s32 $0x5200;
	[sflag:s31] =	ssyncadd.s32 $0xFFFFE000  }
.LBB2_2:
0x5f: {  	[spmem:s2] =	stream.indirect.scatter.add.f32 [tilespmem:s21], [sflag:$0x8], $0x40, s25, s14, $0xb8;
	[tilespmem:$0x1BD00] =	vst v63  }
0x60: {  	s25 =	smov.u32 s23  }
0x61: {  	p1 =	sne.s32 s23, $0x12000;
	s23 =	sadd.s32 $0x800, s23;
	_ =	swait.ge [sflag:s0], $0x2000  }
0x62: {  	s25 =	sshra.s32 s25, $0x2;
	[sflag:s0] =	ssyncset.done $0x0  }
0x63: {  	s28 =	sadd.s32 $0x300, s25;
	[sflag:s0] =	ssyncadd.s32 $0xFFFFE000  }
0x64: {  	[tilespmem:s18], [sflag:$0x3] =	stream.indirect.gather [hbm4b:s4+s14], $0x40, s28, s14, $0xb8;
	[tilespmem:$0x1BD00] =	vst v63  }
0x65: {  	_ =	swait.ge [sflag:s19], $0x2000  }
0x66: {  	[sflag:s19] =	ssyncset.done $0x0  }
0x67: {  	s28 =	sadd.s32 $0x5080, s25;
	[sflag:s19] =	ssyncadd.s32 $0xFFFFE000  }
0x68: {  	[spmem:s2] =	stream.indirect.scatter.add.f32 [tilespmem:s15], [sflag:$0x5], $0x40, s28, s14, $0xb8;
	[tilespmem:$0x1BD00] =	vst v63  }
0x69: {  	_ =	swait.ge [sflag:s17], $0x2000  }
0x6a: {  	[sflag:s17] =	ssyncset.done $0x0  }
0x6b: {  	s28 =	sadd.s32 $0x380, s25;
	[sflag:s17] =	ssyncadd.s32 $0xFFFFE000  }
0x6c: {  	[tilespmem:s21], [sflag:$0x4] =	stream.indirect.gather [hbm4b:s4+s14], $0x40, s28, s14, $0xb8;
	[tilespmem:$0x1BD00] =	vst v63  }
0x6d: {  	_ =	swait.ge [sflag:s22], $0x2000  }
0x6e: {  	[sflag:s22] =	ssyncset.done $0x0  }
0x6f: {  	s28 =	sadd.s32 $0x5100, s25;
	[sflag:s22] =	ssyncadd.s32 $0xFFFFE000  }
0x70: {  	[spmem:s2] =	stream.indirect.scatter.add.f32 [tilespmem:s16], [sflag:$0x6], $0x40, s28, s14, $0xb8;
	[tilespmem:$0x1BD00] =	vst v63  }
0x71: {  	_ =	swait.ge [sflag:s24], $0x2000  }
0x72: {  	[sflag:s24] =	ssyncset.done $0x0  }
0x73: {  	s28 =	sadd.s32 $0x400, s25;
	[sflag:s24] =	ssyncadd.s32 $0xFFFFE000  }
0x74: {  	[tilespmem:s15], [sflag:$0x1] =	stream.indirect.gather [hbm4b:s4+s14], $0x40, s28, s14, $0xb8;
	[tilespmem:$0x1BD00] =	vst v63  }
0x75: {  	_ =	swait.ge [sflag:s26], $0x2000  }
0x76: {  	[sflag:s26] =	ssyncset.done $0x0  }
0x77: {  	s28 =	sadd.s32 $0x5180, s25;
	[sflag:s26] =	ssyncadd.s32 $0xFFFFE000  }
0x78: {  	[spmem:s2] =	stream.indirect.scatter.add.f32 [tilespmem:s18], [sflag:$0x7], $0x40, s28, s14, $0xb8;
	[tilespmem:$0x1BD00] =	vst v63  }
0x79: {  	_ =	swait.ge [sflag:s29], $0x2000  }
0x7a: {  	[sflag:s29] =	ssyncset.done $0x0  }
.Ltmp0:
0x7b: {  	s28 =	sadd.s32 $0x480, s25;
	[sflag:s29] =	ssyncadd.s32 $0xFFFFE000;
	(pc) =	sbr.rel @p1 .LBB2_2-.Ltmp0, $4  }
0x7c: {  	[tilespmem:s16], [sflag:$0x2] =	stream.indirect.gather [hbm4b:s4+s14], $0x40, s28, s14, $0xb8;
	[tilespmem:$0x1BD00] =	vst v63  }
0x7d: {  	_ =	swait.ge [sflag:s31], $0x2000  }
0x7e: {  	[sflag:s31] =	ssyncset.done $0x0  }
0x7f: {  	s25 =	sadd.s32 $0x5200, s25;
	[sflag:s31] =	ssyncadd.s32 $0xFFFFE000  }
0x80: {  	[spmem:s2] =	stream.indirect.scatter.add.f32 [tilespmem:s21], [sflag:$0x8], $0x40, s25, s14, $0xb8;
	[tilespmem:$0x1BD00] =	vst v63  }
0x81: {  	_ =	swait.ge [sflag:s0], $0x2000  }
0x82: {  	[sflag:s0] =	ssyncset.done $0x0  }
0x83: {  	s23 =	simm.s32 $0x4D00;
	[sflag:s0] =	ssyncadd.s32 $0xFFFFE000  }
0x84: {  	[tilespmem:s18], [sflag:$0x3] =	stream.indirect.gather [hbm4b:s4+s14], $0x40, s23, s14, $0xb8;
	[tilespmem:$0x1BD00] =	vst v63  }
0x85: {  	_ =	swait.ge [sflag:s19], $0x2000  }
0x86: {  	[sflag:s19] =	ssyncset.done $0x0  }
0x87: {  	s28 =	simm.s32 $0x9A80;
	[sflag:s19] =	ssyncadd.s32 $0xFFFFE000  }
0x88: {  	[spmem:s2] =	stream.indirect.scatter.add.f32 [tilespmem:s15], [sflag:$0x5], $0x40, s28, s14, $0xb8;
	[tilespmem:$0x1BD00] =	vst v63  }
0x89: {  	_ =	swait.ge [sflag:s17], $0x2000  }
0x8a: {  	[sflag:s17] =	ssyncset.done $0x0  }
0x8b: {  	s25 =	simm.s32 $0x4D80;
	[sflag:s17] =	ssyncadd.s32 $0xFFFFE000  }
0x8c: {  	[tilespmem:s21], [sflag:$0x4] =	stream.indirect.gather [hbm4b:s4+s14], $0x40, s25, s14, $0xb8;
	[tilespmem:$0x1BD00] =	vst v63  }
0x8d: {  	_ =	swait.ge [sflag:s22], $0x2000  }
0x8e: {  	[sflag:s22] =	ssyncset.done $0x0  }
0x8f: {  	s28 =	simm.s32 $0x9B00;
	[sflag:s22] =	ssyncadd.s32 $0xFFFFE000  }
0x90: {  	[spmem:s2] =	stream.indirect.scatter.add.f32 [tilespmem:s16], [sflag:$0x6], $0x40, s28, s14, $0xb8;
	[tilespmem:$0x1BD00] =	vst v63  }
0x91: {  	_ =	swait.ge [sflag:s24], $0x2000  }
0x92: {  	[sflag:s24] =	ssyncset.done $0x0  }
0x93: {  	[sflag:s24] =	ssyncadd.s32 $0xFFFFE000  }
0x94: {  	_ =	swait.ge [sflag:s26], $0x2000  }
0x95: {  	[sflag:s26] =	ssyncset.done $0x0  }
0x96: {  	[sflag:s26] =	ssyncadd.s32 $0xFFFFE000  }
0x97: {  	[spmem:s2] =	stream.indirect.scatter.add.f32 [tilespmem:s18], [sflag:$0x7], $0x40, s30, s14, $0xb8;
	[tilespmem:$0x1BD00] =	vst v63  }
0x98: {  	_ =	swait.ge [sflag:s29], $0x2000  }
0x99: {  	[sflag:s29] =	ssyncset.done $0x0  }
0x9a: {  	[sflag:s29] =	ssyncadd.s32 $0xFFFFE000  }
0x9b: {  	_ =	swait.ge [sflag:s31], $0x2000  }
0x9c: {  	[sflag:s31] =	ssyncset.done $0x0  }
0x9d: {  	[sflag:s31] =	ssyncadd.s32 $0xFFFFE000  }
0x9e: {  	[spmem:s2] =	stream.indirect.scatter.add.f32 [tilespmem:s21], [sflag:$0x8], $0x40, s1, s14, $0xb8;
	[tilespmem:$0x1BD00] =	vst v63  }
0x9f: {  	_ =	swait.ge [sflag:s0], $0x2000  }
0xa0: {  	[sflag:s0] =	ssyncset.done $0x0  }
0xa1: {  	[sflag:s0] =	ssyncadd.s32 $0xFFFFE000  }
0xa2: {  	_ =	swait.ge [sflag:s17], $0x2000  }
0xa3: {  	s23 =	simm.s32 @!p0 $0x80;
	[sflag:s17] =	ssyncset.done $0x0  }
0xa4: {  	s25 =	simm.s32 @!p0 $0x4E00;
	s28 =	simm.s32 @!p0 $0x9D00;
	[sflag:s17] =	ssyncadd.s32 $0xFFFFE000  }
0xa5: {  	[tilespmem:s28], [sflag:$0x1] =	stream.indirect.gather @!p0 [hbm4b:s4+s23], $0x40, s25, s23, $0xb8;
	[tilespmem:$0x1BD00] =	vst v63  }
0xa6: {  	s25 =	simm.s32 @!p0 $0x1  }
0xa7: {  	_ =	swait.ge @!p0 [sflag:s25], $0x2000  }
0xa8: {  	[sflag:s25] =	ssyncset.done @!p0 $0x0  }
0xa9: {  	[sflag:s25] =	ssyncadd.s32 @!p0 $0xFFFFE000;
	s25 =	simm.s32 @!p0 $0x9C80  }
0xaa: {  	[spmem:s2] =	stream.indirect.scatter.add.f32 @!p0 [tilespmem:s28], [sflag:$0x5], $0x40, s25, s23, $0xb8;
	[tilespmem:$0x1BD00] =	vst v63  }
0xab: {  	s23 =	simm.s32 @!p0 $0x5  }
0xac: {  	_ =	swait.ge @!p0 [sflag:s23], $0x2000  }
0xad: {  	s20 =	sadd.s32 $0x1, s20;
	[sflag:s23] =	ssyncset.done @!p0 $0x0  }
0xae: {  	p1 =	sne.s32 s20, s10;
	[sflag:s23] =	ssyncadd.s32 @!p0 $0xFFFFE000  }
.Ltmp1:
0xaf: {  	[bflag:$0x0] =	sbarrier.arrive $0xFFFF;
	(pc) =	sbr.rel @p1 .LBB2_1-.Ltmp1, $4  }
0xb0: {  	[hbm:s9], [sflag:s6] =	dma.local [spmem:s11], $0x1400  }
0xb1: {  	_ =	swait.ge [sflag:s12], $0x1400  }
0xb2: {  	[sflag:s12] =	ssyncset.done $0x0  }
0xb3: {  	[sflag:s12] =	ssyncadd.s32 $0xFFFFEC00  }
0xb4: {  	_ =	sfence.sel $0x180000  }
0xb5: {  	[bflag:$0x0] =	sbarrier.arrive $0xFFFF  }
0xb6: {  	_ =	strace $0x9000004D  }
0xb7: {  	s0 =	stileid.u32;
	[bflag:$0x2] =	sbarrier.arrive $0xFFFF  }
0xb8: {  	p0 =	sne.s32 s0, $0x0;
	s0 =	rddreg [dreg:$0x3]  }
0xb9: {  	s0 =	sadd.s32 @!p0 $0x100000, s0  }
0xba: {  	[sflag:s0] =	ssyncadd.tile.s32 @!p0 $0x1;
	_ =	shalt  }
.Lfunc_end2:
_tile_overlayer_lowered:
.L_overlay_start_2:
0xbb: {  	(tag) =	ssettag $0x2  }
0xbc: {  	s0 =	rddreg [dreg:$0x0];
	s2 =	stileid.u32  }
0xbd: {  	s1 =	rddreg [dreg:$0x1];
	p0 =	sne.s32 s2, $0x0  }
0xbe: {  	s3 =	rddreg [dreg:$0x2];
	[bflag:$0x3] =	sbarrier.arrive $0xFFFF;
	s2 =	simm.s32 @!p0 $0x1C09  }
0xbf: {  	[timem:s3], [sflag:s2] =	dma.local @!p0 [hbm:s0], s1  }
0xc0: {  	s0 =	simm.s32 @!p0 $0x9  }
0xc1: {  	_ =	swait.ge @!p0 [sflag:s0], s1  }
0xc2: {  	s1 =	ssub.s32 @!p0 $0x0, s1;
	[sflag:s0] =	ssyncset.done @!p0 $0x0  }
0xc3: {  	[sflag:s0] =	ssyncadd.s32 @!p0 s1  }
0xc4: {  	[bflag:$0x3] =	sbarrier.arrive $0xFFFF  }
0xc5: {  	_ =	shalt  }

// kernel: kernel.9.cloned.1.call-start
scs
__scs_entry_jumppad:
0x0: {  	(pc) =	sbr.rel $0x88, $3  }
0x1: {  	(tag) =	ssettag $0x0;
	lr =	simm.s32 $0x1  }
0x2: {  	[smem:$0x3F94] =	sst lr;
	_ =	strace $0xD0000000  }
0x3: {  	_ = 	snop  }
0x4: {  	_ = 	snop  }
0x5: {  	_ = 	snop  }
0x6: {  	_ = 	snop  }
0x7: {  	_ = 	snop  }
__scs_overlays_trampoline_lowered:
0x8: {  	[smem:$0x3FA3] =	sst s0  }
0x9: {  	[smem:$0x3FA4] =	sst s1  }
0xa: {  	[smem:$0x3FA5] =	sst s2  }
0xb: {  	[smem:$0x3FA6] =	sst s3  }
0xc: {  	[smem:$0x3FA7] =	sst s4  }
0xd: {  	[smem:$0x3FA8] =	sst s5  }
0xe: {  	[smem:$0x3FA9] =	sst s6  }
0xf: {  	[smem:$0x3FAA] =	sst s7  }
0x10: {  	[smem:$0x3FAB] =	sst s8  }
0x11: {  	[smem:$0x3FAC] =	sst s9;
	s0 =	simm.s32 @!p0 $0x0  }
0x12: {  	s1 =	sld [smem:$0x3F92];
	s0 =	simm.s32 @p0 $0x1  }
0x13: {  	[smem:$0x3FAD] =	sst s0;
	s0 =	simm.s32 @!p1 $0x0  }
0x14: {  	s2 =	sld [smem:$0x3F91];
	s0 =	simm.s32 @p1 $0x1  }
0x15: {  	[smem:$0x3FAE] =	sst s0;
	s0 =	simm.s32 @!p2 $0x0  }
0x16: {  	s3 =	sld [smem:$0x3FDB];
	s0 =	simm.s32 @p2 $0x1  }
0x17: {  	s4 =	simm.s32 $0x1BF5;
	[smem:$0x3FB0] =	sst s0  }
0x18: {  	s0 =	sld [smem:$0x3F93];
	_ =	swait.ge [sflag:s4], $0x0  }
0x19: {  	s7 =	sld [smem:$0x3F94]  }
0x1a: {  	s8 =	sadd.s32 $0xFFFFE003, lr  }
0x1b: {  	s9 =	sadd.s32 $0xFFFFFEF7, lr;
	s5 =	simm.s32 $0xFFFFFFFF;
	p2 =	slt.u32 s8, $0xFFFFF086  }
0x1c: {  	p1 =	slt.u32 s9, $0xF7A;
	s5 =	simm.s32 @!p2 $0x0  }
0x1d: {  	s5 =	simm.s32 @p1 $0x1;
	p0 =	seq.s32 s7, s2  }
0x1e: {  	s7 =	smul.u32 @!p0 $0xF7A, s2;
	p2 =	seq.s32 @!p0 s5, $0x0  }
0x1f: {  	s9 =	smul.u32 $0xF7A, s1;
	s8 =	simm.s32 @!p0 $0x1BF5;
	p2 =	por !p2, p0  }
0x20: {  	[sflag:s8] =	ssyncset.s32 @!p0 $0xFFFFF086;
	s6 =	sadd.s32 @!p0 s3, s7;
	s7 =	simm.s32 @!p0 $0x108  }
0x21: {  	s3 =	sadd.s32 s3, s9;
	s6 =	sadd.s32 @!p0 $0x88, s6;
	s7 =	simm.s32 @p2 $0x1082  }
0x22: {  	[simem:s7], [sflag:s8] =	dma.local @!p0 [hbm:s6], $0xF7A  }
0x23: {  	s9 =	sor.u32 $0xD0000000, s2;
	s6 =	simm.s32 $0x108;
	_ =	swait.ge @!p0 [sflag:s8], $0x0  }
0x24: {  	s3 =	sadd.s32 $0x88, s3;
	s6 =	simm.s32 @!p1 $0x1082;
	[sflag:s4] =	ssyncset.s32 $0xFFFFF086  }
0x25: {  	[simem:s6], [sflag:s4] =	dma.local [hbm:s3], $0xF7A  }
0x26: {  	[smem:$0x3F94] =	sst s1;
	(tag) =	ssettag s2;
	_ =	strace s9  }
0x27: {  	s1 =	sld [smem:$0x3FA4]  }
0x28: {  	s2 =	sld [smem:$0x3FA5]  }
0x29: {  	s4 =	sld [smem:$0x3FA7]  }
0x2a: {  	p0 =	seq.s32 s5, $0x0;
	s5 =	sld [smem:$0x3FA8]  }
0x2b: {  	s6 =	sld [smem:$0x3FA9]  }
0x2c: {  	s7 =	sld [smem:$0x3FAA]  }
0x2d: {  	s3 =	simm.s32 $0x108;
	s8 =	sld [smem:$0x3FAB]  }
0x2e: {  	s3 =	simm.s32 @!p0 $0x1082;
	s9 =	sld [smem:$0x3FAC]  }
0x2f: {  	lr =	sadd.s32 s0, s3;
	s0 =	sld [smem:$0x3FA3]  }
0x30: {  	s3 =	sld [smem:$0x3FA6]  }
0x31: {  	[smem:$0x3FAF] =	sst s10  }
0x32: {  	s10 =	sld [smem:$0x3FAD];
	_ =	sdelay $0x3  }
0x33: {  	p0 =	seq.s32 s10, $0x1;
	s10 =	sld [smem:$0x3FAF];
	_ =	sdelay $0x3  }
0x34: {  	[smem:$0x3FAF] =	sst s10  }
0x35: {  	s10 =	sld [smem:$0x3FAE];
	_ =	sdelay $0x3  }
0x36: {  	p1 =	seq.s32 s10, $0x1;
	s10 =	sld [smem:$0x3FAF];
	_ =	sdelay $0x3  }
0x37: {  	[smem:$0x3FAF] =	sst s10  }
0x38: {  	s10 =	sld [smem:$0x3FB0]  }
0x39: {  	_ = 	snop;
	(pc) =	sbr.ind lr, $3  }
0x3a: {  	_ = 	snop  }
0x3b: {  	_ = 	snop  }
0x3c: {  	p2 =	seq.s32 s10, $0x1;
	s10 =	sld [smem:$0x3FAF]  }
0x3d: {  	_ =	shalt  }
0x3e: {  	_ =	shalt  }
0x3f: {  	_ =	shalt  }
0x40: {  	_ =	shalt  }
0x41: {  	_ =	shalt  }
0x42: {  	_ =	shalt  }
0x43: {  	_ =	shalt  }
0x44: {  	_ =	shalt  }
0x45: {  	_ =	shalt  }
0x46: {  	_ =	shalt  }
0x47: {  	_ =	shalt  }
0x48: {  	_ =	shalt  }
0x49: {  	_ =	shalt  }
0x4a: {  	_ =	shalt  }
0x4b: {  	_ =	shalt  }
0x4c: {  	_ =	shalt  }
0x4d: {  	_ =	shalt  }
0x4e: {  	_ =	shalt  }
0x4f: {  	_ =	shalt  }
0x50: {  	_ =	shalt  }
0x51: {  	_ =	shalt  }
0x52: {  	_ =	shalt  }
0x53: {  	_ =	shalt  }
0x54: {  	_ =	shalt  }
0x55: {  	_ =	shalt  }
0x56: {  	_ =	shalt  }
0x57: {  	_ =	shalt  }
0x58: {  	_ =	shalt  }
0x59: {  	_ =	shalt  }
0x5a: {  	_ =	shalt  }
0x5b: {  	_ =	shalt  }
0x5c: {  	_ =	shalt  }
0x5d: {  	_ =	shalt  }
0x5e: {  	_ =	shalt  }
0x5f: {  	_ =	shalt  }
0x60: {  	_ =	shalt  }
0x61: {  	_ =	shalt  }
0x62: {  	_ =	shalt  }
0x63: {  	_ =	shalt  }
0x64: {  	_ =	shalt  }
0x65: {  	_ =	shalt  }
0x66: {  	_ =	shalt  }
0x67: {  	_ =	shalt  }
0x68: {  	_ =	shalt  }
0x69: {  	_ =	shalt  }
0x6a: {  	_ =	shalt  }
0x6b: {  	_ =	shalt  }
0x6c: {  	_ =	shalt  }
0x6d: {  	_ =	shalt  }
0x6e: {  	_ =	shalt  }
0x6f: {  	_ =	shalt  }
0x70: {  	_ =	shalt  }
0x71: {  	_ =	shalt  }
0x72: {  	_ =	shalt  }
0x73: {  	_ =	shalt  }
0x74: {  	_ =	shalt  }
0x75: {  	_ =	shalt  }
0x76: {  	_ =	shalt  }
0x77: {  	_ =	shalt  }
0x78: {  	_ =	shalt  }
0x79: {  	_ =	shalt  }
0x7a: {  	_ =	shalt  }
0x7b: {  	_ =	shalt  }
0x7c: {  	_ =	shalt  }
0x7d: {  	_ =	shalt  }
0x7e: {  	_ =	shalt  }
0x7f: {  	_ =	shalt  }
0x80: {  	_ =	shalt  }
0x81: {  	_ =	shalt  }
0x82: {  	_ =	shalt  }
0x83: {  	_ =	shalt  }
0x84: {  	_ =	shalt  }
0x85: {  	_ =	shalt  }
0x86: {  	_ =	shalt  }
0x87: {  	_ =	shalt  }
.Lfunc_end0:
.L_simem_size_0:
called_computation_lowered:
.L_overlay_start_0:
0x88: {  	s2 =	sld [smem:$0x3FD9]  }
0x89: {  	s3 =	sld [smem:$0x3FFE];
	_ =	sdelay $0x1  }
0x8a: {  	s1 =	srdreg.scid  }
0x8b: {  	s0 =	sand.u32 $0x1, s1  }
0x8c: {  	s14 =	sshll.u32 s0, $0xA;
	s2 =	sadd.s32 s3, s2  }
0x8d: {  	s2 =	sadd.s32 s2, s14  }
0x8e: {  	[smem:$0x3FBB] =	sst s2  }
0x8f: {  	_ = 	snop  }
0x90: {  	s2 =	sld [smem:$0x3FD0];
	_ =	sdelay $0x2  }
0x91: {  	s15 =	simm.s32 $0xA;
	s4 =	simm.s32 $0x10  }
0x92: {  	[smem:s4], [sflag:s15] =	dma.local [hbm:s2], $0x1  }
0x93: {  	_ =	swait.eq [sflag:s15], $0x1  }
0x94: {  	[sflag:s15] =	ssyncset.done $0x0  }
0x95: {  	[sflag:s15] =	ssyncadd.s32 $0xFFFFFFFF  }
0x96: {  	s16 =	sld [smem:$0x12];
	(tm) =	ssettm $0x1  }
0x97: {  	s17 =	sld [smem:$0x3FFB];
	_ =	sdelay $0x3  }
0x98: {  	_ =	strace s17  }
0x99: {  	s3 =	sld [smem:$0x3FFC];
	_ =	sdelay $0x3  }
0x9a: {  	_ =	strace s3  }
0x9b: {  	s3 =	sld [smem:$0x3FFD];
	_ =	sdelay $0x3  }
0x9c: {  	_ =	strace s3  }
0x9d: {  	_ =	strace $0x8FFFFFFF  }
0x9e: {  	s18 =	sld [smem:$0x3FDB];
	_ =	sdelay $0x1  }
0x9f: {  	s19 =	simm.s32 $_scs_section_size  }
0xa0: {  	s5 =	simm.s32 $_size__tile_overlayer_lowered;
	s6 =	simm.s32 $_tile_overlayer_lowered  }
0xa1: {  	s22 =	simm.s32 $0x1BFF;
	s21 =	sshll.u32 s6, $0x1;
	s3 =	sadd.s32 s19, s18  }
0xa2: {  	s7 =	simm.s32 $0x0;
	s20 =	sshll.u32 s5, $0x1;
	s5 =	sadd.s32 s21, s3  }
0xa3: {  	[timem:s7], [sflag:s22] =	dma.local [hbm:s5], s20  }
0xa4: {  	_ =	swait.ge [sflag:s22], s20  }
0xa5: {  	s4 =	ssub.s32 $0x0, s20;
	[sflag:s22] =	ssyncset.done $0x0  }
0xa6: {  	[sflag:s22] =	ssyncadd.s32 s4;
	_ =	sdelay $0x1  }
0xa7: {  	s23 =	simm.s32 $0x1B8B  }
0xa8: {  	_ =	swait.ge [sflag:s23], $0x1  }
0xa9: {  	[sflag:s23] =	ssyncset.done $0x0  }
0xaa: {  	s25 =	simm.s32 $0x1B8E;
	s24 =	sld [smem:$0x3FFE];
	[sflag:s23] =	ssyncadd.s32 $0xFFFFFFFF  }
0xab: {  	s26 =	simm.s32 $execute0_lowered;
	[smem:$0x3FD2] =	sst s25  }
0xac: {  	s5 =	sshll.u32 s26, $0x1;
	_ =	strace $0x80000046;
	[dreg:$0x1] =	wrdreg $0xFFFFFFFF  }
0xad: {  	s28 =	simm.s32 $_size_execute0_lowered;
	s3 =	sadd.s32 s3, s5;
	[dreg:$0x0] =	wrdreg $0x0  }
0xae: {  	s5 =	sshll.u32 s28, $0x1;
	[dreg:$0x2] =	wrdreg s3  }
0xaf: {  	[dreg:$0x3] =	wrdreg s5  }
0xb0: {  	[dreg:$0x4] =	wrdreg $0xC0  }
0xb1: {  	_ =	task [dreg:s7], $0x5FFFF  }
0xb2: {  	[dreg:$0x1] =	wrdreg $0xFFFFFFFF  }
0xb3: {  	[dreg:$0x0] =	wrdreg $0x60  }
0xb4: {  	[dreg:$0x2] =	wrdreg s24  }
0xb5: {  	[dreg:$0x3] =	wrdreg s16  }
0xb6: {  	[dreg:$0x4] =	wrdreg $0x11D000  }
0xb7: {  	[dreg:$0x5] =	wrdreg $0x1C5000  }
0xb8: {  	[dreg:$0x6] =	wrdreg $0x9  }
0xb9: {  	_ =	task.clear_ibuf [dreg:s7], $0x7FFFF;
	_ =	strace $0x90000046  }
0xba: {  	s29 =	simm.s32 $0x9;
	_ =	strace $0x80000048  }
0xbb: {  	_ =	swait.ge [sflag:s29], $0x1  }
0xbc: {  	[sflag:s29] =	ssyncadd.s32 $0xFFFFFFFF  }
0xbd: {  	_ =	strace $0x90000048  }
0xbe: {  	_ =	sfence  }
0xbf: {  	s30 =	sld [smem:$0x0];
	_ =	sdelay $0x2  }
0xc0: {  	s31 =	sshll.u32 s1, $0xD;
	s1 =	sshrl.u32 s1, $0x2  }
0xc1: {  	s3 =	sand.u32 $0x4000, s31;
	s1 =	sadd.s32 s1, s30  }
0xc2: {  	s0 =	sor.u32 s3, s0;
	s1 =	sshll.u32 s1, $0x11  }
0xc3: {  	s0 =	sor.u32 s1, s0  }
0xc4: {  	s0 =	sadd.s32 $0x8F2B, s0  }
0xc5: {  	[sflag:s0] =	ssyncadd.remote.s32 $0x1  }
0xc6: {  	_ =	sfence.sel $0xFFFF  }
0xc7: {  	[dreg:$0x0] =	wrdreg $0xFFFFFFFF;
	(pc) =	sbr.abs _section_cstart, $3  }
0xc8: {  	[dreg:$0x1] =	wrdreg $0xFFFFFFFF  }
0xc9: {  	_ =	task.clear_ibuf [dreg:s7], $0x2FFFF;
	_ =	strace $0x9FFFFFFF  }
0xca: {  	(tm) =	ssettm $0x7FFFFFFF  }
0xcb: {  	_ =	shalt  }
tec
execute0_lowered:
.L_overlay_start_1:
0x0: {  	(tag) =	ssettag $0x1  }
0x1: {  	s0 =	srdreg.scid;
	s1 =	rddreg [dreg:$0x0]  }
0x2: {  	s6 =	rddreg [dreg:$0x1];
	s16 =	stileid.u32  }
0x3: {  	s2 =	rddreg [dreg:$0x2];
	s4 =	simm.s32 $0x0;
	s17 =	simm.s32 $0x4E80  }
0x4: {  	s19 =	simm.s32 $0x1BD00;
	s28 =	simm.s32 $0xFD00;
	s29 =	simm.s32 $0x2  }
0x5: {  	s31 =	simm.s32 $0x5;
	s0 =	sand.u32 $0x1, s0;
	s20 =	smul.u32 $0xA000, s16  }
0x6: {  	[smem:$0x7FF] =	sst s4;
	s10 =	smul.u32 $0x2800, s16;
	s15 =	sadd.s32 $0x57C00, s1  }
0x7: {  	s24 =	sshll.u32 s16, $0x6;
	s3 =	sshll.u32 s0, $0x4;
	s11 =	smul.u32 $0xA0000, s0  }
0x8: {  	s14 =	smul.u32 $0x28000, s0;
	s0 =	ssub.s32 $0x2, s0;
	s7 =	sor.u32 s16, s3  }
0x9: {  	s3 =	rddreg [dreg:$0x3];
	_ =	strace $0x80000047;
	s13 =	sshrl.u32 s20, $0x3  }
0xa: {  	[dreg:$0x5] =	wrdreg s15;
	s21 =	sshrl.u32 s10, $0x3;
	s22 =	sshrl.u32 s0, $0x1  }
0xb: {  	s23 =	sadd.s32 s20, s2;
	s16 =	simm.s32 $0x9;
	s5 =	smul.u32 $0x9C, s7  }
0xc: {  	s8 =	smax.u32 s7, $0x18;
	s13 =	sadd.s32 s13, s1;
	s15 =	sadd.s32 s21, s1  }
0xd: {  	s11 =	sadd.s32 s20, s11;
	s14 =	sadd.s32 s10, s14;
	s0 =	ssub.s32 s0, s22  }
0xe: {  	s25 =	sadd.s32 s10, s3;
	s20 =	simm.s32 $0x80;
	s21 =	simm.s32 $0x9D00  }
0xf: {  	s22 =	simm.s32 $0xBD00;
	p0 =	slt.u32 s7, $0x18;
	s7 =	simm.s32 $0x7  }
0x10: {  	s11 =	sshrl.u32 s11, $0x3;
	s14 =	sshrl.u32 s14, $0x3;
	s13 =	sadd.s32 $0x3EC00, s13  }
0x11: {  	s26 =	sadd.s32 $0x52C00, s15;
	s0 =	smax.u32 s0, $0x1;
	s15 =	sshrl.u32 s23, $0x3  }
0x12: {  	s18 =	sshrl.u32 s25, $0x3;
	s25 =	simm.s32 $0x1;
	[dreg:$0x6] =	wrdreg s13  }
0x13: {  	s5 =	sadd.s32 s5, s8;
	s11 =	sadd.s32 s11, s1;
	[dreg:$0x9] =	wrdreg s26  }
0x14: {  	s8 =	sor.u32 $0x1C09, s24;
	[dreg:$0xc] =	wrdreg s0;
	s24 =	simm.s32 $0xDD00  }
0x15: {  	s0 =	simm.s32 $0x3;
	s26 =	simm.s32 $0x6;
	s13 =	simm.s32 $0x9C00  }
0x16: {  	s9 =	sshll.u32 s5, $0x4;
	s5 =	sadd.s32 $0x17A00, s1;
	s30 =	sadd.s32 $0x61E00, s11  }
0x17: {  	s11 =	simm.s32 $0x9B00;
	s9 =	sadd.s32 $0xFFFFFE80, s9;
	[dreg:$0xa] =	wrdreg s30  }
0x18: {  	s12 =	sadd.s32 s9, s1;
	s1 =	sadd.s32 s14, s1;
	s6 =	sadd.s32 s6, s9  }
0x19: {  	s9 =	simm.s32 $0x8;
	s12 =	sadd.s32 $0x4000, s12;
	[dreg:$0x8] =	wrdreg s6  }
0x1a: {  	s14 =	simm.s32 $0x0;
	s1 =	sadd.s32 $0x57E00, s1;
	[dreg:$0x7] =	wrdreg s12  }
0x1b: {  	[dreg:$0xb] =	wrdreg s1;
	s1 =	simm.s32 $0x4;
	s12 =	simm.s32 $0x9B80  }
.LBB2_1:
0x1c: {  	s6 =	rddreg [dreg:$0x6]  }
0x1d: {  	[spmem:s15], [sflag:s8] =	dma.local [hbm:s6], $0x1400  }
0x1e: {  	_ =	swait.ge [sflag:s16], $0x1400  }
0x1f: {  	[sflag:s16] =	ssyncset.done $0x0  }
0x20: {  	s23 =	rddreg [dreg:$0x7];
	[sflag:s16] =	ssyncadd.s32 $0xFFFFEC00  }
0x21: {  	[tilespmem:s4], [sflag:$0x9] =	stream.linear.gather [hbm4b:s23+s4], $0x4E80, $0x38;
	[tilespmem:$0x1ED00] =	vst v63  }
0x22: {  	_ =	swait.ge [sflag:s16], $0x4E80  }
0x23: {  	[sflag:s16] =	ssyncset.done $0x0  }
0x24: {  	s10 =	rddreg [dreg:$0x8];
	[sflag:s16] =	ssyncadd.s32 $0xFFFFB180  }
0x25: {  	[tilespmem:s17], [sflag:$0x9] =	stream.linear.gather [hbm4b:s10+s4], $0x4E80, $0x38;
	[tilespmem:$0x1ED00] =	vst v63  }
0x26: {  	_ =	swait.ge [sflag:s16], $0x4E80  }
0x27: {  	[sflag:s16] =	ssyncset.done $0x0  }
0x28: {  	s23 =	rddreg [dreg:$0x9];
	[sflag:s16] =	ssyncadd.s32 $0xFFFFB180  }
0x29: {  	[spmem:s18], [sflag:s8] =	dma.local [hbm:s23], $0x500  }
0x2a: {  	_ =	swait.ge [sflag:s16], $0x500  }
0x2b: {  	[sflag:s16] =	ssyncset.done $0x0  }
0x2c: {  	s10 =	rddreg [dreg:$0x5];
	[sflag:s16] =	ssyncadd.s32 $0xFFFFFB00  }
0x2d: {  	[tilespmem:s19], [sflag:$0x9] =	stream.linear.gather [hbm4b:s10+s4], $0x800, $0x38;
	[tilespmem:$0x1ED00] =	vst v63  }
0x2e: {  	_ =	swait.ge [sflag:s16], $0x800  }
0x2f: {  	[sflag:s16] =	ssyncset.done $0x0  }
0x30: {  	[sflag:s16] =	ssyncadd.s32 $0xFFFFF800  }
0x31: {  	[bflag:$0x0] =	sbarrier.arrive $0xFFFF  }
0x32: {  	[tilespmem:s21], [sflag:$0x1] =	stream.indirect.gather [hbm4b:s5+s20], $0x40, s4, s20, $0xb8;
	[tilespmem:$0x1ED00] =	vst v63  }
0x33: {  	_ = 	snop  }
0x34: {  	[tilespmem:s22], [sflag:$0x2] =	stream.indirect.gather [hbm4b:s5+s20], $0x40, s20, s20, $0xb8;
	[tilespmem:$0x1ED00] =	vst v63  }
0x35: {  	s23 =	simm.s32 $0x100  }
0x36: {  	[tilespmem:s24], [sflag:$0x3] =	stream.indirect.gather [hbm4b:s5+s20], $0x40, s23, s20, $0xb8;
	[tilespmem:$0x1ED00] =	vst v63  }
0x37: {  	_ =	swait.ge [sflag:s25], $0x2000  }
0x38: {  	[sflag:s25] =	ssyncset.done $0x0  }
0x39: {  	[sflag:s25] =	ssyncadd.s32 $0xFFFFE000  }
0x3a: {  	[spmem:s3] =	stream.indirect.scatter.add.f32 [tilespmem:s19], [sflag:$0x9], $0x10, s17, s20, $0xb8;
	[tilespmem:$0x1ED00] =	vst v63  }
0x3b: {  	_ =	swait.ge [sflag:s16], $0x800  }
0x3c: {  	[sflag:s16] =	ssyncset.done $0x0  }
0x3d: {  	[sflag:s16] =	ssyncadd.s32 $0xFFFFF800  }
0x3e: {  	[spmem:s2] =	stream.indirect.scatter.add.f32 [tilespmem:s21], [sflag:$0x5], $0x40, s17, s20, $0xb8;
	[tilespmem:$0x1ED00] =	vst v63  }
0x3f: {  	s10 =	simm.s32 $0x180  }
0x40: {  	[tilespmem:s28], [sflag:$0x4] =	stream.indirect.gather [hbm4b:s5+s20], $0x40, s10, s20, $0xb8;
	[tilespmem:$0x1ED00] =	vst v63  }
0x41: {  	_ =	swait.ge [sflag:s29], $0x2000  }
0x42: {  	[sflag:s29] =	ssyncset.done $0x0  }
0x43: {  	s23 =	simm.s32 $0x4F00;
	[sflag:s29] =	ssyncadd.s32 $0xFFFFE000  }
0x44: {  	[spmem:s3] =	stream.indirect.scatter.add.f32 [tilespmem:s19], [sflag:$0x9], $0x10, s23, s20, $0xb8;
	[tilespmem:$0x1ED00] =	vst v63  }
0x45: {  	_ =	swait.ge [sflag:s16], $0x800  }
0x46: {  	[sflag:s16] =	ssyncset.done $0x0  }
0x47: {  	[sflag:s16] =	ssyncadd.s32 $0xFFFFF800  }
0x48: {  	[spmem:s2] =	stream.indirect.scatter.add.f32 [tilespmem:s22], [sflag:$0x6], $0x40, s23, s20, $0xb8;
	[tilespmem:$0x1ED00] =	vst v63  }
0x49: {  	_ =	swait.ge [sflag:s31], $0x2000  }
0x4a: {  	[sflag:s31] =	ssyncset.done $0x0  }
0x4b: {  	s10 =	simm.s32 $0x200;
	[sflag:s31] =	ssyncadd.s32 $0xFFFFE000  }
0x4c: {  	[tilespmem:s21], [sflag:$0x1] =	stream.indirect.gather [hbm4b:s5+s20], $0x40, s10, s20, $0xb8;
	[tilespmem:$0x1ED00] =	vst v63  }
0x4d: {  	_ =	swait.ge [sflag:s0], $0x2000  }
0x4e: {  	[sflag:s0] =	ssyncset.done $0x0  }
0x4f: {  	s23 =	simm.s32 $0x4F80;
	[sflag:s0] =	ssyncadd.s32 $0xFFFFE000  }
0x50: {  	[spmem:s3] =	stream.indirect.scatter.add.f32 [tilespmem:s19], [sflag:$0x9], $0x10, s23, s20, $0xb8;
	[tilespmem:$0x1ED00] =	vst v63  }
0x51: {  	_ =	swait.ge [sflag:s16], $0x800  }
0x52: {  	[sflag:s16] =	ssyncset.done $0x0  }
0x53: {  	[sflag:s16] =	ssyncadd.s32 $0xFFFFF800  }
0x54: {  	[spmem:s2] =	stream.indirect.scatter.add.f32 [tilespmem:s24], [sflag:$0x7], $0x40, s23, s20, $0xb8;
	[tilespmem:$0x1ED00] =	vst v63  }
0x55: {  	_ =	swait.ge [sflag:s26], $0x2000  }
0x56: {  	[sflag:s26] =	ssyncset.done $0x0  }
0x57: {  	s10 =	simm.s32 $0x280;
	[sflag:s26] =	ssyncadd.s32 $0xFFFFE000  }
0x58: {  	[tilespmem:s22], [sflag:$0x2] =	stream.indirect.gather [hbm4b:s5+s20], $0x40, s10, s20, $0xb8;
	[tilespmem:$0x1ED00] =	vst v63  }
0x59: {  	_ =	swait.ge [sflag:s1], $0x2000  }
0x5a: {  	[sflag:s1] =	ssyncset.done $0x0  }
0x5b: {  	s23 =	simm.s32 $0x5000;
	[sflag:s1] =	ssyncadd.s32 $0xFFFFE000  }
0x5c: {  	[spmem:s3] =	stream.indirect.scatter.add.f32 [tilespmem:s19], [sflag:$0x9], $0x10, s23, s20, $0xb8;
	[tilespmem:$0x1ED00] =	vst v63  }
0x5d: {  	_ =	swait.ge [sflag:s16], $0x800  }
0x5e: {  	[sflag:s16] =	ssyncset.done $0x0  }
0x5f: {  	[sflag:s16] =	ssyncadd.s32 $0xFFFFF800  }
0x60: {  	[spmem:s2] =	stream.indirect.scatter.add.f32 [tilespmem:s28], [sflag:$0x8], $0x40, s23, s20, $0xb8;
	[tilespmem:$0x1ED00] =	vst v63  }
0x61: {  	_ =	swait.ge [sflag:s7], $0x2000  }
0x62: {  	[sflag:s7] =	ssyncset.done $0x0  }
0x63: {  	s23 =	simm.s32 $0x300;
	[sflag:s7] =	ssyncadd.s32 $0xFFFFE000  }
0x64: {  	[tilespmem:s24], [sflag:$0x3] =	stream.indirect.gather [hbm4b:s5+s20], $0x40, s23, s20, $0xb8;
	[tilespmem:$0x1ED00] =	vst v63  }
0x65: {  	_ =	swait.ge [sflag:s25], $0x2000  }
0x66: {  	[sflag:s25] =	ssyncset.done $0x0  }
0x67: {  	s6 =	simm.s32 $0x5080;
	[sflag:s25] =	ssyncadd.s32 $0xFFFFE000  }
0x68: {  	[spmem:s3] =	stream.indirect.scatter.add.f32 [tilespmem:s19], [sflag:$0x9], $0x10, s6, s20, $0xb8;
	[tilespmem:$0x1ED00] =	vst v63  }
0x69: {  	_ =	swait.ge [sflag:s16], $0x800  }
0x6a: {  	[sflag:s16] =	ssyncset.done $0x0  }
0x6b: {  	[sflag:s16] =	ssyncadd.s32 $0xFFFFF800  }
0x6c: {  	[spmem:s2] =	stream.indirect.scatter.add.f32 [tilespmem:s21], [sflag:$0x5], $0x40, s6, s20, $0xb8;
	[tilespmem:$0x1ED00] =	vst v63  }
0x6d: {  	_ =	swait.ge [sflag:s9], $0x2000  }
0x6e: {  	[sflag:s9] =	ssyncset.done $0x0  }
0x6f: {  	s10 =	simm.s32 $0x380;
	[sflag:s9] =	ssyncadd.s32 $0xFFFFE000  }
0x70: {  	[tilespmem:s28], [sflag:$0x4] =	stream.indirect.gather [hbm4b:s5+s20], $0x40, s10, s20, $0xb8;
	[tilespmem:$0x1ED00] =	vst v63  }
0x71: {  	_ =	swait.ge [sflag:s29], $0x2000  }
0x72: {  	[sflag:s29] =	ssyncset.done $0x0  }
0x73: {  	s6 =	simm.s32 $0x5100;
	[sflag:s29] =	ssyncadd.s32 $0xFFFFE000  }
0x74: {  	[spmem:s3] =	stream.indirect.scatter.add.f32 [tilespmem:s19], [sflag:$0x9], $0x10, s6, s20, $0xb8;
	[tilespmem:$0x1ED00] =	vst v63  }
0x75: {  	_ =	swait.ge [sflag:s16], $0x800  }
0x76: {  	[sflag:s16] =	ssyncset.done $0x0  }
0x77: {  	[sflag:s16] =	ssyncadd.s32 $0xFFFFF800  }
0x78: {  	[spmem:s2] =	stream.indirect.scatter.add.f32 [tilespmem:s22], [sflag:$0x6], $0x40, s6, s20, $0xb8;
	[tilespmem:$0x1ED00] =	vst v63  }
0x79: {  	_ =	swait.ge [sflag:s31], $0x2000  }
0x7a: {  	[sflag:s31] =	ssyncset.done $0x0  }
0x7b: {  	s10 =	simm.s32 $0x400;
	[sflag:s31] =	ssyncadd.s32 $0xFFFFE000  }
0x7c: {  	[tilespmem:s21], [sflag:$0x1] =	stream.indirect.gather [hbm4b:s5+s20], $0x40, s10, s20, $0xb8;
	[tilespmem:$0x1ED00] =	vst v63  }
0x7d: {  	_ =	swait.ge [sflag:s0], $0x2000  }
0x7e: {  	[sflag:s0] =	ssyncset.done $0x0  }
0x7f: {  	s6 =	simm.s32 $0x5180;
	[sflag:s0] =	ssyncadd.s32 $0xFFFFE000  }
0x80: {  	[spmem:s3] =	stream.indirect.scatter.add.f32 [tilespmem:s19], [sflag:$0x9], $0x10, s6, s20, $0xb8;
	[tilespmem:$0x1ED00] =	vst v63  }
0x81: {  	_ =	swait.ge [sflag:s16], $0x800  }
0x82: {  	[sflag:s16] =	ssyncset.done $0x0  }
0x83: {  	[sflag:s16] =	ssyncadd.s32 $0xFFFFF800  }
0x84: {  	[spmem:s2] =	stream.indirect.scatter.add.f32 [tilespmem:s24], [sflag:$0x7], $0x40, s6, s20, $0xb8;
	[tilespmem:$0x1ED00] =	vst v63  }
0x85: {  	_ =	swait.ge [sflag:s26], $0x2000  }
0x86: {  	[sflag:s26] =	ssyncset.done $0x0  }
0x87: {  	s10 =	simm.s32 $0x480;
	[sflag:s26] =	ssyncadd.s32 $0xFFFFE000  }
0x88: {  	[tilespmem:s22], [sflag:$0x2] =	stream.indirect.gather [hbm4b:s5+s20], $0x40, s10, s20, $0xb8;
	[tilespmem:$0x1ED00] =	vst v63  }
0x89: {  	_ =	swait.ge [sflag:s1], $0x2000  }
0x8a: {  	[sflag:s1] =	ssyncset.done $0x0  }
0x8b: {  	s23 =	simm.s32 $0x5200;
	[sflag:s1] =	ssyncadd.s32 $0xFFFFE000  }
0x8c: {  	[spmem:s3] =	stream.indirect.scatter.add.f32 [tilespmem:s19], [sflag:$0x9], $0x10, s23, s20, $0xb8;
	[tilespmem:$0x1ED00] =	vst v63  }
0x8d: {  	_ =	swait.ge [sflag:s16], $0x800  }
0x8e: {  	[sflag:s16] =	ssyncset.done $0x0  }
0x8f: {  	s30 =	simm.s32 $0x800;
	[sflag:s16] =	ssyncadd.s32 $0xFFFFF800  }
.LBB2_2:
0x90: {  	[spmem:s2] =	stream.indirect.scatter.add.f32 [tilespmem:s28], [sflag:$0x8], $0x40, s23, s20, $0xb8;
	[tilespmem:$0x1ED00] =	vst v63  }
0x91: {  	s23 =	smov.u32 s30  }
0x92: {  	p1 =	sne.s32 s30, $0x12000;
	s30 =	sadd.s32 $0x800, s30;
	_ =	swait.ge [sflag:s7], $0x2000  }
0x93: {  	s23 =	sshra.s32 s23, $0x2;
	[sflag:s7] =	ssyncset.done $0x0  }
0x94: {  	s6 =	sadd.s32 $0x300, s23;
	[sflag:s7] =	ssyncadd.s32 $0xFFFFE000  }
0x95: {  	[tilespmem:s24], [sflag:$0x3] =	stream.indirect.gather [hbm4b:s5+s20], $0x40, s6, s20, $0xb8;
	[tilespmem:$0x1ED00] =	vst v63  }
0x96: {  	_ =	swait.ge [sflag:s25], $0x2000  }
0x97: {  	[sflag:s25] =	ssyncset.done $0x0  }
0x98: {  	s6 =	sadd.s32 $0x5080, s23;
	[sflag:s25] =	ssyncadd.s32 $0xFFFFE000  }
0x99: {  	[spmem:s3] =	stream.indirect.scatter.add.f32 [tilespmem:s19], [sflag:$0x9], $0x10, s6, s20, $0xb8;
	[tilespmem:$0x1ED00] =	vst v63  }
0x9a: {  	_ =	swait.ge [sflag:s16], $0x800  }
0x9b: {  	[sflag:s16] =	ssyncset.done $0x0  }
0x9c: {  	[sflag:s16] =	ssyncadd.s32 $0xFFFFF800  }
0x9d: {  	[spmem:s2] =	stream.indirect.scatter.add.f32 [tilespmem:s21], [sflag:$0x5], $0x40, s6, s20, $0xb8;
	[tilespmem:$0x1ED00] =	vst v63  }
0x9e: {  	_ =	swait.ge [sflag:s9], $0x2000  }
0x9f: {  	[sflag:s9] =	ssyncset.done $0x0  }
0xa0: {  	s6 =	sadd.s32 $0x380, s23;
	[sflag:s9] =	ssyncadd.s32 $0xFFFFE000  }
0xa1: {  	[tilespmem:s28], [sflag:$0x4] =	stream.indirect.gather [hbm4b:s5+s20], $0x40, s6, s20, $0xb8;
	[tilespmem:$0x1ED00] =	vst v63  }
0xa2: {  	_ =	swait.ge [sflag:s29], $0x2000  }
0xa3: {  	[sflag:s29] =	ssyncset.done $0x0  }
0xa4: {  	s6 =	sadd.s32 $0x5100, s23;
	[sflag:s29] =	ssyncadd.s32 $0xFFFFE000  }
0xa5: {  	[spmem:s3] =	stream.indirect.scatter.add.f32 [tilespmem:s19], [sflag:$0x9], $0x10, s6, s20, $0xb8;
	[tilespmem:$0x1ED00] =	vst v63  }
0xa6: {  	_ =	swait.ge [sflag:s16], $0x800  }
0xa7: {  	[sflag:s16] =	ssyncset.done $0x0  }
0xa8: {  	[sflag:s16] =	ssyncadd.s32 $0xFFFFF800  }
0xa9: {  	[spmem:s2] =	stream.indirect.scatter.add.f32 [tilespmem:s22], [sflag:$0x6], $0x40, s6, s20, $0xb8;
	[tilespmem:$0x1ED00] =	vst v63  }
0xaa: {  	_ =	swait.ge [sflag:s31], $0x2000  }
0xab: {  	[sflag:s31] =	ssyncset.done $0x0  }
0xac: {  	s6 =	sadd.s32 $0x400, s23;
	[sflag:s31] =	ssyncadd.s32 $0xFFFFE000  }
0xad: {  	[tilespmem:s21], [sflag:$0x1] =	stream.indirect.gather [hbm4b:s5+s20], $0x40, s6, s20, $0xb8;
	[tilespmem:$0x1ED00] =	vst v63  }
0xae: {  	_ =	swait.ge [sflag:s0], $0x2000  }
0xaf: {  	[sflag:s0] =	ssyncset.done $0x0  }
0xb0: {  	s6 =	sadd.s32 $0x5180, s23;
	[sflag:s0] =	ssyncadd.s32 $0xFFFFE000  }
0xb1: {  	[spmem:s3] =	stream.indirect.scatter.add.f32 [tilespmem:s19], [sflag:$0x9], $0x10, s6, s20, $0xb8;
	[tilespmem:$0x1ED00] =	vst v63  }
0xb2: {  	_ =	swait.ge [sflag:s16], $0x800  }
0xb3: {  	[sflag:s16] =	ssyncset.done $0x0  }
0xb4: {  	[sflag:s16] =	ssyncadd.s32 $0xFFFFF800  }
0xb5: {  	[spmem:s2] =	stream.indirect.scatter.add.f32 [tilespmem:s24], [sflag:$0x7], $0x40, s6, s20, $0xb8;
	[tilespmem:$0x1ED00] =	vst v63  }
0xb6: {  	_ =	swait.ge [sflag:s26], $0x2000  }
0xb7: {  	[sflag:s26] =	ssyncset.done $0x0  }
0xb8: {  	s6 =	sadd.s32 $0x480, s23;
	[sflag:s26] =	ssyncadd.s32 $0xFFFFE000  }
0xb9: {  	[tilespmem:s22], [sflag:$0x2] =	stream.indirect.gather [hbm4b:s5+s20], $0x40, s6, s20, $0xb8;
	[tilespmem:$0x1ED00] =	vst v63  }
0xba: {  	_ =	swait.ge [sflag:s1], $0x2000  }
0xbb: {  	[sflag:s1] =	ssyncset.done $0x0  }
.Ltmp0:
0xbc: {  	s23 =	sadd.s32 $0x5200, s23;
	[sflag:s1] =	ssyncadd.s32 $0xFFFFE000;
	(pc) =	sbr.rel @p1 .LBB2_2-.Ltmp0, $4  }
0xbd: {  	[spmem:s3] =	stream.indirect.scatter.add.f32 [tilespmem:s19], [sflag:$0x9], $0x10, s23, s20, $0xb8;
	[tilespmem:$0x1ED00] =	vst v63  }
0xbe: {  	_ =	swait.ge [sflag:s16], $0x800  }
0xbf: {  	[sflag:s16] =	ssyncset.done $0x0  }
0xc0: {  	[sflag:s16] =	ssyncadd.s32 $0xFFFFF800  }
0xc1: {  	[spmem:s2] =	stream.indirect.scatter.add.f32 [tilespmem:s28], [sflag:$0x8], $0x40, s23, s20, $0xb8;
	[tilespmem:$0x1ED00] =	vst v63  }
0xc2: {  	_ =	swait.ge [sflag:s7], $0x2000  }
0xc3: {  	[sflag:s7] =	ssyncset.done $0x0  }
0xc4: {  	s6 =	simm.s32 $0x4D00;
	[sflag:s7] =	ssyncadd.s32 $0xFFFFE000  }
0xc5: {  	[tilespmem:s24], [sflag:$0x3] =	stream.indirect.gather [hbm4b:s5+s20], $0x40, s6, s20, $0xb8;
	[tilespmem:$0x1ED00] =	vst v63  }
0xc6: {  	_ =	swait.ge [sflag:s25], $0x2000  }
0xc7: {  	[sflag:s25] =	ssyncset.done $0x0  }
0xc8: {  	s23 =	simm.s32 $0x9A80;
	[sflag:s25] =	ssyncadd.s32 $0xFFFFE000  }
0xc9: {  	[spmem:s3] =	stream.indirect.scatter.add.f32 [tilespmem:s19], [sflag:$0x9], $0x10, s23, s20, $0xb8;
	[tilespmem:$0x1ED00] =	vst v63  }
0xca: {  	_ =	swait.ge [sflag:s16], $0x800  }
0xcb: {  	[sflag:s16] =	ssyncset.done $0x0  }
0xcc: {  	[sflag:s16] =	ssyncadd.s32 $0xFFFFF800  }
0xcd: {  	[spmem:s2] =	stream.indirect.scatter.add.f32 [tilespmem:s21], [sflag:$0x5], $0x40, s23, s20, $0xb8;
	[tilespmem:$0x1ED00] =	vst v63  }
0xce: {  	_ =	swait.ge [sflag:s9], $0x2000  }
0xcf: {  	[sflag:s9] =	ssyncset.done $0x0  }
0xd0: {  	s30 =	simm.s32 $0x4D80;
	[sflag:s9] =	ssyncadd.s32 $0xFFFFE000  }
0xd1: {  	[tilespmem:s28], [sflag:$0x4] =	stream.indirect.gather [hbm4b:s5+s20], $0x40, s30, s20, $0xb8;
	[tilespmem:$0x1ED00] =	vst v63  }
0xd2: {  	_ =	swait.ge [sflag:s29], $0x2000  }
0xd3: {  	[sflag:s29] =	ssyncset.done $0x0  }
0xd4: {  	[sflag:s29] =	ssyncadd.s32 $0xFFFFE000  }
0xd5: {  	[spmem:s3] =	stream.indirect.scatter.add.f32 [tilespmem:s19], [sflag:$0x9], $0x10, s11, s20, $0xb8;
	[tilespmem:$0x1ED00] =	vst v63  }
0xd6: {  	_ =	swait.ge [sflag:s16], $0x800  }
0xd7: {  	[sflag:s16] =	ssyncset.done $0x0  }
0xd8: {  	[sflag:s16] =	ssyncadd.s32 $0xFFFFF800  }
0xd9: {  	[spmem:s2] =	stream.indirect.scatter.add.f32 [tilespmem:s22], [sflag:$0x6], $0x40, s11, s20, $0xb8;
	[tilespmem:$0x1ED00] =	vst v63  }
0xda: {  	_ =	swait.ge [sflag:s31], $0x2000  }
0xdb: {  	[sflag:s31] =	ssyncset.done $0x0  }
0xdc: {  	[sflag:s31] =	ssyncadd.s32 $0xFFFFE000  }
0xdd: {  	_ =	swait.ge [sflag:s0], $0x2000  }
0xde: {  	[sflag:s0] =	ssyncset.done $0x0  }
0xdf: {  	[sflag:s0] =	ssyncadd.s32 $0xFFFFE000  }
0xe0: {  	[spmem:s3] =	stream.indirect.scatter.add.f32 [tilespmem:s19], [sflag:$0x9], $0x10, s12, s20, $0xb8;
	[tilespmem:$0x1ED00] =	vst v63  }
0xe1: {  	_ =	swait.ge [sflag:s16], $0x800  }
0xe2: {  	[sflag:s16] =	ssyncset.done $0x0  }
0xe3: {  	[sflag:s16] =	ssyncadd.s32 $0xFFFFF800  }
0xe4: {  	[spmem:s2] =	stream.indirect.scatter.add.f32 [tilespmem:s24], [sflag:$0x7], $0x40, s12, s20, $0xb8;
	[tilespmem:$0x1ED00] =	vst v63  }
0xe5: {  	_ =	swait.ge [sflag:s26], $0x2000  }
0xe6: {  	[sflag:s26] =	ssyncset.done $0x0  }
0xe7: {  	[sflag:s26] =	ssyncadd.s32 $0xFFFFE000  }
0xe8: {  	_ =	swait.ge [sflag:s1], $0x2000  }
0xe9: {  	[sflag:s1] =	ssyncset.done $0x0  }
0xea: {  	[sflag:s1] =	ssyncadd.s32 $0xFFFFE000  }
0xeb: {  	[spmem:s3] =	stream.indirect.scatter.add.f32 [tilespmem:s19], [sflag:$0x9], $0x10, s13, s20, $0xb8;
	[tilespmem:$0x1ED00] =	vst v63  }
0xec: {  	_ =	swait.ge [sflag:s16], $0x800  }
0xed: {  	[sflag:s16] =	ssyncset.done $0x0  }
0xee: {  	[sflag:s16] =	ssyncadd.s32 $0xFFFFF800  }
0xef: {  	[spmem:s2] =	stream.indirect.scatter.add.f32 [tilespmem:s28], [sflag:$0x8], $0x40, s13, s20, $0xb8;
	[tilespmem:$0x1ED00] =	vst v63  }
0xf0: {  	_ =	swait.ge [sflag:s7], $0x2000  }
0xf1: {  	[sflag:s7] =	ssyncset.done $0x0  }
0xf2: {  	[sflag:s7] =	ssyncadd.s32 $0xFFFFE000  }
0xf3: {  	_ =	swait.ge [sflag:s9], $0x2000  }
0xf4: {  	s6 =	simm.s32 @!p0 $0x80;
	[sflag:s9] =	ssyncset.done $0x0  }
0xf5: {  	s23 =	simm.s32 @!p0 $0x4E00;
	s30 =	simm.s32 @!p0 $0x9D00;
	[sflag:s9] =	ssyncadd.s32 $0xFFFFE000  }
0xf6: {  	[tilespmem:s30], [sflag:$0x1] =	stream.indirect.gather @!p0 [hbm4b:s5+s6], $0x40, s23, s6, $0xb8;
	[tilespmem:$0x1ED00] =	vst v63  }
0xf7: {  	s23 =	simm.s32 @!p0 $0x1  }
0xf8: {  	_ =	swait.ge @!p0 [sflag:s23], $0x2000  }
0xf9: {  	[sflag:s23] =	ssyncset.done @!p0 $0x0  }
0xfa: {  	s10 =	simm.s32 @!p0 $0x1BD00;
	[sflag:s23] =	ssyncadd.s32 @!p0 $0xFFFFE000;
	s23 =	simm.s32 @!p0 $0x9C80  }
0xfb: {  	[spmem:s3] =	stream.indirect.scatter.add.f32 @!p0 [tilespmem:s10], [sflag:$0x9], $0x10, s23, s6, $0xb8;
	[tilespmem:$0x1ED00] =	vst v63  }
0xfc: {  	s10 =	simm.s32 @!p0 $0x9  }
0xfd: {  	_ =	swait.ge @!p0 [sflag:s10], $0x800  }
0xfe: {  	[sflag:s10] =	ssyncset.done @!p0 $0x0  }
0xff: {  	[sflag:s10] =	ssyncadd.s32 @!p0 $0xFFFFF800  }
0x100: {  	[spmem:s2] =	stream.indirect.scatter.add.f32 @!p0 [tilespmem:s30], [sflag:$0x5], $0x40, s23, s6, $0xb8;
	[tilespmem:$0x1ED00] =	vst v63  }
0x101: {  	s6 =	simm.s32 @!p0 $0x5  }
0x102: {  	_ =	swait.ge @!p0 [sflag:s6], $0x2000  }
0x103: {  	[sflag:s6] =	ssyncset.done @!p0 $0x0  }
0x104: {  	[sflag:s6] =	ssyncadd.s32 @!p0 $0xFFFFE000  }
0x105: {  	[bflag:$0x0] =	sbarrier.arrive $0xFFFF  }
0x106: {  	s10 =	rddreg [dreg:$0xa]  }
0x107: {  	[hbm:s10], [sflag:s8] =	dma.local [spmem:s15], $0x1400  }
0x108: {  	_ =	swait.ge [sflag:s16], $0x1400  }
0x109: {  	[sflag:s16] =	ssyncset.done $0x0  }
0x10a: {  	s23 =	rddreg [dreg:$0xb];
	[sflag:s16] =	ssyncadd.s32 $0xFFFFEC00  }
0x10b: {  	[hbm:s23], [sflag:s8] =	dma.local [spmem:s18], $0x500  }
0x10c: {  	_ =	swait.ge [sflag:s16], $0x500  }
0x10d: {  	s14 =	sadd.s32 $0x1, s14;
	s30 =	rddreg [dreg:$0xc]  }
0x10e: {  	p1 =	sne.s32 s14, s30  }
.Ltmp1:
0x10f: {  	_ = 	snop;
	(pc) =	sbr.rel @p1 .LBB2_1-.Ltmp1, $3  }
0x110: {  	_ =	sdelay $0x1  }
0x111: {  	[sflag:s16] =	ssyncset.done $0x0  }
0x112: {  	[sflag:s16] =	ssyncadd.s32 $0xFFFFFB00  }
0x113: {  	_ =	sfence.sel $0x180000  }
0x114: {  	[bflag:$0x0] =	sbarrier.arrive $0xFFFF  }
0x115: {  	_ =	strace $0x90000047  }
0x116: {  	s0 =	stileid.u32;
	[bflag:$0x2] =	sbarrier.arrive $0xFFFF  }
0x117: {  	p0 =	sne.s32 s0, $0x0;
	s0 =	rddreg [dreg:$0x4]  }
0x118: {  	s0 =	sadd.s32 @!p0 $0x100000, s0  }
0x119: {  	[sflag:s0] =	ssyncadd.tile.s32 @!p0 $0x1;
	_ =	shalt  }
.Lfunc_end2:
_tile_overlayer_lowered:
.L_overlay_start_2:
0x11a: {  	(tag) =	ssettag $0x2  }
0x11b: {  	s0 =	rddreg [dreg:$0x0];
	s2 =	stileid.u32  }
0x11c: {  	s1 =	rddreg [dreg:$0x1];
	p0 =	sne.s32 s2, $0x0  }
0x11d: {  	s3 =	rddreg [dreg:$0x2];
	[bflag:$0x3] =	sbarrier.arrive $0xFFFF;
	s2 =	simm.s32 @!p0 $0x1C09  }
0x11e: {  	[timem:s3], [sflag:s2] =	dma.local @!p0 [hbm:s0], s1  }
0x11f: {  	s0 =	simm.s32 @!p0 $0x9  }
0x120: {  	_ =	swait.ge @!p0 [sflag:s0], s1  }
0x121: {  	s1 =	ssub.s32 @!p0 $0x0, s1;
	[sflag:s0] =	ssyncset.done @!p0 $0x0  }
0x122: {  	[sflag:s0] =	ssyncadd.s32 @!p0 s1  }
0x123: {  	[bflag:$0x3] =	sbarrier.arrive $0xFFFF  }
0x124: {  	_ =	shalt  }

</sc_bundles>
